<compile_context>
chip_gen: v7x
topology: tpu7x:2x2x1
jax: 0.10.2.dev20260603
libtpu: 0.0.44.dev20260713+nightly
codegen_flags: <defaults>
</compile_context>

<pallas_src>
import functools

import jax
import jax.numpy as jnp
from jax import lax
from jax.experimental import pallas as pl
from jax.experimental.pallas import tpu as pltpu
from jax.experimental.pallas import tpu_sc as plsc

_B, _V, _D = 256, 10475, 3
_E = 20908
_NC, _NS, _L = 2, 16, 16
_NW = _NC * _NS
_EC = 16
_EPT = 672
_EPAD = _NW * _EPT
_NCH = _EPT // _EC
_ROWS = 6 * _EC
_RPB = 3 * _EC
_KB = _B // _L


def _start_chunk(tabs, idx_v, c, buf, sem):
    for role in range(2):
        for d in range(_D):
            pltpu.async_copy(
                tabs[d].at[idx_v.at[c, role]],
                buf.at[pl.ds(role * _RPB + d * _EC, _EC)], sem)


def _wait_chunk(tabs, idx_v, c, buf, sem):
    for role in range(2):
        for d in range(_D):
            pltpu.make_async_copy(
                tabs[d].at[idx_v.at[c, role]],
                buf.at[pl.ds(role * _RPB + d * _EC, _EC)], sem).wait()


def _sc_body(gt0, gt1, gt2, est0, est1, est2, gi_hbm, ei_hbm, out_hbm,
             ga, gb, ea, eb, gi_v, ei_v, acc_v,
             sga, sgb, sea, seb):
    gts = (gt0, gt1, gt2)
    ests = (est0, est1, est2)
    wid = lax.axis_index("s") * _NC + lax.axis_index("c")
    pltpu.sync_copy(gi_hbm.at[wid], gi_v)
    pltpu.sync_copy(ei_hbm.at[wid], ei_v)
    acc_v[...] = jnp.zeros((_L,), jnp.float32)

    _start_chunk(gts, gi_v, 0, ga, sga)
    _start_chunk(ests, ei_v, 0, ea, sea)
    _start_chunk(gts, gi_v, 1, gb, sgb)
    _start_chunk(ests, ei_v, 1, eb, seb)

    @pl.loop(0, _NCH, step=2)
    def _ch(ch):
        for off, gbuf, ebuf, gsem, esem in (
                (0, ga, ea, sga, sea), (1, gb, eb, sgb, seb)):
            c = ch + off
            _wait_chunk(gts, gi_v, c, gbuf, gsem)
            _wait_chunk(ests, ei_v, c, ebuf, esem)

            zero = jnp.zeros((_L,), jnp.float32)

            @plsc.parallel_loop(0, _RPB, carry=(zero, zero, zero, zero),
                                unroll=2)
            def _pair(r, accs):
                accs = list(accs)
                for k in range(_KB // 2):
                    s = pl.ds(k * _L, _L)
                    bf = lambda w: plsc.bitcast(w, jnp.bfloat16)
                    t = ((bf(gbuf[r, s]) - bf(gbuf[r + _RPB, s]))
                         - (bf(ebuf[r, s]) - bf(ebuf[r + _RPB, s])))
                    a, b = plsc.unpack(t, format=plsc.PackFormat.INTERLEAVED,
                                       preferred_element_type=jnp.float32)
                    accs[(2 * k) % 4] = accs[(2 * k) % 4] + a * a
                    accs[(2 * k + 1) % 4] = accs[(2 * k + 1) % 4] + b * b
                return tuple(accs)

            acc_v[...] = (acc_v[...] + (_pair[0] + _pair[1])
                          + (_pair[2] + _pair[3]))

            nxt = c + 2

            @pl.when(nxt < _NCH)
            def _start_next():
                _start_chunk(gts, gi_v, nxt, gbuf, gsem)
                _start_chunk(ests, ei_v, nxt, ebuf, esem)

    acc_v[...] = acc_v[...] * jnp.float32(1.0 / _B)
    pltpu.sync_copy(acc_v, out_hbm.at[wid])


_sc_kernel = functools.partial(
    pl.kernel,
    out_type=jax.ShapeDtypeStruct((_NW, _L), jnp.float32),
    mesh=plsc.VectorSubcoreMesh(core_axis_name="c", subcore_axis_name="s",
                                num_cores=_NC, num_subcores=_NS),
    scratch_types=[
        pltpu.VMEM((_ROWS, _B // 2), jnp.int32),
        pltpu.VMEM((_ROWS, _B // 2), jnp.int32),
        pltpu.VMEM((_ROWS, _B // 2), jnp.int32),
        pltpu.VMEM((_ROWS, _B // 2), jnp.int32),
        pltpu.VMEM((_NCH, 2, _EC), jnp.int32),
        pltpu.VMEM((_NCH, 2, _EC), jnp.int32),
        pltpu.VMEM((_L,), jnp.float32),
        pltpu.SemaphoreType.DMA,
        pltpu.SemaphoreType.DMA,
        pltpu.SemaphoreType.DMA,
        pltpu.SemaphoreType.DMA,
    ],
    compiler_params=pltpu.CompilerParams(needs_layout_passes=False),
)(_sc_body)


def _endpoint_indices(conn):
    c = conn.astype(jnp.int32)
    pad = jnp.zeros((_EPAD - _E, 2), jnp.int32)
    c = jnp.concatenate([c, pad])
    c = c.reshape(_NW, _NCH, _EC, 2)
    return jnp.swapaxes(c, 2, 3)


@jax.jit
def kernel(gt_vertices, est_vertices, gt_connections, est_connections):
    def tables(x):
        out = []
        for d in range(_D):
            xt = x[:, :, d].T
            lo = lax.bitcast_convert_type(
                xt[:, :_B // 2].astype(jnp.bfloat16), jnp.uint16)
            hi = lax.bitcast_convert_type(
                xt[:, _B // 2:].astype(jnp.bfloat16), jnp.uint16)
            w = lo.astype(jnp.uint32) | (hi.astype(jnp.uint32) << 16)
            out.append(lax.bitcast_convert_type(w, jnp.int32))
        return out

    gts = tables(gt_vertices)
    ests = tables(est_vertices)
    gi = _endpoint_indices(gt_connections)
    ei = _endpoint_indices(est_connections)
    out = _sc_kernel(*gts, *ests, gi, ei)
    return jnp.sum(out)

# --- scband reference (transcript-rebuilt; emitter-appended) ---
"""Pipeline reference for scband-vertex-edge-loss-8512625181143 (READ-ONLY COPY).

The authoritative reference and input builder live on the scoring server;
editing this copy changes nothing except your own understanding.
"""

import jax, jax.numpy as jnp
import numpy as np

B, V, D = 256, 10475, 3
E = 20908

def setup_inputs(seed: int = 0) -> dict:
    key = jax.random.key(seed)
    k1, k2, k3, k4 = jax.random.split(key, 4)
    gt_vertices = jax.random.normal(k1, (B, V, D), dtype=jnp.float32)
    est_vertices = jax.random.normal(k2, (B, V, D), dtype=jnp.float32)
    gt_connections = jax.random.randint(k3, (E, 2), 0, V, dtype=jnp.int64 if jax.config.read('jax_enable_x64') else jnp.int32)
    est_connections = jax.random.randint(k4, (E, 2), 0, V, dtype=jnp.int64 if jax.config.read('jax_enable_x64') else jnp.int32)
    return {
        'gt_vertices': gt_vertices,
        'est_vertices': est_vertices,
        'gt_connections': gt_connections,
        'est_connections': est_connections,
    }

def _compute_edges(points, connections):
    # points: [B, V, D]; connections: [E, 2]
    start = jnp.take(points, connections[:, 0], axis=1)  # [B, E, D]
    end = jnp.take(points, connections[:, 1], axis=1)    # [B, E, D]
    return start - end

def reference(gt_vertices, est_vertices, gt_connections, est_connections):
    gt_edges = _compute_edges(gt_vertices, gt_connections)
    est_edges = _compute_edges(est_vertices, est_connections)
    raw_edge_diff = gt_edges - est_edges
    batch_size = gt_vertices.shape[0]
    # norm_type == 'l2' (note: original code uses the same squared formula for l1 too)
    loss = jnp.sum(jnp.sum(raw_edge_diff ** 2, axis=-1)) / batch_size
    return loss

if __name__ == "__main__":
    import jax
    _d = setup_inputs()
    print(jax.jit(kernel)(*tuple(_d.values())))

</pallas_src>

<mosaic_0001>
#map = affine_map<(d0, d1) -> (0, 0)>
#map1 = affine_map<(d0, d1) -> (0, 0, 0, 0)>
module attributes {stable_mosaic.version = 14 : i64} {
  func.func @_sc_body(%arg0: i32, %arg1: i32, %arg2: memref<10475x128xi32, #tpu.memory_space<hbm>>, %arg3: memref<10475x128xi32, #tpu.memory_space<hbm>>, %arg4: memref<10475x128xi32, #tpu.memory_space<hbm>>, %arg5: memref<10475x128xi32, #tpu.memory_space<hbm>>, %arg6: memref<10475x128xi32, #tpu.memory_space<hbm>>, %arg7: memref<10475x128xi32, #tpu.memory_space<hbm>>, %arg8: memref<32x42x2x16xi32, #tpu.memory_space<hbm>>, %arg9: memref<32x42x2x16xi32, #tpu.memory_space<hbm>>, %arg10: memref<32x16xf32, #tpu.memory_space<hbm>>, %arg11: memref<96x128xi32, #tpu.memory_space<vmem>>, %arg12: memref<96x128xi32, #tpu.memory_space<vmem>>, %arg13: memref<96x128xi32, #tpu.memory_space<vmem>>, %arg14: memref<96x128xi32, #tpu.memory_space<vmem>>, %arg15: memref<42x2x16xi32, #tpu.memory_space<vmem>>, %arg16: memref<42x2x16xi32, #tpu.memory_space<vmem>>, %arg17: memref<16xf32, #tpu.memory_space<vmem>>, %arg18: memref<!tpu.dma_semaphore, #tpu.memory_space<semaphore_mem>>, %arg19: memref<!tpu.dma_semaphore, #tpu.memory_space<semaphore_mem>>, %arg20: memref<!tpu.dma_semaphore, #tpu.memory_space<semaphore_mem>>, %arg21: memref<!tpu.dma_semaphore, #tpu.memory_space<semaphore_mem>>) attributes {dimension_semantics = [#tpu.dimension_semantics<core_parallel>, #tpu.dimension_semantics<subcore_parallel>], iteration_bounds = array<i64: 2, 16>, scalar_prefetch = 0 : i64, scratch_operands = 11 : i64, tpu.core_type = #tpu.core_type<sc_vector_subcore>, window_params = [{transform_indices = #map}, {transform_indices = #map}, {transform_indices = #map}, {transform_indices = #map}, {transform_indices = #map}, {transform_indices = #map}, {transform_indices = #map1}, {transform_indices = #map1}, {transform_indices = #map}]} {
    %mul3A = arith.constant 2 : i32
    %mul3A_0 = arith.muli %arg1, %mul3A : i32
    %add3A = arith.addi %mul3A_0, %arg0 : i32
    "tpu.region"() ({
      %run_scoped3A = tpu.sem_alloc : memref<!tpu.dma_semaphore, #tpu.memory_space<semaphore_mem>>
      %dma_start3A_276 = arith.constant 0 : i32
      %dma_start3A_277 = arith.constant 0 : i32
      %dma_start3A_278 = arith.constant 0 : i32
      %dma_start3A_279 = tpu.memref_slice %arg8[%add3A, %dma_start3A_276, %dma_start3A_277, %dma_start3A_278] : memref<32x42x2x16xi32, #tpu.memory_space<hbm>> -> memref<1x42x2x16xi32, #tpu.memory_space<hbm>>
      %dma_start3A_280 = tpu.memref_squeeze %dma_start3A_279 : memref<1x42x2x16xi32, #tpu.memory_space<hbm>> -> memref<42x2x16xi32, #tpu.memory_space<hbm>>
      %dma_start3A_281 = arith.constant 0 : i32
      %dma_start3A_282 = arith.constant 0 : i32
      %dma_start3A_283 = arith.constant 0 : i32
      %dma_start3A_284 = tpu.memref_slice %arg8[%add3A, %dma_start3A_281, %dma_start3A_282, %dma_start3A_283] : memref<32x42x2x16xi32, #tpu.memory_space<hbm>> -> memref<1x42x2x16xi32, #tpu.memory_space<hbm>>
      %dma_start3A_285 = tpu.memref_squeeze %dma_start3A_284 : memref<1x42x2x16xi32, #tpu.memory_space<hbm>> -> memref<42x2x16xi32, #tpu.memory_space<hbm>>
      tpu.enqueue_dma source(%dma_start3A_285 : memref<42x2x16xi32, #tpu.memory_space<hbm>>) target(%arg15 : memref<42x2x16xi32, #tpu.memory_space<vmem>>) target_semaphore(%run_scoped3A : memref<!tpu.dma_semaphore, #tpu.memory_space<semaphore_mem>>)
      %dma_wait3A = arith.constant 0 : i32
      %dma_wait3A_286 = arith.constant 0 : i32
      %dma_wait3A_287 = arith.constant 0 : i32
      %dma_wait3A_288 = tpu.memref_slice %arg8[%add3A, %dma_wait3A, %dma_wait3A_286, %dma_wait3A_287] : memref<32x42x2x16xi32, #tpu.memory_space<hbm>> -> memref<1x42x2x16xi32, #tpu.memory_space<hbm>>
      %dma_wait3A_289 = tpu.memref_squeeze %dma_wait3A_288 : memref<1x42x2x16xi32, #tpu.memory_space<hbm>> -> memref<42x2x16xi32, #tpu.memory_space<hbm>>
      %dma_wait3A_290 = arith.constant 0 : i32
      %dma_wait3A_291 = arith.constant 0 : i32
      %dma_wait3A_292 = arith.constant 0 : i32
      %dma_wait3A_293 = tpu.memref_slice %arg8[%add3A, %dma_wait3A_290, %dma_wait3A_291, %dma_wait3A_292] : memref<32x42x2x16xi32, #tpu.memory_space<hbm>> -> memref<1x42x2x16xi32, #tpu.memory_space<hbm>>
      %dma_wait3A_294 = tpu.memref_squeeze %dma_wait3A_293 : memref<1x42x2x16xi32, #tpu.memory_space<hbm>> -> memref<42x2x16xi32, #tpu.memory_space<hbm>>
      tpu.wait_dma2 semaphore(%run_scoped3A : memref<!tpu.dma_semaphore, #tpu.memory_space<semaphore_mem>>) src(%dma_wait3A_294 : memref<42x2x16xi32, #tpu.memory_space<hbm>>) dst(%arg15 : memref<42x2x16xi32, #tpu.memory_space<vmem>>)
      tpu.yield
    }) : () -> ()
    "tpu.region"() ({
      %run_scoped3A = tpu.sem_alloc : memref<!tpu.dma_semaphore, #tpu.memory_space<semaphore_mem>>
      %dma_start3A_276 = arith.constant 0 : i32
      %dma_start3A_277 = arith.constant 0 : i32
      %dma_start3A_278 = arith.constant 0 : i32
      %dma_start3A_279 = tpu.memref_slice %arg9[%add3A, %dma_start3A_276, %dma_start3A_277, %dma_start3A_278] : memref<32x42x2x16xi32, #tpu.memory_space<hbm>> -> memref<1x42x2x16xi32, #tpu.memory_space<hbm>>
      %dma_start3A_280 = tpu.memref_squeeze %dma_start3A_279 : memref<1x42x2x16xi32, #tpu.memory_space<hbm>> -> memref<42x2x16xi32, #tpu.memory_space<hbm>>
      %dma_start3A_281 = arith.constant 0 : i32
      %dma_start3A_282 = arith.constant 0 : i32
      %dma_start3A_283 = arith.constant 0 : i32
      %dma_start3A_284 = tpu.memref_slice %arg9[%add3A, %dma_start3A_281, %dma_start3A_282, %dma_start3A_283] : memref<32x42x2x16xi32, #tpu.memory_space<hbm>> -> memref<1x42x2x16xi32, #tpu.memory_space<hbm>>
      %dma_start3A_285 = tpu.memref_squeeze %dma_start3A_284 : memref<1x42x2x16xi32, #tpu.memory_space<hbm>> -> memref<42x2x16xi32, #tpu.memory_space<hbm>>
      tpu.enqueue_dma source(%dma_start3A_285 : memref<42x2x16xi32, #tpu.memory_space<hbm>>) target(%arg16 : memref<42x2x16xi32, #tpu.memory_space<vmem>>) target_semaphore(%run_scoped3A : memref<!tpu.dma_semaphore, #tpu.memory_space<semaphore_mem>>)
      %dma_wait3A = arith.constant 0 : i32
      %dma_wait3A_286 = arith.constant 0 : i32
      %dma_wait3A_287 = arith.constant 0 : i32
      %dma_wait3A_288 = tpu.memref_slice %arg9[%add3A, %dma_wait3A, %dma_wait3A_286, %dma_wait3A_287] : memref<32x42x2x16xi32, #tpu.memory_space<hbm>> -> memref<1x42x2x16xi32, #tpu.memory_space<hbm>>
      %dma_wait3A_289 = tpu.memref_squeeze %dma_wait3A_288 : memref<1x42x2x16xi32, #tpu.memory_space<hbm>> -> memref<42x2x16xi32, #tpu.memory_space<hbm>>
      %dma_wait3A_290 = arith.constant 0 : i32
      %dma_wait3A_291 = arith.constant 0 : i32
      %dma_wait3A_292 = arith.constant 0 : i32
      %dma_wait3A_293 = tpu.memref_slice %arg9[%add3A, %dma_wait3A_290, %dma_wait3A_291, %dma_wait3A_292] : memref<32x42x2x16xi32, #tpu.memory_space<hbm>> -> memref<1x42x2x16xi32, #tpu.memory_space<hbm>>
      %dma_wait3A_294 = tpu.memref_squeeze %dma_wait3A_293 : memref<1x42x2x16xi32, #tpu.memory_space<hbm>> -> memref<42x2x16xi32, #tpu.memory_space<hbm>>
      tpu.wait_dma2 semaphore(%run_scoped3A : memref<!tpu.dma_semaphore, #tpu.memory_space<semaphore_mem>>) src(%dma_wait3A_294 : memref<42x2x16xi32, #tpu.memory_space<hbm>>) dst(%arg16 : memref<42x2x16xi32, #tpu.memory_space<vmem>>)
      tpu.yield
    }) : () -> ()
    %broadcast_in_dim3A = arith.constant 0.000000e+00 : f32
    %broadcast_in_dim3A_1 = vector.broadcast %broadcast_in_dim3A : f32 to vector<16xf32>
    %swap3A = arith.constant 0 : index
    %swap3A_2 = tpu.vector_load %arg17[%swap3A] {strides = array<i32>} : memref<16xf32, #tpu.memory_space<vmem>>, vector<16xf32>,
    tpu.vector_store %arg17[%swap3A], %broadcast_in_dim3A_1 {strides = array<i32>} : memref<16xf32, #tpu.memory_space<vmem>>, vector<16xf32>,
    %dma_start3A = arith.constant 0 : i32
    %dma_start3A_3 = arith.constant 0 : i32
    %dma_start3A_4 = arith.constant 0 : i32
    %dma_start3A_5 = arith.constant 0 : i32
    %dma_start3A_6 = tpu.memref_slice %arg11[%dma_start3A_4, %dma_start3A_5] : memref<96x128xi32, #tpu.memory_space<vmem>> -> memref<16x128xi32, #tpu.memory_space<vmem>>
    %dma_start3A_7 = arith.constant 0 : i32
    %dma_start3A_8 = tpu.memref_slice %arg15[%dma_start3A, %dma_start3A_3, %dma_start3A_7] : memref<42x2x16xi32, #tpu.memory_space<vmem>> -> memref<1x1x16xi32, #tpu.memory_space<vmem>>
    %dma_start3A_9 = tpu.memref_squeeze %dma_start3A_8 : memref<1x1x16xi32, #tpu.memory_space<vmem>> -> memref<16xi32, #tpu.memory_space<vmem>>
    %dma_start3A_10 = arith.constant 0 : i32
    %dma_start3A_11 = arith.constant 0 : i32
    %dma_start3A_12 = tpu.memref_slice %arg2[%dma_start3A_10, %dma_start3A_11] : memref<10475x128xi32, #tpu.memory_space<hbm>> -> memref<10475x128xi32, #tpu.memory_space<hbm>>
    tpu.enqueue_indirect_dma source(%dma_start3A_12 : memref<10475x128xi32, #tpu.memory_space<hbm>>) target(%dma_start3A_6 : memref<16x128xi32, #tpu.memory_space<vmem>>) offsets(%dma_start3A_9 : memref<16xi32, #tpu.memory_space<vmem>>) semaphore(%arg18 : memref<!tpu.dma_semaphore, #tpu.memory_space<semaphore_mem>>)
    %dma_start3A_13 = arith.constant 0 : i32
    %dma_start3A_14 = arith.constant 0 : i32
    %dma_start3A_15 = arith.constant 16 : i32
    %dma_start3A_16 = arith.constant 0 : i32
    %dma_start3A_17 = tpu.memref_slice %arg11[%dma_start3A_15, %dma_start3A_16] : memref<96x128xi32, #tpu.memory_space<vmem>> -> memref<16x128xi32, #tpu.memory_space<vmem>>
    %dma_start3A_18 = arith.constant 0 : i32
    %dma_start3A_19 = tpu.memref_slice %arg15[%dma_start3A_13, %dma_start3A_14, %dma_start3A_18] : memref<42x2x16xi32, #tpu.memory_space<vmem>> -> memref<1x1x16xi32, #tpu.memory_space<vmem>>
    %dma_start3A_20 = tpu.memref_squeeze %dma_start3A_19 : memref<1x1x16xi32, #tpu.memory_space<vmem>> -> memref<16xi32, #tpu.memory_space<vmem>>
    %dma_start3A_21 = arith.constant 0 : i32
    %dma_start3A_22 = arith.constant 0 : i32
    %dma_start3A_23 = tpu.memref_slice %arg3[%dma_start3A_21, %dma_start3A_22] : memref<10475x128xi32, #tpu.memory_space<hbm>> -> memref<10475x128xi32, #tpu.memory_space<hbm>>
    tpu.enqueue_indirect_dma source(%dma_start3A_23 : memref<10475x128xi32, #tpu.memory_space<hbm>>) target(%dma_start3A_17 : memref<16x128xi32, #tpu.memory_space<vmem>>) offsets(%dma_start3A_20 : memref<16xi32, #tpu.memory_space<vmem>>) semaphore(%arg18 : memref<!tpu.dma_semaphore, #tpu.memory_space<semaphore_mem>>)
    %dma_start3A_24 = arith.constant 0 : i32
    %dma_start3A_25 = arith.constant 0 : i32
    %dma_start3A_26 = arith.constant 32 : i32
    %dma_start3A_27 = arith.constant 0 : i32
    %dma_start3A_28 = tpu.memref_slice %arg11[%dma_start3A_26, %dma_start3A_27] : memref<96x128xi32, #tpu.memory_space<vmem>> -> memref<16x128xi32, #tpu.memory_space<vmem>>
    %dma_start3A_29 = arith.constant 0 : i32
    %dma_start3A_30 = tpu.memref_slice %arg15[%dma_start3A_24, %dma_start3A_25, %dma_start3A_29] : memref<42x2x16xi32, #tpu.memory_space<vmem>> -> memref<1x1x16xi32, #tpu.memory_space<vmem>>
    %dma_start3A_31 = tpu.memref_squeeze %dma_start3A_30 : memref<1x1x16xi32, #tpu.memory_space<vmem>> -> memref<16xi32, #tpu.memory_space<vmem>>
    %dma_start3A_32 = arith.constant 0 : i32
    %dma_start3A_33 = arith.constant 0 : i32
    %dma_start3A_34 = tpu.memref_slice %arg4[%dma_start3A_32, %dma_start3A_33] : memref<10475x128xi32, #tpu.memory_space<hbm>> -> memref<10475x128xi32, #tpu.memory_space<hbm>>
    tpu.enqueue_indirect_dma source(%dma_start3A_34 : memref<10475x128xi32, #tpu.memory_space<hbm>>) target(%dma_start3A_28 : memref<16x128xi32, #tpu.memory_space<vmem>>) offsets(%dma_start3A_31 : memref<16xi32, #tpu.memory_space<vmem>>) semaphore(%arg18 : memref<!tpu.dma_semaphore, #tpu.memory_space<semaphore_mem>>)
    %dma_start3A_35 = arith.constant 0 : i32
    %dma_start3A_36 = arith.constant 1 : i32
    %dma_start3A_37 = arith.constant 48 : i32
    %dma_start3A_38 = arith.constant 0 : i32
    %dma_start3A_39 = tpu.memref_slice %arg11[%dma_start3A_37, %dma_start3A_38] : memref<96x128xi32, #tpu.memory_space<vmem>> -> memref<16x128xi32, #tpu.memory_space<vmem>>
    %dma_start3A_40 = arith.constant 0 : i32
    %dma_start3A_41 = tpu.memref_slice %arg15[%dma_start3A_35, %dma_start3A_36, %dma_start3A_40] : memref<42x2x16xi32, #tpu.memory_space<vmem>> -> memref<1x1x16xi32, #tpu.memory_space<vmem>>
    %dma_start3A_42 = tpu.memref_squeeze %dma_start3A_41 : memref<1x1x16xi32, #tpu.memory_space<vmem>> -> memref<16xi32, #tpu.memory_space<vmem>>
    %dma_start3A_43 = arith.constant 0 : i32
    %dma_start3A_44 = arith.constant 0 : i32
    %dma_start3A_45 = tpu.memref_slice %arg2[%dma_start3A_43, %dma_start3A_44] : memref<10475x128xi32, #tpu.memory_space<hbm>> -> memref<10475x128xi32, #tpu.memory_space<hbm>>
    tpu.enqueue_indirect_dma source(%dma_start3A_45 : memref<10475x128xi32, #tpu.memory_space<hbm>>) target(%dma_start3A_39 : memref<16x128xi32, #tpu.memory_space<vmem>>) offsets(%dma_start3A_42 : memref<16xi32, #tpu.memory_space<vmem>>) semaphore(%arg18 : memref<!tpu.dma_semaphore, #tpu.memory_space<semaphore_mem>>)
    %dma_start3A_46 = arith.constant 0 : i32
    %dma_start3A_47 = arith.constant 1 : i32
    %dma_start3A_48 = arith.constant 64 : i32
    %dma_start3A_49 = arith.constant 0 : i32
    %dma_start3A_50 = tpu.memref_slice %arg11[%dma_start3A_48, %dma_start3A_49] : memref<96x128xi32, #tpu.memory_space<vmem>> -> memref<16x128xi32, #tpu.memory_space<vmem>>
    %dma_start3A_51 = arith.constant 0 : i32
    %dma_start3A_52 = tpu.memref_slice %arg15[%dma_start3A_46, %dma_start3A_47, %dma_start3A_51] : memref<42x2x16xi32, #tpu.memory_space<vmem>> -> memref<1x1x16xi32, #tpu.memory_space<vmem>>
    %dma_start3A_53 = tpu.memref_squeeze %dma_start3A_52 : memref<1x1x16xi32, #tpu.memory_space<vmem>> -> memref<16xi32, #tpu.memory_space<vmem>>
    %dma_start3A_54 = arith.constant 0 : i32
    %dma_start3A_55 = arith.constant 0 : i32
    %dma_start3A_56 = tpu.memref_slice %arg3[%dma_start3A_54, %dma_start3A_55] : memref<10475x128xi32, #tpu.memory_space<hbm>> -> memref<10475x128xi32, #tpu.memory_space<hbm>>
    tpu.enqueue_indirect_dma source(%dma_start3A_56 : memref<10475x128xi32, #tpu.memory_space<hbm>>) target(%dma_start3A_50 : memref<16x128xi32, #tpu.memory_space<vmem>>) offsets(%dma_start3A_53 : memref<16xi32, #tpu.memory_space<vmem>>) semaphore(%arg18 : memref<!tpu.dma_semaphore, #tpu.memory_space<semaphore_mem>>)
    %dma_start3A_57 = arith.constant 0 : i32
    %dma_start3A_58 = arith.constant 1 : i32
    %dma_start3A_59 = arith.constant 80 : i32
    %dma_start3A_60 = arith.constant 0 : i32
    %dma_start3A_61 = tpu.memref_slice %arg11[%dma_start3A_59, %dma_start3A_60] : memref<96x128xi32, #tpu.memory_space<vmem>> -> memref<16x128xi32, #tpu.memory_space<vmem>>
    %dma_start3A_62 = arith.constant 0 : i32
    %dma_start3A_63 = tpu.memref_slice %arg15[%dma_start3A_57, %dma_start3A_58, %dma_start3A_62] : memref<42x2x16xi32, #tpu.memory_space<vmem>> -> memref<1x1x16xi32, #tpu.memory_space<vmem>>
    %dma_start3A_64 = tpu.memref_squeeze %dma_start3A_63 : memref<1x1x16xi32, #tpu.memory_space<vmem>> -> memref<16xi32, #tpu.memory_space<vmem>>
    %dma_start3A_65 = arith.constant 0 : i32
    %dma_start3A_66 = arith.constant 0 : i32
    %dma_start3A_67 = tpu.memref_slice %arg4[%dma_start3A_65, %dma_start3A_66] : memref<10475x128xi32, #tpu.memory_space<hbm>> -> memref<10475x128xi32, #tpu.memory_space<hbm>>
    tpu.enqueue_indirect_dma source(%dma_start3A_67 : memref<10475x128xi32, #tpu.memory_space<hbm>>) target(%dma_start3A_61 : memref<16x128xi32, #tpu.memory_space<vmem>>) offsets(%dma_start3A_64 : memref<16xi32, #tpu.memory_space<vmem>>) semaphore(%arg18 : memref<!tpu.dma_semaphore, #tpu.memory_space<semaphore_mem>>)
    %dma_start3A_68 = arith.constant 0 : i32
    %dma_start3A_69 = arith.constant 0 : i32
    %dma_start3A_70 = arith.constant 0 : i32
    %dma_start3A_71 = arith.constant 0 : i32
    %dma_start3A_72 = tpu.memref_slice %arg13[%dma_start3A_70, %dma_start3A_71] : memref<96x128xi32, #tpu.memory_space<vmem>> -> memref<16x128xi32, #tpu.memory_space<vmem>>
    %dma_start3A_73 = arith.constant 0 : i32
    %dma_start3A_74 = tpu.memref_slice %arg16[%dma_start3A_68, %dma_start3A_69, %dma_start3A_73] : memref<42x2x16xi32, #tpu.memory_space<vmem>> -> memref<1x1x16xi32, #tpu.memory_space<vmem>>
    %dma_start3A_75 = tpu.memref_squeeze %dma_start3A_74 : memref<1x1x16xi32, #tpu.memory_space<vmem>> -> memref<16xi32, #tpu.memory_space<vmem>>
    %dma_start3A_76 = arith.constant 0 : i32
    %dma_start3A_77 = arith.constant 0 : i32
    %dma_start3A_78 = tpu.memref_slice %arg5[%dma_start3A_76, %dma_start3A_77] : memref<10475x128xi32, #tpu.memory_space<hbm>> -> memref<10475x128xi32, #tpu.memory_space<hbm>>
    tpu.enqueue_indirect_dma source(%dma_start3A_78 : memref<10475x128xi32, #tpu.memory_space<hbm>>) target(%dma_start3A_72 : memref<16x128xi32, #tpu.memory_space<vmem>>) offsets(%dma_start3A_75 : memref<16xi32, #tpu.memory_space<vmem>>) semaphore(%arg20 : memref<!tpu.dma_semaphore, #tpu.memory_space<semaphore_mem>>)
    %dma_start3A_79 = arith.constant 0 : i32
    %dma_start3A_80 = arith.constant 0 : i32
    %dma_start3A_81 = arith.constant 16 : i32
    %dma_start3A_82 = arith.constant 0 : i32
    %dma_start3A_83 = tpu.memref_slice %arg13[%dma_start3A_81, %dma_start3A_82] : memref<96x128xi32, #tpu.memory_space<vmem>> -> memref<16x128xi32, #tpu.memory_space<vmem>>
    %dma_start3A_84 = arith.constant 0 : i32
    %dma_start3A_85 = tpu.memref_slice %arg16[%dma_start3A_79, %dma_start3A_80, %dma_start3A_84] : memref<42x2x16xi32, #tpu.memory_space<vmem>> -> memref<1x1x16xi32, #tpu.memory_space<vmem>>
    %dma_start3A_86 = tpu.memref_squeeze %dma_start3A_85 : memref<1x1x16xi32, #tpu.memory_space<vmem>> -> memref<16xi32, #tpu.memory_space<vmem>>
    %dma_start3A_87 = arith.constant 0 : i32
    %dma_start3A_88 = arith.constant 0 : i32
    %dma_start3A_89 = tpu.memref_slice %arg6[%dma_start3A_87, %dma_start3A_88] : memref<10475x128xi32, #tpu.memory_space<hbm>> -> memref<10475x128xi32, #tpu.memory_space<hbm>>
    tpu.enqueue_indirect_dma source(%dma_start3A_89 : memref<10475x128xi32, #tpu.memory_space<hbm>>) target(%dma_start3A_83 : memref<16x128xi32, #tpu.memory_space<vmem>>) offsets(%dma_start3A_86 : memref<16xi32, #tpu.memory_space<vmem>>) semaphore(%arg20 : memref<!tpu.dma_semaphore, #tpu.memory_space<semaphore_mem>>)
    %dma_start3A_90 = arith.constant 0 : i32
    %dma_start3A_91 = arith.constant 0 : i32
    %dma_start3A_92 = arith.constant 32 : i32
    %dma_start3A_93 = arith.constant 0 : i32
    %dma_start3A_94 = tpu.memref_slice %arg13[%dma_start3A_92, %dma_start3A_93] : memref<96x128xi32, #tpu.memory_space<vmem>> -> memref<16x128xi32, #tpu.memory_space<vmem>>
    %dma_start3A_95 = arith.constant 0 : i32
    %dma_start3A_96 = tpu.memref_slice %arg16[%dma_start3A_90, %dma_start3A_91, %dma_start3A_95] : memref<42x2x16xi32, #tpu.memory_space<vmem>> -> memref<1x1x16xi32, #tpu.memory_space<vmem>>
    %dma_start3A_97 = tpu.memref_squeeze %dma_start3A_96 : memref<1x1x16xi32, #tpu.memory_space<vmem>> -> memref<16xi32, #tpu.memory_space<vmem>>
    %dma_start3A_98 = arith.constant 0 : i32
    %dma_start3A_99 = arith.constant 0 : i32
    %dma_start3A_100 = tpu.memref_slice %arg7[%dma_start3A_98, %dma_start3A_99] : memref<10475x128xi32, #tpu.memory_space<hbm>> -> memref<10475x128xi32, #tpu.memory_space<hbm>>
    tpu.enqueue_indirect_dma source(%dma_start3A_100 : memref<10475x128xi32, #tpu.memory_space<hbm>>) target(%dma_start3A_94 : memref<16x128xi32, #tpu.memory_space<vmem>>) offsets(%dma_start3A_97 : memref<16xi32, #tpu.memory_space<vmem>>) semaphore(%arg20 : memref<!tpu.dma_semaphore, #tpu.memory_space<semaphore_mem>>)
    %dma_start3A_101 = arith.constant 0 : i32
    %dma_start3A_102 = arith.constant 1 : i32
    %dma_start3A_103 = arith.constant 48 : i32
    %dma_start3A_104 = arith.constant 0 : i32
    %dma_start3A_105 = tpu.memref_slice %arg13[%dma_start3A_103, %dma_start3A_104] : memref<96x128xi32, #tpu.memory_space<vmem>> -> memref<16x128xi32, #tpu.memory_space<vmem>>
    %dma_start3A_106 = arith.constant 0 : i32
    %dma_start3A_107 = tpu.memref_slice %arg16[%dma_start3A_101, %dma_start3A_102, %dma_start3A_106] : memref<42x2x16xi32, #tpu.memory_space<vmem>> -> memref<1x1x16xi32, #tpu.memory_space<vmem>>
    %dma_start3A_108 = tpu.memref_squeeze %dma_start3A_107 : memref<1x1x16xi32, #tpu.memory_space<vmem>> -> memref<16xi32, #tpu.memory_space<vmem>>
    %dma_start3A_109 = arith.constant 0 : i32
    %dma_start3A_110 = arith.constant 0 : i32
    %dma_start3A_111 = tpu.memref_slice %arg5[%dma_start3A_109, %dma_start3A_110] : memref<10475x128xi32, #tpu.memory_space<hbm>> -> memref<10475x128xi32, #tpu.memory_space<hbm>>
    tpu.enqueue_indirect_dma source(%dma_start3A_111 : memref<10475x128xi32, #tpu.memory_space<hbm>>) target(%dma_start3A_105 : memref<16x128xi32, #tpu.memory_space<vmem>>) offsets(%dma_start3A_108 : memref<16xi32, #tpu.memory_space<vmem>>) semaphore(%arg20 : memref<!tpu.dma_semaphore, #tpu.memory_space<semaphore_mem>>)
    %dma_start3A_112 = arith.constant 0 : i32
    %dma_start3A_113 = arith.constant 1 : i32
    %dma_start3A_114 = arith.constant 64 : i32
    %dma_start3A_115 = arith.constant 0 : i32
    %dma_start3A_116 = tpu.memref_slice %arg13[%dma_start3A_114, %dma_start3A_115] : memref<96x128xi32, #tpu.memory_space<vmem>> -> memref<16x128xi32, #tpu.memory_space<vmem>>
    %dma_start3A_117 = arith.constant 0 : i32
    %dma_start3A_118 = tpu.memref_slice %arg16[%dma_start3A_112, %dma_start3A_113, %dma_start3A_117] : memref<42x2x16xi32, #tpu.memory_space<vmem>> -> memref<1x1x16xi32, #tpu.memory_space<vmem>>
    %dma_start3A_119 = tpu.memref_squeeze %dma_start3A_118 : memref<1x1x16xi32, #tpu.memory_space<vmem>> -> memref<16xi32, #tpu.memory_space<vmem>>
    %dma_start3A_120 = arith.constant 0 : i32
    %dma_start3A_121 = arith.constant 0 : i32
    %dma_start3A_122 = tpu.memref_slice %arg6[%dma_start3A_120, %dma_start3A_121] : memref<10475x128xi32, #tpu.memory_space<hbm>> -> memref<10475x128xi32, #tpu.memory_space<hbm>>
    tpu.enqueue_indirect_dma source(%dma_start3A_122 : memref<10475x128xi32, #tpu.memory_space<hbm>>) target(%dma_start3A_116 : memref<16x128xi32, #tpu.memory_space<vmem>>) offsets(%dma_start3A_119 : memref<16xi32, #tpu.memory_space<vmem>>) semaphore(%arg20 : memref<!tpu.dma_semaphore, #tpu.memory_space<semaphore_mem>>)
    %dma_start3A_123 = arith.constant 0 : i32
    %dma_start3A_124 = arith.constant 1 : i32
    %dma_start3A_125 = arith.constant 80 : i32
    %dma_start3A_126 = arith.constant 0 : i32
    %dma_start3A_127 = tpu.memref_slice %arg13[%dma_start3A_125, %dma_start3A_126] : memref<96x128xi32, #tpu.memory_space<vmem>> -> memref<16x128xi32, #tpu.memory_space<vmem>>
    %dma_start3A_128 = arith.constant 0 : i32
    %dma_start3A_129 = tpu.memref_slice %arg16[%dma_start3A_123, %dma_start3A_124, %dma_start3A_128] : memref<42x2x16xi32, #tpu.memory_space<vmem>> -> memref<1x1x16xi32, #tpu.memory_space<vmem>>
    %dma_start3A_130 = tpu.memref_squeeze %dma_start3A_129 : memref<1x1x16xi32, #tpu.memory_space<vmem>> -> memref<16xi32, #tpu.memory_space<vmem>>
    %dma_start3A_131 = arith.constant 0 : i32
    %dma_start3A_132 = arith.constant 0 : i32
    %dma_start3A_133 = tpu.memref_slice %arg7[%dma_start3A_131, %dma_start3A_132] : memref<10475x128xi32, #tpu.memory_space<hbm>> -> memref<10475x128xi32, #tpu.memory_space<hbm>>
    tpu.enqueue_indirect_dma source(%dma_start3A_133 : memref<10475x128xi32, #tpu.memory_space<hbm>>) target(%dma_start3A_127 : memref<16x128xi32, #tpu.memory_space<vmem>>) offsets(%dma_start3A_130 : memref<16xi32, #tpu.memory_space<vmem>>) semaphore(%arg20 : memref<!tpu.dma_semaphore, #tpu.memory_space<semaphore_mem>>)
    %dma_start3A_134 = arith.constant 1 : i32
    %dma_start3A_135 = arith.constant 0 : i32
    %dma_start3A_136 = arith.constant 0 : i32
    %dma_start3A_137 = arith.constant 0 : i32
    %dma_start3A_138 = tpu.memref_slice %arg12[%dma_start3A_136, %dma_start3A_137] : memref<96x128xi32, #tpu.memory_space<vmem>> -> memref<16x128xi32, #tpu.memory_space<vmem>>
    %dma_start3A_139 = arith.constant 0 : i32
    %dma_start3A_140 = tpu.memref_slice %arg15[%dma_start3A_134, %dma_start3A_135, %dma_start3A_139] : memref<42x2x16xi32, #tpu.memory_space<vmem>> -> memref<1x1x16xi32, #tpu.memory_space<vmem>>
    %dma_start3A_141 = tpu.memref_squeeze %dma_start3A_140 : memref<1x1x16xi32, #tpu.memory_space<vmem>> -> memref<16xi32, #tpu.memory_space<vmem>>
    %dma_start3A_142 = arith.constant 0 : i32
    %dma_start3A_143 = arith.constant 0 : i32
    %dma_start3A_144 = tpu.memref_slice %arg2[%dma_start3A_142, %dma_start3A_143] : memref<10475x128xi32, #tpu.memory_space<hbm>> -> memref<10475x128xi32, #tpu.memory_space<hbm>>
    tpu.enqueue_indirect_dma source(%dma_start3A_144 : memref<10475x128xi32, #tpu.memory_space<hbm>>) target(%dma_start3A_138 : memref<16x128xi32, #tpu.memory_space<vmem>>) offsets(%dma_start3A_141 : memref<16xi32, #tpu.memory_space<vmem>>) semaphore(%arg19 : memref<!tpu.dma_semaphore, #tpu.memory_space<semaphore_mem>>)
    %dma_start3A_145 = arith.constant 1 : i32
    %dma_start3A_146 = arith.constant 0 : i32
    %dma_start3A_147 = arith.constant 16 : i32
    %dma_start3A_148 = arith.constant 0 : i32
    %dma_start3A_149 = tpu.memref_slice %arg12[%dma_start3A_147, %dma_start3A_148] : memref<96x128xi32, #tpu.memory_space<vmem>> -> memref<16x128xi32, #tpu.memory_space<vmem>>
    %dma_start3A_150 = arith.constant 0 : i32
    %dma_start3A_151 = tpu.memref_slice %arg15[%dma_start3A_145, %dma_start3A_146, %dma_start3A_150] : memref<42x2x16xi32, #tpu.memory_space<vmem>> -> memref<1x1x16xi32, #tpu.memory_space<vmem>>
    %dma_start3A_152 = tpu.memref_squeeze %dma_start3A_151 : memref<1x1x16xi32, #tpu.memory_space<vmem>> -> memref<16xi32, #tpu.memory_space<vmem>>
    %dma_start3A_153 = arith.constant 0 : i32
    %dma_start3A_154 = arith.constant 0 : i32
    %dma_start3A_155 = tpu.memref_slice %arg3[%dma_start3A_153, %dma_start3A_154] : memref<10475x128xi32, #tpu.memory_space<hbm>> -> memref<10475x128xi32, #tpu.memory_space<hbm>>
    tpu.enqueue_indirect_dma source(%dma_start3A_155 : memref<10475x128xi32, #tpu.memory_space<hbm>>) target(%dma_start3A_149 : memref<16x128xi32, #tpu.memory_space<vmem>>) offsets(%dma_start3A_152 : memref<16xi32, #tpu.memory_space<vmem>>) semaphore(%arg19 : memref<!tpu.dma_semaphore, #tpu.memory_space<semaphore_mem>>)
    %dma_start3A_156 = arith.constant 1 : i32
    %dma_start3A_157 = arith.constant 0 : i32
    %dma_start3A_158 = arith.constant 32 : i32
    %dma_start3A_159 = arith.constant 0 : i32
    %dma_start3A_160 = tpu.memref_slice %arg12[%dma_start3A_158, %dma_start3A_159] : memref<96x128xi32, #tpu.memory_space<vmem>> -> memref<16x128xi32, #tpu.memory_space<vmem>>
    %dma_start3A_161 = arith.constant 0 : i32
    %dma_start3A_162 = tpu.memref_slice %arg15[%dma_start3A_156, %dma_start3A_157, %dma_start3A_161] : memref<42x2x16xi32, #tpu.memory_space<vmem>> -> memref<1x1x16xi32, #tpu.memory_space<vmem>>
    %dma_start3A_163 = tpu.memref_squeeze %dma_start3A_162 : memref<1x1x16xi32, #tpu.memory_space<vmem>> -> memref<16xi32, #tpu.memory_space<vmem>>
    %dma_start3A_164 = arith.constant 0 : i32
    %dma_start3A_165 = arith.constant 0 : i32
    %dma_start3A_166 = tpu.memref_slice %arg4[%dma_start3A_164, %dma_start3A_165] : memref<10475x128xi32, #tpu.memory_space<hbm>> -> memref<10475x128xi32, #tpu.memory_space<hbm>>
    tpu.enqueue_indirect_dma source(%dma_start3A_166 : memref<10475x128xi32, #tpu.memory_space<hbm>>) target(%dma_start3A_160 : memref<16x128xi32, #tpu.memory_space<vmem>>) offsets(%dma_start3A_163 : memref<16xi32, #tpu.memory_space<vmem>>) semaphore(%arg19 : memref<!tpu.dma_semaphore, #tpu.memory_space<semaphore_mem>>)
    %dma_start3A_167 = arith.constant 1 : i32
    %dma_start3A_168 = arith.constant 1 : i32
    %dma_start3A_169 = arith.constant 48 : i32
    %dma_start3A_170 = arith.constant 0 : i32
    %dma_start3A_171 = tpu.memref_slice %arg12[%dma_start3A_169, %dma_start3A_170] : memref<96x128xi32, #tpu.memory_space<vmem>> -> memref<16x128xi32, #tpu.memory_space<vmem>>
    %dma_start3A_172 = arith.constant 0 : i32
    %dma_start3A_173 = tpu.memref_slice %arg15[%dma_start3A_167, %dma_start3A_168, %dma_start3A_172] : memref<42x2x16xi32, #tpu.memory_space<vmem>> -> memref<1x1x16xi32, #tpu.memory_space<vmem>>
    %dma_start3A_174 = tpu.memref_squeeze %dma_start3A_173 : memref<1x1x16xi32, #tpu.memory_space<vmem>> -> memref<16xi32, #tpu.memory_space<vmem>>
    %dma_start3A_175 = arith.constant 0 : i32
    %dma_start3A_176 = arith.constant 0 : i32
    %dma_start3A_177 = tpu.memref_slice %arg2[%dma_start3A_175, %dma_start3A_176] : memref<10475x128xi32, #tpu.memory_space<hbm>> -> memref<10475x128xi32, #tpu.memory_space<hbm>>
    tpu.enqueue_indirect_dma source(%dma_start3A_177 : memref<10475x128xi32, #tpu.memory_space<hbm>>) target(%dma_start3A_171 : memref<16x128xi32, #tpu.memory_space<vmem>>) offsets(%dma_start3A_174 : memref<16xi32, #tpu.memory_space<vmem>>) semaphore(%arg19 : memref<!tpu.dma_semaphore, #tpu.memory_space<semaphore_mem>>)
    %dma_start3A_178 = arith.constant 1 : i32
    %dma_start3A_179 = arith.constant 1 : i32
    %dma_start3A_180 = arith.constant 64 : i32
    %dma_start3A_181 = arith.constant 0 : i32
    %dma_start3A_182 = tpu.memref_slice %arg12[%dma_start3A_180, %dma_start3A_181] : memref<96x128xi32, #tpu.memory_space<vmem>> -> memref<16x128xi32, #tpu.memory_space<vmem>>
    %dma_start3A_183 = arith.constant 0 : i32
    %dma_start3A_184 = tpu.memref_slice %arg15[%dma_start3A_178, %dma_start3A_179, %dma_start3A_183] : memref<42x2x16xi32, #tpu.memory_space<vmem>> -> memref<1x1x16xi32, #tpu.memory_space<vmem>>
    %dma_start3A_185 = tpu.memref_squeeze %dma_start3A_184 : memref<1x1x16xi32, #tpu.memory_space<vmem>> -> memref<16xi32, #tpu.memory_space<vmem>>
    %dma_start3A_186 = arith.constant 0 : i32
    %dma_start3A_187 = arith.constant 0 : i32
    %dma_start3A_188 = tpu.memref_slice %arg3[%dma_start3A_186, %dma_start3A_187] : memref<10475x128xi32, #tpu.memory_space<hbm>> -> memref<10475x128xi32, #tpu.memory_space<hbm>>
    tpu.enqueue_indirect_dma source(%dma_start3A_188 : memref<10475x128xi32, #tpu.memory_space<hbm>>) target(%dma_start3A_182 : memref<16x128xi32, #tpu.memory_space<vmem>>) offsets(%dma_start3A_185 : memref<16xi32, #tpu.memory_space<vmem>>) semaphore(%arg19 : memref<!tpu.dma_semaphore, #tpu.memory_space<semaphore_mem>>)
    %dma_start3A_189 = arith.constant 1 : i32
    %dma_start3A_190 = arith.constant 1 : i32
    %dma_start3A_191 = arith.constant 80 : i32
    %dma_start3A_192 = arith.constant 0 : i32
    %dma_start3A_193 = tpu.memref_slice %arg12[%dma_start3A_191, %dma_start3A_192] : memref<96x128xi32, #tpu.memory_space<vmem>> -> memref<16x128xi32, #tpu.memory_space<vmem>>
    %dma_start3A_194 = arith.constant 0 : i32
    %dma_start3A_195 = tpu.memref_slice %arg15[%dma_start3A_189, %dma_start3A_190, %dma_start3A_194] : memref<42x2x16xi32, #tpu.memory_space<vmem>> -> memref<1x1x16xi32, #tpu.memory_space<vmem>>
    %dma_start3A_196 = tpu.memref_squeeze %dma_start3A_195 : memref<1x1x16xi32, #tpu.memory_space<vmem>> -> memref<16xi32, #tpu.memory_space<vmem>>
    %dma_start3A_197 = arith.constant 0 : i32
    %dma_start3A_198 = arith.constant 0 : i32
    %dma_start3A_199 = tpu.memref_slice %arg4[%dma_start3A_197, %dma_start3A_198] : memref<10475x128xi32, #tpu.memory_space<hbm>> -> memref<10475x128xi32, #tpu.memory_space<hbm>>
    tpu.enqueue_indirect_dma source(%dma_start3A_199 : memref<10475x128xi32, #tpu.memory_space<hbm>>) target(%dma_start3A_193 : memref<16x128xi32, #tpu.memory_space<vmem>>) offsets(%dma_start3A_196 : memref<16xi32, #tpu.memory_space<vmem>>) semaphore(%arg19 : memref<!tpu.dma_semaphore, #tpu.memory_space<semaphore_mem>>)
    %dma_start3A_200 = arith.constant 1 : i32
    %dma_start3A_201 = arith.constant 0 : i32
    %dma_start3A_202 = arith.constant 0 : i32
    %dma_start3A_203 = arith.constant 0 : i32
    %dma_start3A_204 = tpu.memref_slice %arg14[%dma_start3A_202, %dma_start3A_203] : memref<96x128xi32, #tpu.memory_space<vmem>> -> memref<16x128xi32, #tpu.memory_space<vmem>>
    %dma_start3A_205 = arith.constant 0 : i32
    %dma_start3A_206 = tpu.memref_slice %arg16[%dma_start3A_200, %dma_start3A_201, %dma_start3A_205] : memref<42x2x16xi32, #tpu.memory_space<vmem>> -> memref<1x1x16xi32, #tpu.memory_space<vmem>>
    %dma_start3A_207 = tpu.memref_squeeze %dma_start3A_206 : memref<1x1x16xi32, #tpu.memory_space<vmem>> -> memref<16xi32, #tpu.memory_space<vmem>>
    %dma_start3A_208 = arith.constant 0 : i32
    %dma_start3A_209 = arith.constant 0 : i32
    %dma_start3A_210 = tpu.memref_slice %arg5[%dma_start3A_208, %dma_start3A_209] : memref<10475x128xi32, #tpu.memory_space<hbm>> -> memref<10475x128xi32, #tpu.memory_space<hbm>>
    tpu.enqueue_indirect_dma source(%dma_start3A_210 : memref<10475x128xi32, #tpu.memory_space<hbm>>) target(%dma_start3A_204 : memref<16x128xi32, #tpu.memory_space<vmem>>) offsets(%dma_start3A_207 : memref<16xi32, #tpu.memory_space<vmem>>) semaphore(%arg21 : memref<!tpu.dma_semaphore, #tpu.memory_space<semaphore_mem>>)
    %dma_start3A_211 = arith.constant 1 : i32
    %dma_start3A_212 = arith.constant 0 : i32
    %dma_start3A_213 = arith.constant 16 : i32
    %dma_start3A_214 = arith.constant 0 : i32
    %dma_start3A_215 = tpu.memref_slice %arg14[%dma_start3A_213, %dma_start3A_214] : memref<96x128xi32, #tpu.memory_space<vmem>> -> memref<16x128xi32, #tpu.memory_space<vmem>>
    %dma_start3A_216 = arith.constant 0 : i32
    %dma_start3A_217 = tpu.memref_slice %arg16[%dma_start3A_211, %dma_start3A_212, %dma_start3A_216] : memref<42x2x16xi32, #tpu.memory_space<vmem>> -> memref<1x1x16xi32, #tpu.memory_space<vmem>>
    %dma_start3A_218 = tpu.memref_squeeze %dma_start3A_217 : memref<1x1x16xi32, #tpu.memory_space<vmem>> -> memref<16xi32, #tpu.memory_space<vmem>>
    %dma_start3A_219 = arith.constant 0 : i32
    %dma_start3A_220 = arith.constant 0 : i32
    %dma_start3A_221 = tpu.memref_slice %arg6[%dma_start3A_219, %dma_start3A_220] : memref<10475x128xi32, #tpu.memory_space<hbm>> -> memref<10475x128xi32, #tpu.memory_space<hbm>>
    tpu.enqueue_indirect_dma source(%dma_start3A_221 : memref<10475x128xi32, #tpu.memory_space<hbm>>) target(%dma_start3A_215 : memref<16x128xi32, #tpu.memory_space<vmem>>) offsets(%dma_start3A_218 : memref<16xi32, #tpu.memory_space<vmem>>) semaphore(%arg21 : memref<!tpu.dma_semaphore, #tpu.memory_space<semaphore_mem>>)
    %dma_start3A_222 = arith.constant 1 : i32
    %dma_start3A_223 = arith.constant 0 : i32
    %dma_start3A_224 = arith.constant 32 : i32
    %dma_start3A_225 = arith.constant 0 : i32
    %dma_start3A_226 = tpu.memref_slice %arg14[%dma_start3A_224, %dma_start3A_225] : memref<96x128xi32, #tpu.memory_space<vmem>> -> memref<16x128xi32, #tpu.memory_space<vmem>>
    %dma_start3A_227 = arith.constant 0 : i32
    %dma_start3A_228 = tpu.memref_slice %arg16[%dma_start3A_222, %dma_start3A_223, %dma_start3A_227] : memref<42x2x16xi32, #tpu.memory_space<vmem>> -> memref<1x1x16xi32, #tpu.memory_space<vmem>>
    %dma_start3A_229 = tpu.memref_squeeze %dma_start3A_228 : memref<1x1x16xi32, #tpu.memory_space<vmem>> -> memref<16xi32, #tpu.memory_space<vmem>>
    %dma_start3A_230 = arith.constant 0 : i32
    %dma_start3A_231 = arith.constant 0 : i32
    %dma_start3A_232 = tpu.memref_slice %arg7[%dma_start3A_230, %dma_start3A_231] : memref<10475x128xi32, #tpu.memory_space<hbm>> -> memref<10475x128xi32, #tpu.memory_space<hbm>>
    tpu.enqueue_indirect_dma source(%dma_start3A_232 : memref<10475x128xi32, #tpu.memory_space<hbm>>) target(%dma_start3A_226 : memref<16x128xi32, #tpu.memory_space<vmem>>) offsets(%dma_start3A_229 : memref<16xi32, #tpu.memory_space<vmem>>) semaphore(%arg21 : memref<!tpu.dma_semaphore, #tpu.memory_space<semaphore_mem>>)
    %dma_start3A_233 = arith.constant 1 : i32
    %dma_start3A_234 = arith.constant 1 : i32
    %dma_start3A_235 = arith.constant 48 : i32
    %dma_start3A_236 = arith.constant 0 : i32
    %dma_start3A_237 = tpu.memref_slice %arg14[%dma_start3A_235, %dma_start3A_236] : memref<96x128xi32, #tpu.memory_space<vmem>> -> memref<16x128xi32, #tpu.memory_space<vmem>>
    %dma_start3A_238 = arith.constant 0 : i32
    %dma_start3A_239 = tpu.memref_slice %arg16[%dma_start3A_233, %dma_start3A_234, %dma_start3A_238] : memref<42x2x16xi32, #tpu.memory_space<vmem>> -> memref<1x1x16xi32, #tpu.memory_space<vmem>>
    %dma_start3A_240 = tpu.memref_squeeze %dma_start3A_239 : memref<1x1x16xi32, #tpu.memory_space<vmem>> -> memref<16xi32, #tpu.memory_space<vmem>>
    %dma_start3A_241 = arith.constant 0 : i32
    %dma_start3A_242 = arith.constant 0 : i32
    %dma_start3A_243 = tpu.memref_slice %arg5[%dma_start3A_241, %dma_start3A_242] : memref<10475x128xi32, #tpu.memory_space<hbm>> -> memref<10475x128xi32, #tpu.memory_space<hbm>>
    tpu.enqueue_indirect_dma source(%dma_start3A_243 : memref<10475x128xi32, #tpu.memory_space<hbm>>) target(%dma_start3A_237 : memref<16x128xi32, #tpu.memory_space<vmem>>) offsets(%dma_start3A_240 : memref<16xi32, #tpu.memory_space<vmem>>) semaphore(%arg21 : memref<!tpu.dma_semaphore, #tpu.memory_space<semaphore_mem>>)
    %dma_start3A_244 = arith.constant 1 : i32
    %dma_start3A_245 = arith.constant 1 : i32
    %dma_start3A_246 = arith.constant 64 : i32
    %dma_start3A_247 = arith.constant 0 : i32
    %dma_start3A_248 = tpu.memref_slice %arg14[%dma_start3A_246, %dma_start3A_247] : memref<96x128xi32, #tpu.memory_space<vmem>> -> memref<16x128xi32, #tpu.memory_space<vmem>>
    %dma_start3A_249 = arith.constant 0 : i32
    %dma_start3A_250 = tpu.memref_slice %arg16[%dma_start3A_244, %dma_start3A_245, %dma_start3A_249] : memref<42x2x16xi32, #tpu.memory_space<vmem>> -> memref<1x1x16xi32, #tpu.memory_space<vmem>>
    %dma_start3A_251 = tpu.memref_squeeze %dma_start3A_250 : memref<1x1x16xi32, #tpu.memory_space<vmem>> -> memref<16xi32, #tpu.memory_space<vmem>>
    %dma_start3A_252 = arith.constant 0 : i32
    %dma_start3A_253 = arith.constant 0 : i32
    %dma_start3A_254 = tpu.memref_slice %arg6[%dma_start3A_252, %dma_start3A_253] : memref<10475x128xi32, #tpu.memory_space<hbm>> -> memref<10475x128xi32, #tpu.memory_space<hbm>>
    tpu.enqueue_indirect_dma source(%dma_start3A_254 : memref<10475x128xi32, #tpu.memory_space<hbm>>) target(%dma_start3A_248 : memref<16x128xi32, #tpu.memory_space<vmem>>) offsets(%dma_start3A_251 : memref<16xi32, #tpu.memory_space<vmem>>) semaphore(%arg21 : memref<!tpu.dma_semaphore, #tpu.memory_space<semaphore_mem>>)
    %dma_start3A_255 = arith.constant 1 : i32
    %dma_start3A_256 = arith.constant 1 : i32
    %dma_start3A_257 = arith.constant 80 : i32
    %dma_start3A_258 = arith.constant 0 : i32
    %dma_start3A_259 = tpu.memref_slice %arg14[%dma_start3A_257, %dma_start3A_258] : memref<96x128xi32, #tpu.memory_space<vmem>> -> memref<16x128xi32, #tpu.memory_space<vmem>>
    %dma_start3A_260 = arith.constant 0 : i32
    %dma_start3A_261 = tpu.memref_slice %arg16[%dma_start3A_255, %dma_start3A_256, %dma_start3A_260] : memref<42x2x16xi32, #tpu.memory_space<vmem>> -> memref<1x1x16xi32, #tpu.memory_space<vmem>>
    %dma_start3A_262 = tpu.memref_squeeze %dma_start3A_261 : memref<1x1x16xi32, #tpu.memory_space<vmem>> -> memref<16xi32, #tpu.memory_space<vmem>>
    %dma_start3A_263 = arith.constant 0 : i32
    %dma_start3A_264 = arith.constant 0 : i32
    %dma_start3A_265 = tpu.memref_slice %arg7[%dma_start3A_263, %dma_start3A_264] : memref<10475x128xi32, #tpu.memory_space<hbm>> -> memref<10475x128xi32, #tpu.memory_space<hbm>>
    tpu.enqueue_indirect_dma source(%dma_start3A_265 : memref<10475x128xi32, #tpu.memory_space<hbm>>) target(%dma_start3A_259 : memref<16x128xi32, #tpu.memory_space<vmem>>) offsets(%dma_start3A_262 : memref<16xi32, #tpu.memory_space<vmem>>) semaphore(%arg21 : memref<!tpu.dma_semaphore, #tpu.memory_space<semaphore_mem>>)
    %scan3A = arith.constant 0 : i32
    %scan3A_266 = arith.constant 21 : i32
    %scan3A_267 = arith.addi %scan3A, %scan3A_266 : i32
    %scan3A_268 = arith.constant 1 : i32
    scf.for %scan3A_276 = %scan3A to %scan3A_267 step %scan3A_268  : i32 {
      %mul3A_277 = arith.constant 2 : i32
      %mul3A_278 = arith.muli %scan3A_276, %mul3A_277 : i32
      %add3A_279 = arith.constant 0 : i32
      %add3A_280 = arith.addi %add3A_279, %mul3A_278 : i32
      %add3A_281 = arith.constant 0 : i32
      %add3A_282 = arith.addi %add3A_280, %add3A_281 : i32
      %dma_wait3A = arith.constant 0 : i32
      %dma_wait3A_283 = arith.constant 0 : i32
      %dma_wait3A_284 = arith.constant 0 : i32
      %dma_wait3A_285 = tpu.memref_slice %arg11[%dma_wait3A_283, %dma_wait3A_284] : memref<96x128xi32, #tpu.memory_space<vmem>> -> memref<16x128xi32, #tpu.memory_space<vmem>>
      %dma_wait3A_286 = arith.constant 0 : i32
      %dma_wait3A_287 = tpu.memref_slice %arg15[%add3A_282, %dma_wait3A, %dma_wait3A_286] : memref<42x2x16xi32, #tpu.memory_space<vmem>> -> memref<1x1x16xi32, #tpu.memory_space<vmem>>
      %dma_wait3A_288 = tpu.memref_squeeze %dma_wait3A_287 : memref<1x1x16xi32, #tpu.memory_space<vmem>> -> memref<16xi32, #tpu.memory_space<vmem>>
      %dma_wait3A_289 = arith.constant 0 : i32
      %dma_wait3A_290 = arith.constant 0 : i32
      %dma_wait3A_291 = tpu.memref_slice %arg2[%dma_wait3A_289, %dma_wait3A_290] : memref<10475x128xi32, #tpu.memory_space<hbm>> -> memref<10475x128xi32, #tpu.memory_space<hbm>>
      tpu.wait_indirect_dma semaphore(%arg18 : memref<!tpu.dma_semaphore, #tpu.memory_space<semaphore_mem>>) src(%dma_wait3A_291 : memref<10475x128xi32, #tpu.memory_space<hbm>>) dst(%dma_wait3A_285 : memref<16x128xi32, #tpu.memory_space<vmem>>)
      %dma_wait3A_292 = arith.constant 0 : i32
      %dma_wait3A_293 = arith.constant 16 : i32
      %dma_wait3A_294 = arith.constant 0 : i32
      %dma_wait3A_295 = tpu.memref_slice %arg11[%dma_wait3A_293, %dma_wait3A_294] : memref<96x128xi32, #tpu.memory_space<vmem>> -> memref<16x128xi32, #tpu.memory_space<vmem>>
      %dma_wait3A_296 = arith.constant 0 : i32
      %dma_wait3A_297 = tpu.memref_slice %arg15[%add3A_282, %dma_wait3A_292, %dma_wait3A_296] : memref<42x2x16xi32, #tpu.memory_space<vmem>> -> memref<1x1x16xi32, #tpu.memory_space<vmem>>
      %dma_wait3A_298 = tpu.memref_squeeze %dma_wait3A_297 : memref<1x1x16xi32, #tpu.memory_space<vmem>> -> memref<16xi32, #tpu.memory_space<vmem>>
      %dma_wait3A_299 = arith.constant 0 : i32
      %dma_wait3A_300 = arith.constant 0 : i32
      %dma_wait3A_301 = tpu.memref_slice %arg3[%dma_wait3A_299, %dma_wait3A_300] : memref<10475x128xi32, #tpu.memory_space<hbm>> -> memref<10475x128xi32, #tpu.memory_space<hbm>>
      tpu.wait_indirect_dma semaphore(%arg18 : memref<!tpu.dma_semaphore, #tpu.memory_space<semaphore_mem>>) src(%dma_wait3A_301 : memref<10475x128xi32, #tpu.memory_space<hbm>>) dst(%dma_wait3A_295 : memref<16x128xi32, #tpu.memory_space<vmem>>)
      %dma_wait3A_302 = arith.constant 0 : i32
      %dma_wait3A_303 = arith.constant 32 : i32
      %dma_wait3A_304 = arith.constant 0 : i32
      %dma_wait3A_305 = tpu.memref_slice %arg11[%dma_wait3A_303, %dma_wait3A_304] : memref<96x128xi32, #tpu.memory_space<vmem>> -> memref<16x128xi32, #tpu.memory_space<vmem>>
      %dma_wait3A_306 = arith.constant 0 : i32
      %dma_wait3A_307 = tpu.memref_slice %arg15[%add3A_282, %dma_wait3A_302, %dma_wait3A_306] : memref<42x2x16xi32, #tpu.memory_space<vmem>> -> memref<1x1x16xi32, #tpu.memory_space<vmem>>
      %dma_wait3A_308 = tpu.memref_squeeze %dma_wait3A_307 : memref<1x1x16xi32, #tpu.memory_space<vmem>> -> memref<16xi32, #tpu.memory_space<vmem>>
      %dma_wait3A_309 = arith.constant 0 : i32
      %dma_wait3A_310 = arith.constant 0 : i32
      %dma_wait3A_311 = tpu.memref_slice %arg4[%dma_wait3A_309, %dma_wait3A_310] : memref<10475x128xi32, #tpu.memory_space<hbm>> -> memref<10475x128xi32, #tpu.memory_space<hbm>>
      tpu.wait_indirect_dma semaphore(%arg18 : memref<!tpu.dma_semaphore, #tpu.memory_space<semaphore_mem>>) src(%dma_wait3A_311 : memref<10475x128xi32, #tpu.memory_space<hbm>>) dst(%dma_wait3A_305 : memref<16x128xi32, #tpu.memory_space<vmem>>)
      %dma_wait3A_312 = arith.constant 1 : i32
      %dma_wait3A_313 = arith.constant 48 : i32
      %dma_wait3A_314 = arith.constant 0 : i32
      %dma_wait3A_315 = tpu.memref_slice %arg11[%dma_wait3A_313, %dma_wait3A_314] : memref<96x128xi32, #tpu.memory_space<vmem>> -> memref<16x128xi32, #tpu.memory_space<vmem>>
      %dma_wait3A_316 = arith.constant 0 : i32
      %dma_wait3A_317 = tpu.memref_slice %arg15[%add3A_282, %dma_wait3A_312, %dma_wait3A_316] : memref<42x2x16xi32, #tpu.memory_space<vmem>> -> memref<1x1x16xi32, #tpu.memory_space<vmem>>
      %dma_wait3A_318 = tpu.memref_squeeze %dma_wait3A_317 : memref<1x1x16xi32, #tpu.memory_space<vmem>> -> memref<16xi32, #tpu.memory_space<vmem>>
      %dma_wait3A_319 = arith.constant 0 : i32
      %dma_wait3A_320 = arith.constant 0 : i32
      %dma_wait3A_321 = tpu.memref_slice %arg2[%dma_wait3A_319, %dma_wait3A_320] : memref<10475x128xi32, #tpu.memory_space<hbm>> -> memref<10475x128xi32, #tpu.memory_space<hbm>>
      tpu.wait_indirect_dma semaphore(%arg18 : memref<!tpu.dma_semaphore, #tpu.memory_space<semaphore_mem>>) src(%dma_wait3A_321 : memref<10475x128xi32, #tpu.memory_space<hbm>>) dst(%dma_wait3A_315 : memref<16x128xi32, #tpu.memory_space<vmem>>)
      %dma_wait3A_322 = arith.constant 1 : i32
      %dma_wait3A_323 = arith.constant 64 : i32
      %dma_wait3A_324 = arith.constant 0 : i32
      %dma_wait3A_325 = tpu.memref_slice %arg11[%dma_wait3A_323, %dma_wait3A_324] : memref<96x128xi32, #tpu.memory_space<vmem>> -> memref<16x128xi32, #tpu.memory_space<vmem>>
      %dma_wait3A_326 = arith.constant 0 : i32
      %dma_wait3A_327 = tpu.memref_slice %arg15[%add3A_282, %dma_wait3A_322, %dma_wait3A_326] : memref<42x2x16xi32, #tpu.memory_space<vmem>> -> memref<1x1x16xi32, #tpu.memory_space<vmem>>
      %dma_wait3A_328 = tpu.memref_squeeze %dma_wait3A_327 : memref<1x1x16xi32, #tpu.memory_space<vmem>> -> memref<16xi32, #tpu.memory_space<vmem>>
      %dma_wait3A_329 = arith.constant 0 : i32
      %dma_wait3A_330 = arith.constant 0 : i32
      %dma_wait3A_331 = tpu.memref_slice %arg3[%dma_wait3A_329, %dma_wait3A_330] : memref<10475x128xi32, #tpu.memory_space<hbm>> -> memref<10475x128xi32, #tpu.memory_space<hbm>>
      tpu.wait_indirect_dma semaphore(%arg18 : memref<!tpu.dma_semaphore, #tpu.memory_space<semaphore_mem>>) src(%dma_wait3A_331 : memref<10475x128xi32, #tpu.memory_space<hbm>>) dst(%dma_wait3A_325 : memref<16x128xi32, #tpu.memory_space<vmem>>)
      %dma_wait3A_332 = arith.constant 1 : i32
      %dma_wait3A_333 = arith.constant 80 : i32
      %dma_wait3A_334 = arith.constant 0 : i32
      %dma_wait3A_335 = tpu.memref_slice %arg11[%dma_wait3A_333, %dma_wait3A_334] : memref<96x128xi32, #tpu.memory_space<vmem>> -> memref<16x128xi32, #tpu.memory_space<vmem>>
      %dma_wait3A_336 = arith.constant 0 : i32
      %dma_wait3A_337 = tpu.memref_slice %arg15[%add3A_282, %dma_wait3A_332, %dma_wait3A_336] : memref<42x2x16xi32, #tpu.memory_space<vmem>> -> memref<1x1x16xi32, #tpu.memory_space<vmem>>
      %dma_wait3A_338 = tpu.memref_squeeze %dma_wait3A_337 : memref<1x1x16xi32, #tpu.memory_space<vmem>> -> memref<16xi32, #tpu.memory_space<vmem>>
      %dma_wait3A_339 = arith.constant 0 : i32
      %dma_wait3A_340 = arith.constant 0 : i32
      %dma_wait3A_341 = tpu.memref_slice %arg4[%dma_wait3A_339, %dma_wait3A_340] : memref<10475x128xi32, #tpu.memory_space<hbm>> -> memref<10475x128xi32, #tpu.memory_space<hbm>>
      tpu.wait_indirect_dma semaphore(%arg18 : memref<!tpu.dma_semaphore, #tpu.memory_space<semaphore_mem>>) src(%dma_wait3A_341 : memref<10475x128xi32, #tpu.memory_space<hbm>>) dst(%dma_wait3A_335 : memref<16x128xi32, #tpu.memory_space<vmem>>)
      %dma_wait3A_342 = arith.constant 0 : i32
      %dma_wait3A_343 = arith.constant 0 : i32
      %dma_wait3A_344 = arith.constant 0 : i32
      %dma_wait3A_345 = tpu.memref_slice %arg13[%dma_wait3A_343, %dma_wait3A_344] : memref<96x128xi32, #tpu.memory_space<vmem>> -> memref<16x128xi32, #tpu.memory_space<vmem>>
      %dma_wait3A_346 = arith.constant 0 : i32
      %dma_wait3A_347 = tpu.memref_slice %arg16[%add3A_282, %dma_wait3A_342, %dma_wait3A_346] : memref<42x2x16xi32, #tpu.memory_space<vmem>> -> memref<1x1x16xi32, #tpu.memory_space<vmem>>
      %dma_wait3A_348 = tpu.memref_squeeze %dma_wait3A_347 : memref<1x1x16xi32, #tpu.memory_space<vmem>> -> memref<16xi32, #tpu.memory_space<vmem>>
      %dma_wait3A_349 = arith.constant 0 : i32
      %dma_wait3A_350 = arith.constant 0 : i32
      %dma_wait3A_351 = tpu.memref_slice %arg5[%dma_wait3A_349, %dma_wait3A_350] : memref<10475x128xi32, #tpu.memory_space<hbm>> -> memref<10475x128xi32, #tpu.memory_space<hbm>>
      tpu.wait_indirect_dma semaphore(%arg20 : memref<!tpu.dma_semaphore, #tpu.memory_space<semaphore_mem>>) src(%dma_wait3A_351 : memref<10475x128xi32, #tpu.memory_space<hbm>>) dst(%dma_wait3A_345 : memref<16x128xi32, #tpu.memory_space<vmem>>)
      %dma_wait3A_352 = arith.constant 0 : i32
      %dma_wait3A_353 = arith.constant 16 : i32
      %dma_wait3A_354 = arith.constant 0 : i32
      %dma_wait3A_355 = tpu.memref_slice %arg13[%dma_wait3A_353, %dma_wait3A_354] : memref<96x128xi32, #tpu.memory_space<vmem>> -> memref<16x128xi32, #tpu.memory_space<vmem>>
      %dma_wait3A_356 = arith.constant 0 : i32
      %dma_wait3A_357 = tpu.memref_slice %arg16[%add3A_282, %dma_wait3A_352, %dma_wait3A_356] : memref<42x2x16xi32, #tpu.memory_space<vmem>> -> memref<1x1x16xi32, #tpu.memory_space<vmem>>
      %dma_wait3A_358 = tpu.memref_squeeze %dma_wait3A_357 : memref<1x1x16xi32, #tpu.memory_space<vmem>> -> memref<16xi32, #tpu.memory_space<vmem>>
      %dma_wait3A_359 = arith.constant 0 : i32
      %dma_wait3A_360 = arith.constant 0 : i32
      %dma_wait3A_361 = tpu.memref_slice %arg6[%dma_wait3A_359, %dma_wait3A_360] : memref<10475x128xi32, #tpu.memory_space<hbm>> -> memref<10475x128xi32, #tpu.memory_space<hbm>>
      tpu.wait_indirect_dma semaphore(%arg20 : memref<!tpu.dma_semaphore, #tpu.memory_space<semaphore_mem>>) src(%dma_wait3A_361 : memref<10475x128xi32, #tpu.memory_space<hbm>>) dst(%dma_wait3A_355 : memref<16x128xi32, #tpu.memory_space<vmem>>)
      %dma_wait3A_362 = arith.constant 0 : i32
      %dma_wait3A_363 = arith.constant 32 : i32
      %dma_wait3A_364 = arith.constant 0 : i32
      %dma_wait3A_365 = tpu.memref_slice %arg13[%dma_wait3A_363, %dma_wait3A_364] : memref<96x128xi32, #tpu.memory_space<vmem>> -> memref<16x128xi32, #tpu.memory_space<vmem>>
      %dma_wait3A_366 = arith.constant 0 : i32
      %dma_wait3A_367 = tpu.memref_slice %arg16[%add3A_282, %dma_wait3A_362, %dma_wait3A_366] : memref<42x2x16xi32, #tpu.memory_space<vmem>> -> memref<1x1x16xi32, #tpu.memory_space<vmem>>
      %dma_wait3A_368 = tpu.memref_squeeze %dma_wait3A_367 : memref<1x1x16xi32, #tpu.memory_space<vmem>> -> memref<16xi32, #tpu.memory_space<vmem>>
      %dma_wait3A_369 = arith.constant 0 : i32
      %dma_wait3A_370 = arith.constant 0 : i32
      %dma_wait3A_371 = tpu.memref_slice %arg7[%dma_wait3A_369, %dma_wait3A_370] : memref<10475x128xi32, #tpu.memory_space<hbm>> -> memref<10475x128xi32, #tpu.memory_space<hbm>>
      tpu.wait_indirect_dma semaphore(%arg20 : memref<!tpu.dma_semaphore, #tpu.memory_space<semaphore_mem>>) src(%dma_wait3A_371 : memref<10475x128xi32, #tpu.memory_space<hbm>>) dst(%dma_wait3A_365 : memref<16x128xi32, #tpu.memory_space<vmem>>)
      %dma_wait3A_372 = arith.constant 1 : i32
      %dma_wait3A_373 = arith.constant 48 : i32
      %dma_wait3A_374 = arith.constant 0 : i32
      %dma_wait3A_375 = tpu.memref_slice %arg13[%dma_wait3A_373, %dma_wait3A_374] : memref<96x128xi32, #tpu.memory_space<vmem>> -> memref<16x128xi32, #tpu.memory_space<vmem>>
      %dma_wait3A_376 = arith.constant 0 : i32
      %dma_wait3A_377 = tpu.memref_slice %arg16[%add3A_282, %dma_wait3A_372, %dma_wait3A_376] : memref<42x2x16xi32, #tpu.memory_space<vmem>> -> memref<1x1x16xi32, #tpu.memory_space<vmem>>
      %dma_wait3A_378 = tpu.memref_squeeze %dma_wait3A_377 : memref<1x1x16xi32, #tpu.memory_space<vmem>> -> memref<16xi32, #tpu.memory_space<vmem>>
      %dma_wait3A_379 = arith.constant 0 : i32
      %dma_wait3A_380 = arith.constant 0 : i32
      %dma_wait3A_381 = tpu.memref_slice %arg5[%dma_wait3A_379, %dma_wait3A_380] : memref<10475x128xi32, #tpu.memory_space<hbm>> -> memref<10475x128xi32, #tpu.memory_space<hbm>>
      tpu.wait_indirect_dma semaphore(%arg20 : memref<!tpu.dma_semaphore, #tpu.memory_space<semaphore_mem>>) src(%dma_wait3A_381 : memref<10475x128xi32, #tpu.memory_space<hbm>>) dst(%dma_wait3A_375 : memref<16x128xi32, #tpu.memory_space<vmem>>)
      %dma_wait3A_382 = arith.constant 1 : i32
      %dma_wait3A_383 = arith.constant 64 : i32
      %dma_wait3A_384 = arith.constant 0 : i32
      %dma_wait3A_385 = tpu.memref_slice %arg13[%dma_wait3A_383, %dma_wait3A_384] : memref<96x128xi32, #tpu.memory_space<vmem>> -> memref<16x128xi32, #tpu.memory_space<vmem>>
      %dma_wait3A_386 = arith.constant 0 : i32
      %dma_wait3A_387 = tpu.memref_slice %arg16[%add3A_282, %dma_wait3A_382, %dma_wait3A_386] : memref<42x2x16xi32, #tpu.memory_space<vmem>> -> memref<1x1x16xi32, #tpu.memory_space<vmem>>
      %dma_wait3A_388 = tpu.memref_squeeze %dma_wait3A_387 : memref<1x1x16xi32, #tpu.memory_space<vmem>> -> memref<16xi32, #tpu.memory_space<vmem>>
      %dma_wait3A_389 = arith.constant 0 : i32
      %dma_wait3A_390 = arith.constant 0 : i32
      %dma_wait3A_391 = tpu.memref_slice %arg6[%dma_wait3A_389, %dma_wait3A_390] : memref<10475x128xi32, #tpu.memory_space<hbm>> -> memref<10475x128xi32, #tpu.memory_space<hbm>>
      tpu.wait_indirect_dma semaphore(%arg20 : memref<!tpu.dma_semaphore, #tpu.memory_space<semaphore_mem>>) src(%dma_wait3A_391 : memref<10475x128xi32, #tpu.memory_space<hbm>>) dst(%dma_wait3A_385 : memref<16x128xi32, #tpu.memory_space<vmem>>)
      %dma_wait3A_392 = arith.constant 1 : i32
      %dma_wait3A_393 = arith.constant 80 : i32
      %dma_wait3A_394 = arith.constant 0 : i32
      %dma_wait3A_395 = tpu.memref_slice %arg13[%dma_wait3A_393, %dma_wait3A_394] : memref<96x128xi32, #tpu.memory_space<vmem>> -> memref<16x128xi32, #tpu.memory_space<vmem>>
      %dma_wait3A_396 = arith.constant 0 : i32
      %dma_wait3A_397 = tpu.memref_slice %arg16[%add3A_282, %dma_wait3A_392, %dma_wait3A_396] : memref<42x2x16xi32, #tpu.memory_space<vmem>> -> memref<1x1x16xi32, #tpu.memory_space<vmem>>
      %dma_wait3A_398 = tpu.memref_squeeze %dma_wait3A_397 : memref<1x1x16xi32, #tpu.memory_space<vmem>> -> memref<16xi32, #tpu.memory_space<vmem>>
      %dma_wait3A_399 = arith.constant 0 : i32
      %dma_wait3A_400 = arith.constant 0 : i32
      %dma_wait3A_401 = tpu.memref_slice %arg7[%dma_wait3A_399, %dma_wait3A_400] : memref<10475x128xi32, #tpu.memory_space<hbm>> -> memref<10475x128xi32, #tpu.memory_space<hbm>>
      tpu.wait_indirect_dma semaphore(%arg20 : memref<!tpu.dma_semaphore, #tpu.memory_space<semaphore_mem>>) src(%dma_wait3A_401 : memref<10475x128xi32, #tpu.memory_space<hbm>>) dst(%dma_wait3A_395 : memref<16x128xi32, #tpu.memory_space<vmem>>)
      %broadcast_in_dim3A_402 = arith.constant 0.000000e+00 : f32
      %broadcast_in_dim3A_403 = vector.broadcast %broadcast_in_dim3A_402 : f32 to vector<16xf32>
      %parallel_loop3A = arith.constant 0 : i32
      %parallel_loop3A_404 = arith.constant 48 : i32
      %parallel_loop3A_405 = arith.constant 1 : i32
      %parallel_loop3A_406:4 = scf.for %parallel_loop3A_562 = %parallel_loop3A to %parallel_loop3A_404 step %parallel_loop3A_405 iter_args(%parallel_loop3A_563 = %broadcast_in_dim3A_403, %parallel_loop3A_564 = %broadcast_in_dim3A_403, %parallel_loop3A_565 = %broadcast_in_dim3A_403, %parallel_loop3A_566 = %broadcast_in_dim3A_403) -> (vector<16xf32>, vector<16xf32>, vector<16xf32>, vector<16xf32>)  : i32 {
        %parallel_loop3A_567 = arith.index_cast %parallel_loop3A_562 : i32 to index
        %parallel_loop3A_568 = arith.constant 0 : index
        %parallel_loop3A_569 = tpu.vector_load %arg11[%parallel_loop3A_567, %parallel_loop3A_568] {strides = array<i32>} : memref<96x128xi32, #tpu.memory_space<vmem>>, vector<16xi32>,
        %parallel_loop3A_570 = vector.bitcast %parallel_loop3A_569 : vector<16xi32> to vector<32xbf16>
        %parallel_loop3A_571 = arith.constant 48 : i32
        %parallel_loop3A_572 = arith.addi %parallel_loop3A_562, %parallel_loop3A_571 : i32
        %parallel_loop3A_573 = arith.index_cast %parallel_loop3A_572 : i32 to index
        %parallel_loop3A_574 = arith.constant 0 : index
        %parallel_loop3A_575 = tpu.vector_load %arg11[%parallel_loop3A_573, %parallel_loop3A_574] {strides = array<i32>} : memref<96x128xi32, #tpu.memory_space<vmem>>, vector<16xi32>,
        %parallel_loop3A_576 = vector.bitcast %parallel_loop3A_575 : vector<16xi32> to vector<32xbf16>
        %parallel_loop3A_577 = arith.subf %parallel_loop3A_570, %parallel_loop3A_576 : vector<32xbf16>
        %parallel_loop3A_578 = arith.index_cast %parallel_loop3A_562 : i32 to index
        %parallel_loop3A_579 = arith.constant 0 : index
        %parallel_loop3A_580 = tpu.vector_load %arg13[%parallel_loop3A_578, %parallel_loop3A_579] {strides = array<i32>} : memref<96x128xi32, #tpu.memory_space<vmem>>, vector<16xi32>,
        %parallel_loop3A_581 = vector.bitcast %parallel_loop3A_580 : vector<16xi32> to vector<32xbf16>
        %parallel_loop3A_582 = arith.constant 48 : i32
        %parallel_loop3A_583 = arith.addi %parallel_loop3A_562, %parallel_loop3A_582 : i32
        %parallel_loop3A_584 = arith.index_cast %parallel_loop3A_583 : i32 to index
        %parallel_loop3A_585 = arith.constant 0 : index
        %parallel_loop3A_586 = tpu.vector_load %arg13[%parallel_loop3A_584, %parallel_loop3A_585] {strides = array<i32>} : memref<96x128xi32, #tpu.memory_space<vmem>>, vector<16xi32>,
        %parallel_loop3A_587 = vector.bitcast %parallel_loop3A_586 : vector<16xi32> to vector<32xbf16>
        %parallel_loop3A_588 = arith.subf %parallel_loop3A_581, %parallel_loop3A_587 : vector<32xbf16>
        %parallel_loop3A_589 = arith.subf %parallel_loop3A_577, %parallel_loop3A_588 : vector<32xbf16>
        %parallel_loop3A_590 = tpu.unpack_subelements %parallel_loop3A_589, 0 {pack_format = #tpu.pack_format<interleaved>} : vector<32xbf16> -> vector<16xf32>
        %parallel_loop3A_591 = tpu.unpack_subelements %parallel_loop3A_589, 1 {pack_format = #tpu.pack_format<interleaved>} : vector<32xbf16> -> vector<16xf32>
        %parallel_loop3A_592 = arith.mulf %parallel_loop3A_590, %parallel_loop3A_590 : vector<16xf32>
        %parallel_loop3A_593 = arith.addf %parallel_loop3A_563, %parallel_loop3A_592 : vector<16xf32>
        %parallel_loop3A_594 = arith.mulf %parallel_loop3A_591, %parallel_loop3A_591 : vector<16xf32>
        %parallel_loop3A_595 = arith.addf %parallel_loop3A_564, %parallel_loop3A_594 : vector<16xf32>
        %parallel_loop3A_596 = arith.index_cast %parallel_loop3A_562 : i32 to index
        %parallel_loop3A_597 = arith.constant 16 : index
        %parallel_loop3A_598 = tpu.vector_load %arg11[%parallel_loop3A_596, %parallel_loop3A_597] {strides = array<i32>} : memref<96x128xi32, #tpu.memory_space<vmem>>, vector<16xi32>,
        %parallel_loop3A_599 = vector.bitcast %parallel_loop3A_598 : vector<16xi32> to vector<32xbf16>
        %parallel_loop3A_600 = arith.constant 48 : i32
        %parallel_loop3A_601 = arith.addi %parallel_loop3A_562, %parallel_loop3A_600 : i32
        %parallel_loop3A_602 = arith.index_cast %parallel_loop3A_601 : i32 to index
        %parallel_loop3A_603 = arith.constant 16 : index
        %parallel_loop3A_604 = tpu.vector_load %arg11[%parallel_loop3A_602, %parallel_loop3A_603] {strides = array<i32>} : memref<96x128xi32, #tpu.memory_space<vmem>>, vector<16xi32>,
        %parallel_loop3A_605 = vector.bitcast %parallel_loop3A_604 : vector<16xi32> to vector<32xbf16>
        %parallel_loop3A_606 = arith.subf %parallel_loop3A_599, %parallel_loop3A_605 : vector<32xbf16>
        %parallel_loop3A_607 = arith.index_cast %parallel_loop3A_562 : i32 to index
        %parallel_loop3A_608 = arith.constant 16 : index
        %parallel_loop3A_609 = tpu.vector_load %arg13[%parallel_loop3A_607, %parallel_loop3A_608] {strides = array<i32>} : memref<96x128xi32, #tpu.memory_space<vmem>>, vector<16xi32>,
        %parallel_loop3A_610 = vector.bitcast %parallel_loop3A_609 : vector<16xi32> to vector<32xbf16>
        %parallel_loop3A_611 = arith.constant 48 : i32
        %parallel_loop3A_612 = arith.addi %parallel_loop3A_562, %parallel_loop3A_611 : i32
        %parallel_loop3A_613 = arith.index_cast %parallel_loop3A_612 : i32 to index
        %parallel_loop3A_614 = arith.constant 16 : index
        %parallel_loop3A_615 = tpu.vector_load %arg13[%parallel_loop3A_613, %parallel_loop3A_614] {strides = array<i32>} : memref<96x128xi32, #tpu.memory_space<vmem>>, vector<16xi32>,
        %parallel_loop3A_616 = vector.bitcast %parallel_loop3A_615 : vector<16xi32> to vector<32xbf16>
        %parallel_loop3A_617 = arith.subf %parallel_loop3A_610, %parallel_loop3A_616 : vector<32xbf16>
        %parallel_loop3A_618 = arith.subf %parallel_loop3A_606, %parallel_loop3A_617 : vector<32xbf16>
        %parallel_loop3A_619 = tpu.unpack_subelements %parallel_loop3A_618, 0 {pack_format = #tpu.pack_format<interleaved>} : vector<32xbf16> -> vector<16xf32>
        %parallel_loop3A_620 = tpu.unpack_subelements %parallel_loop3A_618, 1 {pack_format = #tpu.pack_format<interleaved>} : vector<32xbf16> -> vector<16xf32>
        %parallel_loop3A_621 = arith.mulf %parallel_loop3A_619, %parallel_loop3A_619 : vector<16xf32>
        %parallel_loop3A_622 = arith.addf %parallel_loop3A_565, %parallel_loop3A_621 : vector<16xf32>
        %parallel_loop3A_623 = arith.mulf %parallel_loop3A_620, %parallel_loop3A_620 : vector<16xf32>
        %parallel_loop3A_624 = arith.addf %parallel_loop3A_566, %parallel_loop3A_623 : vector<16xf32>
        %parallel_loop3A_625 = arith.index_cast %parallel_loop3A_562 : i32 to index
        %parallel_loop3A_626 = arith.constant 32 : index
        %parallel_loop3A_627 = tpu.vector_load %arg11[%parallel_loop3A_625, %parallel_loop3A_626] {strides = array<i32>} : memref<96x128xi32, #tpu.memory_space<vmem>>, vector<16xi32>,
        %parallel_loop3A_628 = vector.bitcast %parallel_loop3A_627 : vector<16xi32> to vector<32xbf16>
        %parallel_loop3A_629 = arith.constant 48 : i32
        %parallel_loop3A_630 = arith.addi %parallel_loop3A_562, %parallel_loop3A_629 : i32
        %parallel_loop3A_631 = arith.index_cast %parallel_loop3A_630 : i32 to index
        %parallel_loop3A_632 = arith.constant 32 : index
        %parallel_loop3A_633 = tpu.vector_load %arg11[%parallel_loop3A_631, %parallel_loop3A_632] {strides = array<i32>} : memref<96x128xi32, #tpu.memory_space<vmem>>, vector<16xi32>,
        %parallel_loop3A_634 = vector.bitcast %parallel_loop3A_633 : vector<16xi32> to vector<32xbf16>
        %parallel_loop3A_635 = arith.subf %parallel_loop3A_628, %parallel_loop3A_634 : vector<32xbf16>
        %parallel_loop3A_636 = arith.index_cast %parallel_loop3A_562 : i32 to index
        %parallel_loop3A_637 = arith.constant 32 : index
        %parallel_loop3A_638 = tpu.vector_load %arg13[%parallel_loop3A_636, %parallel_loop3A_637] {strides = array<i32>} : memref<96x128xi32, #tpu.memory_space<vmem>>, vector<16xi32>,
        %parallel_loop3A_639 = vector.bitcast %parallel_loop3A_638 : vector<16xi32> to vector<32xbf16>
        %parallel_loop3A_640 = arith.constant 48 : i32
        %parallel_loop3A_641 = arith.addi %parallel_loop3A_562, %parallel_loop3A_640 : i32
        %parallel_loop3A_642 = arith.index_cast %parallel_loop3A_641 : i32 to index
        %parallel_loop3A_643 = arith.constant 32 : index
        %parallel_loop3A_644 = tpu.vector_load %arg13[%parallel_loop3A_642, %parallel_loop3A_643] {strides = array<i32>} : memref<96x128xi32, #tpu.memory_space<vmem>>, vector<16xi32>,
        %parallel_loop3A_645 = vector.bitcast %parallel_loop3A_644 : vector<16xi32> to vector<32xbf16>
        %parallel_loop3A_646 = arith.subf %parallel_loop3A_639, %parallel_loop3A_645 : vector<32xbf16>
        %parallel_loop3A_647 = arith.subf %parallel_loop3A_635, %parallel_loop3A_646 : vector<32xbf16>
        %parallel_loop3A_648 = tpu.unpack_subelements %parallel_loop3A_647, 0 {pack_format = #tpu.pack_format<interleaved>} : vector<32xbf16> -> vector<16xf32>
        %parallel_loop3A_649 = tpu.unpack_subelements %parallel_loop3A_647, 1 {pack_format = #tpu.pack_format<interleaved>} : vector<32xbf16> -> vector<16xf32>
        %parallel_loop3A_650 = arith.mulf %parallel_loop3A_648, %parallel_loop3A_648 : vector<16xf32>
        %parallel_loop3A_651 = arith.addf %parallel_loop3A_593, %parallel_loop3A_650 : vector<16xf32>
        %parallel_loop3A_652 = arith.mulf %parallel_loop3A_649, %parallel_loop3A_649 : vector<16xf32>
        %parallel_loop3A_653 = arith.addf %parallel_loop3A_595, %parallel_loop3A_652 : vector<16xf32>
        %parallel_loop3A_654 = arith.index_cast %parallel_loop3A_562 : i32 to index
        %parallel_loop3A_655 = arith.constant 48 : index
        %parallel_loop3A_656 = tpu.vector_load %arg11[%parallel_loop3A_654, %parallel_loop3A_655] {strides = array<i32>} : memref<96x128xi32, #tpu.memory_space<vmem>>, vector<16xi32>,
        %parallel_loop3A_657 = vector.bitcast %parallel_loop3A_656 : vector<16xi32> to vector<32xbf16>
        %parallel_loop3A_658 = arith.constant 48 : i32
        %parallel_loop3A_659 = arith.addi %parallel_loop3A_562, %parallel_loop3A_658 : i32
        %parallel_loop3A_660 = arith.index_cast %parallel_loop3A_659 : i32 to index
        %parallel_loop3A_661 = arith.constant 48 : index
        %parallel_loop3A_662 = tpu.vector_load %arg11[%parallel_loop3A_660, %parallel_loop3A_661] {strides = array<i32>} : memref<96x128xi32, #tpu.memory_space<vmem>>, vector<16xi32>,
        %parallel_loop3A_663 = vector.bitcast %parallel_loop3A_662 : vector<16xi32> to vector<32xbf16>
        %parallel_loop3A_664 = arith.subf %parallel_loop3A_657, %parallel_loop3A_663 : vector<32xbf16>
        %parallel_loop3A_665 = arith.index_cast %parallel_loop3A_562 : i32 to index
        %parallel_loop3A_666 = arith.constant 48 : index
        %parallel_loop3A_667 = tpu.vector_load %arg13[%parallel_loop3A_665, %parallel_loop3A_666] {strides = array<i32>} : memref<96x128xi32, #tpu.memory_space<vmem>>, vector<16xi32>,
        %parallel_loop3A_668 = vector.bitcast %parallel_loop3A_667 : vector<16xi32> to vector<32xbf16>
        %parallel_loop3A_669 = arith.constant 48 : i32
        %parallel_loop3A_670 = arith.addi %parallel_loop3A_562, %parallel_loop3A_669 : i32
        %parallel_loop3A_671 = arith.index_cast %parallel_loop3A_670 : i32 to index
        %parallel_loop3A_672 = arith.constant 48 : index
        %parallel_loop3A_673 = tpu.vector_load %arg13[%parallel_loop3A_671, %parallel_loop3A_672] {strides = array<i32>} : memref<96x128xi32, #tpu.memory_space<vmem>>, vector<16xi32>,
        %parallel_loop3A_674 = vector.bitcast %parallel_loop3A_673 : vector<16xi32> to vector<32xbf16>
        %parallel_loop3A_675 = arith.subf %parallel_loop3A_668, %parallel_loop3A_674 : vector<32xbf16>
        %parallel_loop3A_676 = arith.subf %parallel_loop3A_664, %parallel_loop3A_675 : vector<32xbf16>
        %parallel_loop3A_677 = tpu.unpack_subelements %parallel_loop3A_676, 0 {pack_format = #tpu.pack_format<interleaved>} : vector<32xbf16> -> vector<16xf32>
        %parallel_loop3A_678 = tpu.unpack_subelements %parallel_loop3A_676, 1 {pack_format = #tpu.pack_format<interleaved>} : vector<32xbf16> -> vector<16xf32>
        %parallel_loop3A_679 = arith.mulf %parallel_loop3A_677, %parallel_loop3A_677 : vector<16xf32>
        %parallel_loop3A_680 = arith.addf %parallel_loop3A_622, %parallel_loop3A_679 : vector<16xf32>
        %parallel_loop3A_681 = arith.mulf %parallel_loop3A_678, %parallel_loop3A_678 : vector<16xf32>
        %parallel_loop3A_682 = arith.addf %parallel_loop3A_624, %parallel_loop3A_681 : vector<16xf32>
        %parallel_loop3A_683 = arith.index_cast %parallel_loop3A_562 : i32 to index
        %parallel_loop3A_684 = arith.constant 64 : index
        %parallel_loop3A_685 = tpu.vector_load %arg11[%parallel_loop3A_683, %parallel_loop3A_684] {strides = array<i32>} : memref<96x128xi32, #tpu.memory_space<vmem>>, vector<16xi32>,
        %parallel_loop3A_686 = vector.bitcast %parallel_loop3A_685 : vector<16xi32> to vector<32xbf16>
        %parallel_loop3A_687 = arith.constant 48 : i32
        %parallel_loop3A_688 = arith.addi %parallel_loop3A_562, %parallel_loop3A_687 : i32
        %parallel_loop3A_689 = arith.index_cast %parallel_loop3A_688 : i32 to index
        %parallel_loop3A_690 = arith.constant 64 : index
        %parallel_loop3A_691 = tpu.vector_load %arg11[%parallel_loop3A_689, %parallel_loop3A_690] {strides = array<i32>} : memref<96x128xi32, #tpu.memory_space<vmem>>, vector<16xi32>,
        %parallel_loop3A_692 = vector.bitcast %parallel_loop3A_691 : vector<16xi32> to vector<32xbf16>
        %parallel_loop3A_693 = arith.subf %parallel_loop3A_686, %parallel_loop3A_692 : vector<32xbf16>
        %parallel_loop3A_694 = arith.index_cast %parallel_loop3A_562 : i32 to index
        %parallel_loop3A_695 = arith.constant 64 : index
        %parallel_loop3A_696 = tpu.vector_load %arg13[%parallel_loop3A_694, %parallel_loop3A_695] {strides = array<i32>} : memref<96x128xi32, #tpu.memory_space<vmem>>, vector<16xi32>,
        %parallel_loop3A_697 = vector.bitcast %parallel_loop3A_696 : vector<16xi32> to vector<32xbf16>
        %parallel_loop3A_698 = arith.constant 48 : i32
        %parallel_loop3A_699 = arith.addi %parallel_loop3A_562, %parallel_loop3A_698 : i32
        %parallel_loop3A_700 = arith.index_cast %parallel_loop3A_699 : i32 to index
        %parallel_loop3A_701 = arith.constant 64 : index
        %parallel_loop3A_702 = tpu.vector_load %arg13[%parallel_loop3A_700, %parallel_loop3A_701] {strides = array<i32>} : memref<96x128xi32, #tpu.memory_space<vmem>>, vector<16xi32>,
        %parallel_loop3A_703 = vector.bitcast %parallel_loop3A_702 : vector<16xi32> to vector<32xbf16>
        %parallel_loop3A_704 = arith.subf %parallel_loop3A_697, %parallel_loop3A_703 : vector<32xbf16>
        %parallel_loop3A_705 = arith.subf %parallel_loop3A_693, %parallel_loop3A_704 : vector<32xbf16>
        %parallel_loop3A_706 = tpu.unpack_subelements %parallel_loop3A_705, 0 {pack_format = #tpu.pack_format<interleaved>} : vector<32xbf16> -> vector<16xf32>
        %parallel_loop3A_707 = tpu.unpack_subelements %parallel_loop3A_705, 1 {pack_format = #tpu.pack_format<interleaved>} : vector<32xbf16> -> vector<16xf32>
        %parallel_loop3A_708 = arith.mulf %parallel_loop3A_706, %parallel_loop3A_706 : vector<16xf32>
        %parallel_loop3A_709 = arith.addf %parallel_loop3A_651, %parallel_loop3A_708 : vector<16xf32>
        %parallel_loop3A_710 = arith.mulf %parallel_loop3A_707, %parallel_loop3A_707 : vector<16xf32>
        %parallel_loop3A_711 = arith.addf %parallel_loop3A_653, %parallel_loop3A_710 : vector<16xf32>
        %parallel_loop3A_712 = arith.index_cast %parallel_loop3A_562 : i32 to index
        %parallel_loop3A_713 = arith.constant 80 : index
        %parallel_loop3A_714 = tpu.vector_load %arg11[%parallel_loop3A_712, %parallel_loop3A_713] {strides = array<i32>} : memref<96x128xi32, #tpu.memory_space<vmem>>, vector<16xi32>,
        %parallel_loop3A_715 = vector.bitcast %parallel_loop3A_714 : vector<16xi32> to vector<32xbf16>
        %parallel_loop3A_716 = arith.constant 48 : i32
        %parallel_loop3A_717 = arith.addi %parallel_loop3A_562, %parallel_loop3A_716 : i32
        %parallel_loop3A_718 = arith.index_cast %parallel_loop3A_717 : i32 to index
        %parallel_loop3A_719 = arith.constant 80 : index
        %parallel_loop3A_720 = tpu.vector_load %arg11[%parallel_loop3A_718, %parallel_loop3A_719] {strides = array<i32>} : memref<96x128xi32, #tpu.memory_space<vmem>>, vector<16xi32>,
        %parallel_loop3A_721 = vector.bitcast %parallel_loop3A_720 : vector<16xi32> to vector<32xbf16>
        %parallel_loop3A_722 = arith.subf %parallel_loop3A_715, %parallel_loop3A_721 : vector<32xbf16>
        %parallel_loop3A_723 = arith.index_cast %parallel_loop3A_562 : i32 to index
        %parallel_loop3A_724 = arith.constant 80 : index
        %parallel_loop3A_725 = tpu.vector_load %arg13[%parallel_loop3A_723, %parallel_loop3A_724] {strides = array<i32>} : memref<96x128xi32, #tpu.memory_space<vmem>>, vector<16xi32>,
        %parallel_loop3A_726 = vector.bitcast %parallel_loop3A_725 : vector<16xi32> to vector<32xbf16>
        %parallel_loop3A_727 = arith.constant 48 : i32
        %parallel_loop3A_728 = arith.addi %parallel_loop3A_562, %parallel_loop3A_727 : i32
        %parallel_loop3A_729 = arith.index_cast %parallel_loop3A_728 : i32 to index
        %parallel_loop3A_730 = arith.constant 80 : index
        %parallel_loop3A_731 = tpu.vector_load %arg13[%parallel_loop3A_729, %parallel_loop3A_730] {strides = array<i32>} : memref<96x128xi32, #tpu.memory_space<vmem>>, vector<16xi32>,
        %parallel_loop3A_732 = vector.bitcast %parallel_loop3A_731 : vector<16xi32> to vector<32xbf16>
        %parallel_loop3A_733 = arith.subf %parallel_loop3A_726, %parallel_loop3A_732 : vector<32xbf16>
        %parallel_loop3A_734 = arith.subf %parallel_loop3A_722, %parallel_loop3A_733 : vector<32xbf16>
        %parallel_loop3A_735 = tpu.unpack_subelements %parallel_loop3A_734, 0 {pack_format = #tpu.pack_format<interleaved>} : vector<32xbf16> -> vector<16xf32>
        %parallel_loop3A_736 = tpu.unpack_subelements %parallel_loop3A_734, 1 {pack_format = #tpu.pack_format<interleaved>} : vector<32xbf16> -> vector<16xf32>
        %parallel_loop3A_737 = arith.mulf %parallel_loop3A_735, %parallel_loop3A_735 : vector<16xf32>
        %parallel_loop3A_738 = arith.addf %parallel_loop3A_680, %parallel_loop3A_737 : vector<16xf32>
        %parallel_loop3A_739 = arith.mulf %parallel_loop3A_736, %parallel_loop3A_736 : vector<16xf32>
        %parallel_loop3A_740 = arith.addf %parallel_loop3A_682, %parallel_loop3A_739 : vector<16xf32>
        %parallel_loop3A_741 = arith.index_cast %parallel_loop3A_562 : i32 to index
        %parallel_loop3A_742 = arith.constant 96 : index
        %parallel_loop3A_743 = tpu.vector_load %arg11[%parallel_loop3A_741, %parallel_loop3A_742] {strides = array<i32>} : memref<96x128xi32, #tpu.memory_space<vmem>>, vector<16xi32>,
        %parallel_loop3A_744 = vector.bitcast %parallel_loop3A_743 : vector<16xi32> to vector<32xbf16>
        %parallel_loop3A_745 = arith.constant 48 : i32
        %parallel_loop3A_746 = arith.addi %parallel_loop3A_562, %parallel_loop3A_745 : i32
        %parallel_loop3A_747 = arith.index_cast %parallel_loop3A_746 : i32 to index
        %parallel_loop3A_748 = arith.constant 96 : index
        %parallel_loop3A_749 = tpu.vector_load %arg11[%parallel_loop3A_747, %parallel_loop3A_748] {strides = array<i32>} : memref<96x128xi32, #tpu.memory_space<vmem>>, vector<16xi32>,
        %parallel_loop3A_750 = vector.bitcast %parallel_loop3A_749 : vector<16xi32> to vector<32xbf16>
        %parallel_loop3A_751 = arith.subf %parallel_loop3A_744, %parallel_loop3A_750 : vector<32xbf16>
        %parallel_loop3A_752 = arith.index_cast %parallel_loop3A_562 : i32 to index
        %parallel_loop3A_753 = arith.constant 96 : index
        %parallel_loop3A_754 = tpu.vector_load %arg13[%parallel_loop3A_752, %parallel_loop3A_753] {strides = array<i32>} : memref<96x128xi32, #tpu.memory_space<vmem>>, vector<16xi32>,
        %parallel_loop3A_755 = vector.bitcast %parallel_loop3A_754 : vector<16xi32> to vector<32xbf16>
        %parallel_loop3A_756 = arith.constant 48 : i32
        %parallel_loop3A_757 = arith.addi %parallel_loop3A_562, %parallel_loop3A_756 : i32
        %parallel_loop3A_758 = arith.index_cast %parallel_loop3A_757 : i32 to index
        %parallel_loop3A_759 = arith.constant 96 : index
        %parallel_loop3A_760 = tpu.vector_load %arg13[%parallel_loop3A_758, %parallel_loop3A_759] {strides = array<i32>} : memref<96x128xi32, #tpu.memory_space<vmem>>, vector<16xi32>,
        %parallel_loop3A_761 = vector.bitcast %parallel_loop3A_760 : vector<16xi32> to vector<32xbf16>
        %parallel_loop3A_762 = arith.subf %parallel_loop3A_755, %parallel_loop3A_761 : vector<32xbf16>
        %parallel_loop3A_763 = arith.subf %parallel_loop3A_751, %parallel_loop3A_762 : vector<32xbf16>
        %parallel_loop3A_764 = tpu.unpack_subelements %parallel_loop3A_763, 0 {pack_format = #tpu.pack_format<interleaved>} : vector<32xbf16> -> vector<16xf32>
        %parallel_loop3A_765 = tpu.unpack_subelements %parallel_loop3A_763, 1 {pack_format = #tpu.pack_format<interleaved>} : vector<32xbf16> -> vector<16xf32>
        %parallel_loop3A_766 = arith.mulf %parallel_loop3A_764, %parallel_loop3A_764 : vector<16xf32>
        %parallel_loop3A_767 = arith.addf %parallel_loop3A_709, %parallel_loop3A_766 : vector<16xf32>
        %parallel_loop3A_768 = arith.mulf %parallel_loop3A_765, %parallel_loop3A_765 : vector<16xf32>
        %parallel_loop3A_769 = arith.addf %parallel_loop3A_711, %parallel_loop3A_768 : vector<16xf32>
        %parallel_loop3A_770 = arith.index_cast %parallel_loop3A_562 : i32 to index
        %parallel_loop3A_771 = arith.constant 112 : index
        %parallel_loop3A_772 = tpu.vector_load %arg11[%parallel_loop3A_770, %parallel_loop3A_771] {strides = array<i32>} : memref<96x128xi32, #tpu.memory_space<vmem>>, vector<16xi32>,
        %parallel_loop3A_773 = vector.bitcast %parallel_loop3A_772 : vector<16xi32> to vector<32xbf16>
        %parallel_loop3A_774 = arith.constant 48 : i32
        %parallel_loop3A_775 = arith.addi %parallel_loop3A_562, %parallel_loop3A_774 : i32
        %parallel_loop3A_776 = arith.index_cast %parallel_loop3A_775 : i32 to index
        %parallel_loop3A_777 = arith.constant 112 : index
        %parallel_loop3A_778 = tpu.vector_load %arg11[%parallel_loop3A_776, %parallel_loop3A_777] {strides = array<i32>} : memref<96x128xi32, #tpu.memory_space<vmem>>, vector<16xi32>,
        %parallel_loop3A_779 = vector.bitcast %parallel_loop3A_778 : vector<16xi32> to vector<32xbf16>
        %parallel_loop3A_780 = arith.subf %parallel_loop3A_773, %parallel_loop3A_779 : vector<32xbf16>
        %parallel_loop3A_781 = arith.index_cast %parallel_loop3A_562 : i32 to index
        %parallel_loop3A_782 = arith.constant 112 : index
        %parallel_loop3A_783 = tpu.vector_load %arg13[%parallel_loop3A_781, %parallel_loop3A_782] {strides = array<i32>} : memref<96x128xi32, #tpu.memory_space<vmem>>, vector<16xi32>,
        %parallel_loop3A_784 = vector.bitcast %parallel_loop3A_783 : vector<16xi32> to vector<32xbf16>
        %parallel_loop3A_785 = arith.constant 48 : i32
        %parallel_loop3A_786 = arith.addi %parallel_loop3A_562, %parallel_loop3A_785 : i32
        %parallel_loop3A_787 = arith.index_cast %parallel_loop3A_786 : i32 to index
        %parallel_loop3A_788 = arith.constant 112 : index
        %parallel_loop3A_789 = tpu.vector_load %arg13[%parallel_loop3A_787, %parallel_loop3A_788] {strides = array<i32>} : memref<96x128xi32, #tpu.memory_space<vmem>>, vector<16xi32>,
        %parallel_loop3A_790 = vector.bitcast %parallel_loop3A_789 : vector<16xi32> to vector<32xbf16>
        %parallel_loop3A_791 = arith.subf %parallel_loop3A_784, %parallel_loop3A_790 : vector<32xbf16>
        %parallel_loop3A_792 = arith.subf %parallel_loop3A_780, %parallel_loop3A_791 : vector<32xbf16>
        %parallel_loop3A_793 = tpu.unpack_subelements %parallel_loop3A_792, 0 {pack_format = #tpu.pack_format<interleaved>} : vector<32xbf16> -> vector<16xf32>
        %parallel_loop3A_794 = tpu.unpack_subelements %parallel_loop3A_792, 1 {pack_format = #tpu.pack_format<interleaved>} : vector<32xbf16> -> vector<16xf32>
        %parallel_loop3A_795 = arith.mulf %parallel_loop3A_793, %parallel_loop3A_793 : vector<16xf32>
        %parallel_loop3A_796 = arith.addf %parallel_loop3A_738, %parallel_loop3A_795 : vector<16xf32>
        %parallel_loop3A_797 = arith.mulf %parallel_loop3A_794, %parallel_loop3A_794 : vector<16xf32>
        %parallel_loop3A_798 = arith.addf %parallel_loop3A_740, %parallel_loop3A_797 : vector<16xf32>
        scf.yield %parallel_loop3A_767, %parallel_loop3A_769, %parallel_loop3A_796, %parallel_loop3A_798 : vector<16xf32>, vector<16xf32>, vector<16xf32>, vector<16xf32>
      } {sc.loop_unroll_factor = 2 : i64, sc.parallel_access}
      %get3A_407 = arith.constant 0 : index
      %get3A_408 = tpu.vector_load %arg17[%get3A_407] {strides = array<i32>} : memref<16xf32, #tpu.memory_space<vmem>>, vector<16xf32>,
      %add3A_409 = arith.addf %parallel_loop3A_406#0, %parallel_loop3A_406#1 : vector<16xf32>
      %add3A_410 = arith.addf %get3A_408, %add3A_409 : vector<16xf32>
      %add3A_411 = arith.addf %parallel_loop3A_406#2, %parallel_loop3A_406#3 : vector<16xf32>
      %add3A_412 = arith.addf %add3A_410, %add3A_411 : vector<16xf32>
      %swap3A_413 = arith.constant 0 : index
      %swap3A_414 = tpu.vector_load %arg17[%swap3A_413] {strides = array<i32>} : memref<16xf32, #tpu.memory_space<vmem>>, vector<16xf32>,
      tpu.vector_store %arg17[%swap3A_413], %add3A_412 {strides = array<i32>} : memref<16xf32, #tpu.memory_space<vmem>>, vector<16xf32>,
      %add3A_415 = arith.constant 2 : i32
      %add3A_416 = arith.addi %add3A_282, %add3A_415 : i32
      %lt3A = arith.constant 42 : i32
      %lt3A_417 = arith.cmpi slt, %add3A_416, %lt3A : i32
      %convert_element_type3A = arith.extui %lt3A_417 : i1 to i32
      %cond3A = arith.constant 0 : i32
      %cond3A_418 = arith.cmpi ne, %convert_element_type3A, %cond3A : i32
      scf.if %cond3A_418 {
        %dma_start3A_562 = arith.constant 0 : i32
        %dma_start3A_563 = arith.constant 0 : i32
        %dma_start3A_564 = arith.constant 0 : i32
        %dma_start3A_565 = tpu.memref_slice %arg11[%dma_start3A_563, %dma_start3A_564] : memref<96x128xi32, #tpu.memory_space<vmem>> -> memref<16x128xi32, #tpu.memory_space<vmem>>
        %dma_start3A_566 = arith.constant 0 : i32
        %dma_start3A_567 = tpu.memref_slice %arg15[%add3A_416, %dma_start3A_562, %dma_start3A_566] : memref<42x2x16xi32, #tpu.memory_space<vmem>> -> memref<1x1x16xi32, #tpu.memory_space<vmem>>
        %dma_start3A_568 = tpu.memref_squeeze %dma_start3A_567 : memref<1x1x16xi32, #tpu.memory_space<vmem>> -> memref<16xi32, #tpu.memory_space<vmem>>
        %dma_start3A_569 = arith.constant 0 : i32
        %dma_start3A_570 = arith.constant 0 : i32
        %dma_start3A_571 = tpu.memref_slice %arg2[%dma_start3A_569, %dma_start3A_570] : memref<10475x128xi32, #tpu.memory_space<hbm>> -> memref<10475x128xi32, #tpu.memory_space<hbm>>
        tpu.enqueue_indirect_dma source(%dma_start3A_571 : memref<10475x128xi32, #tpu.memory_space<hbm>>) target(%dma_start3A_565 : memref<16x128xi32, #tpu.memory_space<vmem>>) offsets(%dma_start3A_568 : memref<16xi32, #tpu.memory_space<vmem>>) semaphore(%arg18 : memref<!tpu.dma_semaphore, #tpu.memory_space<semaphore_mem>>)
        %dma_start3A_572 = arith.constant 0 : i32
        %dma_start3A_573 = arith.constant 16 : i32
        %dma_start3A_574 = arith.constant 0 : i32
        %dma_start3A_575 = tpu.memref_slice %arg11[%dma_start3A_573, %dma_start3A_574] : memref<96x128xi32, #tpu.memory_space<vmem>> -> memref<16x128xi32, #tpu.memory_space<vmem>>
        %dma_start3A_576 = arith.constant 0 : i32
        %dma_start3A_577 = tpu.memref_slice %arg15[%add3A_416, %dma_start3A_572, %dma_start3A_576] : memref<42x2x16xi32, #tpu.memory_space<vmem>> -> memref<1x1x16xi32, #tpu.memory_space<vmem>>
        %dma_start3A_578 = tpu.memref_squeeze %dma_start3A_577 : memref<1x1x16xi32, #tpu.memory_space<vmem>> -> memref<16xi32, #tpu.memory_space<vmem>>
        %dma_start3A_579 = arith.constant 0 : i32
        %dma_start3A_580 = arith.constant 0 : i32
        %dma_start3A_581 = tpu.memref_slice %arg3[%dma_start3A_579, %dma_start3A_580] : memref<10475x128xi32, #tpu.memory_space<hbm>> -> memref<10475x128xi32, #tpu.memory_space<hbm>>
        tpu.enqueue_indirect_dma source(%dma_start3A_581 : memref<10475x128xi32, #tpu.memory_space<hbm>>) target(%dma_start3A_575 : memref<16x128xi32, #tpu.memory_space<vmem>>) offsets(%dma_start3A_578 : memref<16xi32, #tpu.memory_space<vmem>>) semaphore(%arg18 : memref<!tpu.dma_semaphore, #tpu.memory_space<semaphore_mem>>)
        %dma_start3A_582 = arith.constant 0 : i32
        %dma_start3A_583 = arith.constant 32 : i32
        %dma_start3A_584 = arith.constant 0 : i32
        %dma_start3A_585 = tpu.memref_slice %arg11[%dma_start3A_583, %dma_start3A_584] : memref<96x128xi32, #tpu.memory_space<vmem>> -> memref<16x128xi32, #tpu.memory_space<vmem>>
        %dma_start3A_586 = arith.constant 0 : i32
        %dma_start3A_587 = tpu.memref_slice %arg15[%add3A_416, %dma_start3A_582, %dma_start3A_586] : memref<42x2x16xi32, #tpu.memory_space<vmem>> -> memref<1x1x16xi32, #tpu.memory_space<vmem>>
        %dma_start3A_588 = tpu.memref_squeeze %dma_start3A_587 : memref<1x1x16xi32, #tpu.memory_space<vmem>> -> memref<16xi32, #tpu.memory_space<vmem>>
        %dma_start3A_589 = arith.constant 0 : i32
        %dma_start3A_590 = arith.constant 0 : i32
        %dma_start3A_591 = tpu.memref_slice %arg4[%dma_start3A_589, %dma_start3A_590] : memref<10475x128xi32, #tpu.memory_space<hbm>> -> memref<10475x128xi32, #tpu.memory_space<hbm>>
        tpu.enqueue_indirect_dma source(%dma_start3A_591 : memref<10475x128xi32, #tpu.memory_space<hbm>>) target(%dma_start3A_585 : memref<16x128xi32, #tpu.memory_space<vmem>>) offsets(%dma_start3A_588 : memref<16xi32, #tpu.memory_space<vmem>>) semaphore(%arg18 : memref<!tpu.dma_semaphore, #tpu.memory_space<semaphore_mem>>)
        %dma_start3A_592 = arith.constant 1 : i32
        %dma_start3A_593 = arith.constant 48 : i32
        %dma_start3A_594 = arith.constant 0 : i32
        %dma_start3A_595 = tpu.memref_slice %arg11[%dma_start3A_593, %dma_start3A_594] : memref<96x128xi32, #tpu.memory_space<vmem>> -> memref<16x128xi32, #tpu.memory_space<vmem>>
        %dma_start3A_596 = arith.constant 0 : i32
        %dma_start3A_597 = tpu.memref_slice %arg15[%add3A_416, %dma_start3A_592, %dma_start3A_596] : memref<42x2x16xi32, #tpu.memory_space<vmem>> -> memref<1x1x16xi32, #tpu.memory_space<vmem>>
        %dma_start3A_598 = tpu.memref_squeeze %dma_start3A_597 : memref<1x1x16xi32, #tpu.memory_space<vmem>> -> memref<16xi32, #tpu.memory_space<vmem>>
        %dma_start3A_599 = arith.constant 0 : i32
        %dma_start3A_600 = arith.constant 0 : i32
        %dma_start3A_601 = tpu.memref_slice %arg2[%dma_start3A_599, %dma_start3A_600] : memref<10475x128xi32, #tpu.memory_space<hbm>> -> memref<10475x128xi32, #tpu.memory_space<hbm>>
        tpu.enqueue_indirect_dma source(%dma_start3A_601 : memref<10475x128xi32, #tpu.memory_space<hbm>>) target(%dma_start3A_595 : memref<16x128xi32, #tpu.memory_space<vmem>>) offsets(%dma_start3A_598 : memref<16xi32, #tpu.memory_space<vmem>>) semaphore(%arg18 : memref<!tpu.dma_semaphore, #tpu.memory_space<semaphore_mem>>)
        %dma_start3A_602 = arith.constant 1 : i32
        %dma_start3A_603 = arith.constant 64 : i32
        %dma_start3A_604 = arith.constant 0 : i32
        %dma_start3A_605 = tpu.memref_slice %arg11[%dma_start3A_603, %dma_start3A_604] : memref<96x128xi32, #tpu.memory_space<vmem>> -> memref<16x128xi32, #tpu.memory_space<vmem>>
        %dma_start3A_606 = arith.constant 0 : i32
        %dma_start3A_607 = tpu.memref_slice %arg15[%add3A_416, %dma_start3A_602, %dma_start3A_606] : memref<42x2x16xi32, #tpu.memory_space<vmem>> -> memref<1x1x16xi32, #tpu.memory_space<vmem>>
        %dma_start3A_608 = tpu.memref_squeeze %dma_start3A_607 : memref<1x1x16xi32, #tpu.memory_space<vmem>> -> memref<16xi32, #tpu.memory_space<vmem>>
        %dma_start3A_609 = arith.constant 0 : i32
        %dma_start3A_610 = arith.constant 0 : i32
        %dma_start3A_611 = tpu.memref_slice %arg3[%dma_start3A_609, %dma_start3A_610] : memref<10475x128xi32, #tpu.memory_space<hbm>> -> memref<10475x128xi32, #tpu.memory_space<hbm>>
        tpu.enqueue_indirect_dma source(%dma_start3A_611 : memref<10475x128xi32, #tpu.memory_space<hbm>>) target(%dma_start3A_605 : memref<16x128xi32, #tpu.memory_space<vmem>>) offsets(%dma_start3A_608 : memref<16xi32, #tpu.memory_space<vmem>>) semaphore(%arg18 : memref<!tpu.dma_semaphore, #tpu.memory_space<semaphore_mem>>)
        %dma_start3A_612 = arith.constant 1 : i32
        %dma_start3A_613 = arith.constant 80 : i32
        %dma_start3A_614 = arith.constant 0 : i32
        %dma_start3A_615 = tpu.memref_slice %arg11[%dma_start3A_613, %dma_start3A_614] : memref<96x128xi32, #tpu.memory_space<vmem>> -> memref<16x128xi32, #tpu.memory_space<vmem>>
        %dma_start3A_616 = arith.constant 0 : i32
        %dma_start3A_617 = tpu.memref_slice %arg15[%add3A_416, %dma_start3A_612, %dma_start3A_616] : memref<42x2x16xi32, #tpu.memory_space<vmem>> -> memref<1x1x16xi32, #tpu.memory_space<vmem>>
        %dma_start3A_618 = tpu.memref_squeeze %dma_start3A_617 : memref<1x1x16xi32, #tpu.memory_space<vmem>> -> memref<16xi32, #tpu.memory_space<vmem>>
        %dma_start3A_619 = arith.constant 0 : i32
        %dma_start3A_620 = arith.constant 0 : i32
        %dma_start3A_621 = tpu.memref_slice %arg4[%dma_start3A_619, %dma_start3A_620] : memref<10475x128xi32, #tpu.memory_space<hbm>> -> memref<10475x128xi32, #tpu.memory_space<hbm>>
        tpu.enqueue_indirect_dma source(%dma_start3A_621 : memref<10475x128xi32, #tpu.memory_space<hbm>>) target(%dma_start3A_615 : memref<16x128xi32, #tpu.memory_space<vmem>>) offsets(%dma_start3A_618 : memref<16xi32, #tpu.memory_space<vmem>>) semaphore(%arg18 : memref<!tpu.dma_semaphore, #tpu.memory_space<semaphore_mem>>)
        %dma_start3A_622 = arith.constant 0 : i32
        %dma_start3A_623 = arith.constant 0 : i32
        %dma_start3A_624 = arith.constant 0 : i32
        %dma_start3A_625 = tpu.memref_slice %arg13[%dma_start3A_623, %dma_start3A_624] : memref<96x128xi32, #tpu.memory_space<vmem>> -> memref<16x128xi32, #tpu.memory_space<vmem>>
        %dma_start3A_626 = arith.constant 0 : i32
        %dma_start3A_627 = tpu.memref_slice %arg16[%add3A_416, %dma_start3A_622, %dma_start3A_626] : memref<42x2x16xi32, #tpu.memory_space<vmem>> -> memref<1x1x16xi32, #tpu.memory_space<vmem>>
        %dma_start3A_628 = tpu.memref_squeeze %dma_start3A_627 : memref<1x1x16xi32, #tpu.memory_space<vmem>> -> memref<16xi32, #tpu.memory_space<vmem>>
        %dma_start3A_629 = arith.constant 0 : i32
        %dma_start3A_630 = arith.constant 0 : i32
        %dma_start3A_631 = tpu.memref_slice %arg5[%dma_start3A_629, %dma_start3A_630] : memref<10475x128xi32, #tpu.memory_space<hbm>> -> memref<10475x128xi32, #tpu.memory_space<hbm>>
        tpu.enqueue_indirect_dma source(%dma_start3A_631 : memref<10475x128xi32, #tpu.memory_space<hbm>>) target(%dma_start3A_625 : memref<16x128xi32, #tpu.memory_space<vmem>>) offsets(%dma_start3A_628 : memref<16xi32, #tpu.memory_space<vmem>>) semaphore(%arg20 : memref<!tpu.dma_semaphore, #tpu.memory_space<semaphore_mem>>)
        %dma_start3A_632 = arith.constant 0 : i32
        %dma_start3A_633 = arith.constant 16 : i32
        %dma_start3A_634 = arith.constant 0 : i32
        %dma_start3A_635 = tpu.memref_slice %arg13[%dma_start3A_633, %dma_start3A_634] : memref<96x128xi32, #tpu.memory_space<vmem>> -> memref<16x128xi32, #tpu.memory_space<vmem>>
        %dma_start3A_636 = arith.constant 0 : i32
        %dma_start3A_637 = tpu.memref_slice %arg16[%add3A_416, %dma_start3A_632, %dma_start3A_636] : memref<42x2x16xi32, #tpu.memory_space<vmem>> -> memref<1x1x16xi32, #tpu.memory_space<vmem>>
        %dma_start3A_638 = tpu.memref_squeeze %dma_start3A_637 : memref<1x1x16xi32, #tpu.memory_space<vmem>> -> memref<16xi32, #tpu.memory_space<vmem>>
        %dma_start3A_639 = arith.constant 0 : i32
        %dma_start3A_640 = arith.constant 0 : i32
        %dma_start3A_641 = tpu.memref_slice %arg6[%dma_start3A_639, %dma_start3A_640] : memref<10475x128xi32, #tpu.memory_space<hbm>> -> memref<10475x128xi32, #tpu.memory_space<hbm>>
        tpu.enqueue_indirect_dma source(%dma_start3A_641 : memref<10475x128xi32, #tpu.memory_space<hbm>>) target(%dma_start3A_635 : memref<16x128xi32, #tpu.memory_space<vmem>>) offsets(%dma_start3A_638 : memref<16xi32, #tpu.memory_space<vmem>>) semaphore(%arg20 : memref<!tpu.dma_semaphore, #tpu.memory_space<semaphore_mem>>)
        %dma_start3A_642 = arith.constant 0 : i32
        %dma_start3A_643 = arith.constant 32 : i32
        %dma_start3A_644 = arith.constant 0 : i32
        %dma_start3A_645 = tpu.memref_slice %arg13[%dma_start3A_643, %dma_start3A_644] : memref<96x128xi32, #tpu.memory_space<vmem>> -> memref<16x128xi32, #tpu.memory_space<vmem>>
        %dma_start3A_646 = arith.constant 0 : i32
        %dma_start3A_647 = tpu.memref_slice %arg16[%add3A_416, %dma_start3A_642, %dma_start3A_646] : memref<42x2x16xi32, #tpu.memory_space<vmem>> -> memref<1x1x16xi32, #tpu.memory_space<vmem>>
        %dma_start3A_648 = tpu.memref_squeeze %dma_start3A_647 : memref<1x1x16xi32, #tpu.memory_space<vmem>> -> memref<16xi32, #tpu.memory_space<vmem>>
        %dma_start3A_649 = arith.constant 0 : i32
        %dma_start3A_650 = arith.constant 0 : i32
        %dma_start3A_651 = tpu.memref_slice %arg7[%dma_start3A_649, %dma_start3A_650] : memref<10475x128xi32, #tpu.memory_space<hbm>> -> memref<10475x128xi32, #tpu.memory_space<hbm>>
        tpu.enqueue_indirect_dma source(%dma_start3A_651 : memref<10475x128xi32, #tpu.memory_space<hbm>>) target(%dma_start3A_645 : memref<16x128xi32, #tpu.memory_space<vmem>>) offsets(%dma_start3A_648 : memref<16xi32, #tpu.memory_space<vmem>>) semaphore(%arg20 : memref<!tpu.dma_semaphore, #tpu.memory_space<semaphore_mem>>)
        %dma_start3A_652 = arith.constant 1 : i32
        %dma_start3A_653 = arith.constant 48 : i32
        %dma_start3A_654 = arith.constant 0 : i32
        %dma_start3A_655 = tpu.memref_slice %arg13[%dma_start3A_653, %dma_start3A_654] : memref<96x128xi32, #tpu.memory_space<vmem>> -> memref<16x128xi32, #tpu.memory_space<vmem>>
        %dma_start3A_656 = arith.constant 0 : i32
        %dma_start3A_657 = tpu.memref_slice %arg16[%add3A_416, %dma_start3A_652, %dma_start3A_656] : memref<42x2x16xi32, #tpu.memory_space<vmem>> -> memref<1x1x16xi32, #tpu.memory_space<vmem>>
        %dma_start3A_658 = tpu.memref_squeeze %dma_start3A_657 : memref<1x1x16xi32, #tpu.memory_space<vmem>> -> memref<16xi32, #tpu.memory_space<vmem>>
        %dma_start3A_659 = arith.constant 0 : i32
        %dma_start3A_660 = arith.constant 0 : i32
        %dma_start3A_661 = tpu.memref_slice %arg5[%dma_start3A_659, %dma_start3A_660] : memref<10475x128xi32, #tpu.memory_space<hbm>> -> memref<10475x128xi32, #tpu.memory_space<hbm>>
        tpu.enqueue_indirect_dma source(%dma_start3A_661 : memref<10475x128xi32, #tpu.memory_space<hbm>>) target(%dma_start3A_655 : memref<16x128xi32, #tpu.memory_space<vmem>>) offsets(%dma_start3A_658 : memref<16xi32, #tpu.memory_space<vmem>>) semaphore(%arg20 : memref<!tpu.dma_semaphore, #tpu.memory_space<semaphore_mem>>)
        %dma_start3A_662 = arith.constant 1 : i32
        %dma_start3A_663 = arith.constant 64 : i32
        %dma_start3A_664 = arith.constant 0 : i32
        %dma_start3A_665 = tpu.memref_slice %arg13[%dma_start3A_663, %dma_start3A_664] : memref<96x128xi32, #tpu.memory_space<vmem>> -> memref<16x128xi32, #tpu.memory_space<vmem>>
        %dma_start3A_666 = arith.constant 0 : i32
        %dma_start3A_667 = tpu.memref_slice %arg16[%add3A_416, %dma_start3A_662, %dma_start3A_666] : memref<42x2x16xi32, #tpu.memory_space<vmem>> -> memref<1x1x16xi32, #tpu.memory_space<vmem>>
        %dma_start3A_668 = tpu.memref_squeeze %dma_start3A_667 : memref<1x1x16xi32, #tpu.memory_space<vmem>> -> memref<16xi32, #tpu.memory_space<vmem>>
        %dma_start3A_669 = arith.constant 0 : i32
        %dma_start3A_670 = arith.constant 0 : i32
        %dma_start3A_671 = tpu.memref_slice %arg6[%dma_start3A_669, %dma_start3A_670] : memref<10475x128xi32, #tpu.memory_space<hbm>> -> memref<10475x128xi32, #tpu.memory_space<hbm>>
        tpu.enqueue_indirect_dma source(%dma_start3A_671 : memref<10475x128xi32, #tpu.memory_space<hbm>>) target(%dma_start3A_665 : memref<16x128xi32, #tpu.memory_space<vmem>>) offsets(%dma_start3A_668 : memref<16xi32, #tpu.memory_space<vmem>>) semaphore(%arg20 : memref<!tpu.dma_semaphore, #tpu.memory_space<semaphore_mem>>)
        %dma_start3A_672 = arith.constant 1 : i32
        %dma_start3A_673 = arith.constant 80 : i32
        %dma_start3A_674 = arith.constant 0 : i32
        %dma_start3A_675 = tpu.memref_slice %arg13[%dma_start3A_673, %dma_start3A_674] : memref<96x128xi32, #tpu.memory_space<vmem>> -> memref<16x128xi32, #tpu.memory_space<vmem>>
        %dma_start3A_676 = arith.constant 0 : i32
        %dma_start3A_677 = tpu.memref_slice %arg16[%add3A_416, %dma_start3A_672, %dma_start3A_676] : memref<42x2x16xi32, #tpu.memory_space<vmem>> -> memref<1x1x16xi32, #tpu.memory_space<vmem>>
        %dma_start3A_678 = tpu.memref_squeeze %dma_start3A_677 : memref<1x1x16xi32, #tpu.memory_space<vmem>> -> memref<16xi32, #tpu.memory_space<vmem>>
        %dma_start3A_679 = arith.constant 0 : i32
        %dma_start3A_680 = arith.constant 0 : i32
        %dma_start3A_681 = tpu.memref_slice %arg7[%dma_start3A_679, %dma_start3A_680] : memref<10475x128xi32, #tpu.memory_space<hbm>> -> memref<10475x128xi32, #tpu.memory_space<hbm>>
        tpu.enqueue_indirect_dma source(%dma_start3A_681 : memref<10475x128xi32, #tpu.memory_space<hbm>>) target(%dma_start3A_675 : memref<16x128xi32, #tpu.memory_space<vmem>>) offsets(%dma_start3A_678 : memref<16xi32, #tpu.memory_space<vmem>>) semaphore(%arg20 : memref<!tpu.dma_semaphore, #tpu.memory_space<semaphore_mem>>)
      } else {
      }
      %add3A_419 = arith.constant 1 : i32
      %add3A_420 = arith.addi %add3A_280, %add3A_419 : i32
      %dma_wait3A_421 = arith.constant 0 : i32
      %dma_wait3A_422 = arith.constant 0 : i32
      %dma_wait3A_423 = arith.constant 0 : i32
      %dma_wait3A_424 = tpu.memref_slice %arg12[%dma_wait3A_422, %dma_wait3A_423] : memref<96x128xi32, #tpu.memory_space<vmem>> -> memref<16x128xi32, #tpu.memory_space<vmem>>
      %dma_wait3A_425 = arith.constant 0 : i32
      %dma_wait3A_426 = tpu.memref_slice %arg15[%add3A_420, %dma_wait3A_421, %dma_wait3A_425] : memref<42x2x16xi32, #tpu.memory_space<vmem>> -> memref<1x1x16xi32, #tpu.memory_space<vmem>>
      %dma_wait3A_427 = tpu.memref_squeeze %dma_wait3A_426 : memref<1x1x16xi32, #tpu.memory_space<vmem>> -> memref<16xi32, #tpu.memory_space<vmem>>
      %dma_wait3A_428 = arith.constant 0 : i32
      %dma_wait3A_429 = arith.constant 0 : i32
      %dma_wait3A_430 = tpu.memref_slice %arg2[%dma_wait3A_428, %dma_wait3A_429] : memref<10475x128xi32, #tpu.memory_space<hbm>> -> memref<10475x128xi32, #tpu.memory_space<hbm>>
      tpu.wait_indirect_dma semaphore(%arg19 : memref<!tpu.dma_semaphore, #tpu.memory_space<semaphore_mem>>) src(%dma_wait3A_430 : memref<10475x128xi32, #tpu.memory_space<hbm>>) dst(%dma_wait3A_424 : memref<16x128xi32, #tpu.memory_space<vmem>>)
      %dma_wait3A_431 = arith.constant 0 : i32
      %dma_wait3A_432 = arith.constant 16 : i32
      %dma_wait3A_433 = arith.constant 0 : i32
      %dma_wait3A_434 = tpu.memref_slice %arg12[%dma_wait3A_432, %dma_wait3A_433] : memref<96x128xi32, #tpu.memory_space<vmem>> -> memref<16x128xi32, #tpu.memory_space<vmem>>
      %dma_wait3A_435 = arith.constant 0 : i32
      %dma_wait3A_436 = tpu.memref_slice %arg15[%add3A_420, %dma_wait3A_431, %dma_wait3A_435] : memref<42x2x16xi32, #tpu.memory_space<vmem>> -> memref<1x1x16xi32, #tpu.memory_space<vmem>>
      %dma_wait3A_437 = tpu.memref_squeeze %dma_wait3A_436 : memref<1x1x16xi32, #tpu.memory_space<vmem>> -> memref<16xi32, #tpu.memory_space<vmem>>
      %dma_wait3A_438 = arith.constant 0 : i32
      %dma_wait3A_439 = arith.constant 0 : i32
      %dma_wait3A_440 = tpu.memref_slice %arg3[%dma_wait3A_438, %dma_wait3A_439] : memref<10475x128xi32, #tpu.memory_space<hbm>> -> memref<10475x128xi32, #tpu.memory_space<hbm>>
      tpu.wait_indirect_dma semaphore(%arg19 : memref<!tpu.dma_semaphore, #tpu.memory_space<semaphore_mem>>) src(%dma_wait3A_440 : memref<10475x128xi32, #tpu.memory_space<hbm>>) dst(%dma_wait3A_434 : memref<16x128xi32, #tpu.memory_space<vmem>>)
      %dma_wait3A_441 = arith.constant 0 : i32
      %dma_wait3A_442 = arith.constant 32 : i32
      %dma_wait3A_443 = arith.constant 0 : i32
      %dma_wait3A_444 = tpu.memref_slice %arg12[%dma_wait3A_442, %dma_wait3A_443] : memref<96x128xi32, #tpu.memory_space<vmem>> -> memref<16x128xi32, #tpu.memory_space<vmem>>
      %dma_wait3A_445 = arith.constant 0 : i32
      %dma_wait3A_446 = tpu.memref_slice %arg15[%add3A_420, %dma_wait3A_441, %dma_wait3A_445] : memref<42x2x16xi32, #tpu.memory_space<vmem>> -> memref<1x1x16xi32, #tpu.memory_space<vmem>>
      %dma_wait3A_447 = tpu.memref_squeeze %dma_wait3A_446 : memref<1x1x16xi32, #tpu.memory_space<vmem>> -> memref<16xi32, #tpu.memory_space<vmem>>
      %dma_wait3A_448 = arith.constant 0 : i32
      %dma_wait3A_449 = arith.constant 0 : i32
      %dma_wait3A_450 = tpu.memref_slice %arg4[%dma_wait3A_448, %dma_wait3A_449] : memref<10475x128xi32, #tpu.memory_space<hbm>> -> memref<10475x128xi32, #tpu.memory_space<hbm>>
      tpu.wait_indirect_dma semaphore(%arg19 : memref<!tpu.dma_semaphore, #tpu.memory_space<semaphore_mem>>) src(%dma_wait3A_450 : memref<10475x128xi32, #tpu.memory_space<hbm>>) dst(%dma_wait3A_444 : memref<16x128xi32, #tpu.memory_space<vmem>>)
      %dma_wait3A_451 = arith.constant 1 : i32
      %dma_wait3A_452 = arith.constant 48 : i32
      %dma_wait3A_453 = arith.constant 0 : i32
      %dma_wait3A_454 = tpu.memref_slice %arg12[%dma_wait3A_452, %dma_wait3A_453] : memref<96x128xi32, #tpu.memory_space<vmem>> -> memref<16x128xi32, #tpu.memory_space<vmem>>
      %dma_wait3A_455 = arith.constant 0 : i32
      %dma_wait3A_456 = tpu.memref_slice %arg15[%add3A_420, %dma_wait3A_451, %dma_wait3A_455] : memref<42x2x16xi32, #tpu.memory_space<vmem>> -> memref<1x1x16xi32, #tpu.memory_space<vmem>>
      %dma_wait3A_457 = tpu.memref_squeeze %dma_wait3A_456 : memref<1x1x16xi32, #tpu.memory_space<vmem>> -> memref<16xi32, #tpu.memory_space<vmem>>
      %dma_wait3A_458 = arith.constant 0 : i32
      %dma_wait3A_459 = arith.constant 0 : i32
      %dma_wait3A_460 = tpu.memref_slice %arg2[%dma_wait3A_458, %dma_wait3A_459] : memref<10475x128xi32, #tpu.memory_space<hbm>> -> memref<10475x128xi32, #tpu.memory_space<hbm>>
      tpu.wait_indirect_dma semaphore(%arg19 : memref<!tpu.dma_semaphore, #tpu.memory_space<semaphore_mem>>) src(%dma_wait3A_460 : memref<10475x128xi32, #tpu.memory_space<hbm>>) dst(%dma_wait3A_454 : memref<16x128xi32, #tpu.memory_space<vmem>>)
      %dma_wait3A_461 = arith.constant 1 : i32
      %dma_wait3A_462 = arith.constant 64 : i32
      %dma_wait3A_463 = arith.constant 0 : i32
      %dma_wait3A_464 = tpu.memref_slice %arg12[%dma_wait3A_462, %dma_wait3A_463] : memref<96x128xi32, #tpu.memory_space<vmem>> -> memref<16x128xi32, #tpu.memory_space<vmem>>
      %dma_wait3A_465 = arith.constant 0 : i32
      %dma_wait3A_466 = tpu.memref_slice %arg15[%add3A_420, %dma_wait3A_461, %dma_wait3A_465] : memref<42x2x16xi32, #tpu.memory_space<vmem>> -> memref<1x1x16xi32, #tpu.memory_space<vmem>>
      %dma_wait3A_467 = tpu.memref_squeeze %dma_wait3A_466 : memref<1x1x16xi32, #tpu.memory_space<vmem>> -> memref<16xi32, #tpu.memory_space<vmem>>
      %dma_wait3A_468 = arith.constant 0 : i32
      %dma_wait3A_469 = arith.constant 0 : i32
      %dma_wait3A_470 = tpu.memref_slice %arg3[%dma_wait3A_468, %dma_wait3A_469] : memref<10475x128xi32, #tpu.memory_space<hbm>> -> memref<10475x128xi32, #tpu.memory_space<hbm>>
      tpu.wait_indirect_dma semaphore(%arg19 : memref<!tpu.dma_semaphore, #tpu.memory_space<semaphore_mem>>) src(%dma_wait3A_470 : memref<10475x128xi32, #tpu.memory_space<hbm>>) dst(%dma_wait3A_464 : memref<16x128xi32, #tpu.memory_space<vmem>>)
      %dma_wait3A_471 = arith.constant 1 : i32
      %dma_wait3A_472 = arith.constant 80 : i32
      %dma_wait3A_473 = arith.constant 0 : i32
      %dma_wait3A_474 = tpu.memref_slice %arg12[%dma_wait3A_472, %dma_wait3A_473] : memref<96x128xi32, #tpu.memory_space<vmem>> -> memref<16x128xi32, #tpu.memory_space<vmem>>
      %dma_wait3A_475 = arith.constant 0 : i32
      %dma_wait3A_476 = tpu.memref_slice %arg15[%add3A_420, %dma_wait3A_471, %dma_wait3A_475] : memref<42x2x16xi32, #tpu.memory_space<vmem>> -> memref<1x1x16xi32, #tpu.memory_space<vmem>>
      %dma_wait3A_477 = tpu.memref_squeeze %dma_wait3A_476 : memref<1x1x16xi32, #tpu.memory_space<vmem>> -> memref<16xi32, #tpu.memory_space<vmem>>
      %dma_wait3A_478 = arith.constant 0 : i32
      %dma_wait3A_479 = arith.constant 0 : i32
      %dma_wait3A_480 = tpu.memref_slice %arg4[%dma_wait3A_478, %dma_wait3A_479] : memref<10475x128xi32, #tpu.memory_space<hbm>> -> memref<10475x128xi32, #tpu.memory_space<hbm>>
      tpu.wait_indirect_dma semaphore(%arg19 : memref<!tpu.dma_semaphore, #tpu.memory_space<semaphore_mem>>) src(%dma_wait3A_480 : memref<10475x128xi32, #tpu.memory_space<hbm>>) dst(%dma_wait3A_474 : memref<16x128xi32, #tpu.memory_space<vmem>>)
      %dma_wait3A_481 = arith.constant 0 : i32
      %dma_wait3A_482 = arith.constant 0 : i32
      %dma_wait3A_483 = arith.constant 0 : i32
      %dma_wait3A_484 = tpu.memref_slice %arg14[%dma_wait3A_482, %dma_wait3A_483] : memref<96x128xi32, #tpu.memory_space<vmem>> -> memref<16x128xi32, #tpu.memory_space<vmem>>
      %dma_wait3A_485 = arith.constant 0 : i32
      %dma_wait3A_486 = tpu.memref_slice %arg16[%add3A_420, %dma_wait3A_481, %dma_wait3A_485] : memref<42x2x16xi32, #tpu.memory_space<vmem>> -> memref<1x1x16xi32, #tpu.memory_space<vmem>>
      %dma_wait3A_487 = tpu.memref_squeeze %dma_wait3A_486 : memref<1x1x16xi32, #tpu.memory_space<vmem>> -> memref<16xi32, #tpu.memory_space<vmem>>
      %dma_wait3A_488 = arith.constant 0 : i32
      %dma_wait3A_489 = arith.constant 0 : i32
      %dma_wait3A_490 = tpu.memref_slice %arg5[%dma_wait3A_488, %dma_wait3A_489] : memref<10475x128xi32, #tpu.memory_space<hbm>> -> memref<10475x128xi32, #tpu.memory_space<hbm>>
      tpu.wait_indirect_dma semaphore(%arg21 : memref<!tpu.dma_semaphore, #tpu.memory_space<semaphore_mem>>) src(%dma_wait3A_490 : memref<10475x128xi32, #tpu.memory_space<hbm>>) dst(%dma_wait3A_484 : memref<16x128xi32, #tpu.memory_space<vmem>>)
      %dma_wait3A_491 = arith.constant 0 : i32
      %dma_wait3A_492 = arith.constant 16 : i32
      %dma_wait3A_493 = arith.constant 0 : i32
      %dma_wait3A_494 = tpu.memref_slice %arg14[%dma_wait3A_492, %dma_wait3A_493] : memref<96x128xi32, #tpu.memory_space<vmem>> -> memref<16x128xi32, #tpu.memory_space<vmem>>
      %dma_wait3A_495 = arith.constant 0 : i32
      %dma_wait3A_496 = tpu.memref_slice %arg16[%add3A_420, %dma_wait3A_491, %dma_wait3A_495] : memref<42x2x16xi32, #tpu.memory_space<vmem>> -> memref<1x1x16xi32, #tpu.memory_space<vmem>>
      %dma_wait3A_497 = tpu.memref_squeeze %dma_wait3A_496 : memref<1x1x16xi32, #tpu.memory_space<vmem>> -> memref<16xi32, #tpu.memory_space<vmem>>
      %dma_wait3A_498 = arith.constant 0 : i32
      %dma_wait3A_499 = arith.constant 0 : i32
      %dma_wait3A_500 = tpu.memref_slice %arg6[%dma_wait3A_498, %dma_wait3A_499] : memref<10475x128xi32, #tpu.memory_space<hbm>> -> memref<10475x128xi32, #tpu.memory_space<hbm>>
      tpu.wait_indirect_dma semaphore(%arg21 : memref<!tpu.dma_semaphore, #tpu.memory_space<semaphore_mem>>) src(%dma_wait3A_500 : memref<10475x128xi32, #tpu.memory_space<hbm>>) dst(%dma_wait3A_494 : memref<16x128xi32, #tpu.memory_space<vmem>>)
      %dma_wait3A_501 = arith.constant 0 : i32
      %dma_wait3A_502 = arith.constant 32 : i32
      %dma_wait3A_503 = arith.constant 0 : i32
      %dma_wait3A_504 = tpu.memref_slice %arg14[%dma_wait3A_502, %dma_wait3A_503] : memref<96x128xi32, #tpu.memory_space<vmem>> -> memref<16x128xi32, #tpu.memory_space<vmem>>
      %dma_wait3A_505 = arith.constant 0 : i32
      %dma_wait3A_506 = tpu.memref_slice %arg16[%add3A_420, %dma_wait3A_501, %dma_wait3A_505] : memref<42x2x16xi32, #tpu.memory_space<vmem>> -> memref<1x1x16xi32, #tpu.memory_space<vmem>>
      %dma_wait3A_507 = tpu.memref_squeeze %dma_wait3A_506 : memref<1x1x16xi32, #tpu.memory_space<vmem>> -> memref<16xi32, #tpu.memory_space<vmem>>
      %dma_wait3A_508 = arith.constant 0 : i32
      %dma_wait3A_509 = arith.constant 0 : i32
      %dma_wait3A_510 = tpu.memref_slice %arg7[%dma_wait3A_508, %dma_wait3A_509] : memref<10475x128xi32, #tpu.memory_space<hbm>> -> memref<10475x128xi32, #tpu.memory_space<hbm>>
      tpu.wait_indirect_dma semaphore(%arg21 : memref<!tpu.dma_semaphore, #tpu.memory_space<semaphore_mem>>) src(%dma_wait3A_510 : memref<10475x128xi32, #tpu.memory_space<hbm>>) dst(%dma_wait3A_504 : memref<16x128xi32, #tpu.memory_space<vmem>>)
      %dma_wait3A_511 = arith.constant 1 : i32
      %dma_wait3A_512 = arith.constant 48 : i32
      %dma_wait3A_513 = arith.constant 0 : i32
      %dma_wait3A_514 = tpu.memref_slice %arg14[%dma_wait3A_512, %dma_wait3A_513] : memref<96x128xi32, #tpu.memory_space<vmem>> -> memref<16x128xi32, #tpu.memory_space<vmem>>
      %dma_wait3A_515 = arith.constant 0 : i32
      %dma_wait3A_516 = tpu.memref_slice %arg16[%add3A_420, %dma_wait3A_511, %dma_wait3A_515] : memref<42x2x16xi32, #tpu.memory_space<vmem>> -> memref<1x1x16xi32, #tpu.memory_space<vmem>>
      %dma_wait3A_517 = tpu.memref_squeeze %dma_wait3A_516 : memref<1x1x16xi32, #tpu.memory_space<vmem>> -> memref<16xi32, #tpu.memory_space<vmem>>
      %dma_wait3A_518 = arith.constant 0 : i32
      %dma_wait3A_519 = arith.constant 0 : i32
      %dma_wait3A_520 = tpu.memref_slice %arg5[%dma_wait3A_518, %dma_wait3A_519] : memref<10475x128xi32, #tpu.memory_space<hbm>> -> memref<10475x128xi32, #tpu.memory_space<hbm>>
      tpu.wait_indirect_dma semaphore(%arg21 : memref<!tpu.dma_semaphore, #tpu.memory_space<semaphore_mem>>) src(%dma_wait3A_520 : memref<10475x128xi32, #tpu.memory_space<hbm>>) dst(%dma_wait3A_514 : memref<16x128xi32, #tpu.memory_space<vmem>>)
      %dma_wait3A_521 = arith.constant 1 : i32
      %dma_wait3A_522 = arith.constant 64 : i32
      %dma_wait3A_523 = arith.constant 0 : i32
      %dma_wait3A_524 = tpu.memref_slice %arg14[%dma_wait3A_522, %dma_wait3A_523] : memref<96x128xi32, #tpu.memory_space<vmem>> -> memref<16x128xi32, #tpu.memory_space<vmem>>
      %dma_wait3A_525 = arith.constant 0 : i32
      %dma_wait3A_526 = tpu.memref_slice %arg16[%add3A_420, %dma_wait3A_521, %dma_wait3A_525] : memref<42x2x16xi32, #tpu.memory_space<vmem>> -> memref<1x1x16xi32, #tpu.memory_space<vmem>>
      %dma_wait3A_527 = tpu.memref_squeeze %dma_wait3A_526 : memref<1x1x16xi32, #tpu.memory_space<vmem>> -> memref<16xi32, #tpu.memory_space<vmem>>
      %dma_wait3A_528 = arith.constant 0 : i32
      %dma_wait3A_529 = arith.constant 0 : i32
      %dma_wait3A_530 = tpu.memref_slice %arg6[%dma_wait3A_528, %dma_wait3A_529] : memref<10475x128xi32, #tpu.memory_space<hbm>> -> memref<10475x128xi32, #tpu.memory_space<hbm>>
      tpu.wait_indirect_dma semaphore(%arg21 : memref<!tpu.dma_semaphore, #tpu.memory_space<semaphore_mem>>) src(%dma_wait3A_530 : memref<10475x128xi32, #tpu.memory_space<hbm>>) dst(%dma_wait3A_524 : memref<16x128xi32, #tpu.memory_space<vmem>>)
      %dma_wait3A_531 = arith.constant 1 : i32
      %dma_wait3A_532 = arith.constant 80 : i32
      %dma_wait3A_533 = arith.constant 0 : i32
      %dma_wait3A_534 = tpu.memref_slice %arg14[%dma_wait3A_532, %dma_wait3A_533] : memref<96x128xi32, #tpu.memory_space<vmem>> -> memref<16x128xi32, #tpu.memory_space<vmem>>
      %dma_wait3A_535 = arith.constant 0 : i32
      %dma_wait3A_536 = tpu.memref_slice %arg16[%add3A_420, %dma_wait3A_531, %dma_wait3A_535] : memref<42x2x16xi32, #tpu.memory_space<vmem>> -> memref<1x1x16xi32, #tpu.memory_space<vmem>>
      %dma_wait3A_537 = tpu.memref_squeeze %dma_wait3A_536 : memref<1x1x16xi32, #tpu.memory_space<vmem>> -> memref<16xi32, #tpu.memory_space<vmem>>
      %dma_wait3A_538 = arith.constant 0 : i32
      %dma_wait3A_539 = arith.constant 0 : i32
      %dma_wait3A_540 = tpu.memref_slice %arg7[%dma_wait3A_538, %dma_wait3A_539] : memref<10475x128xi32, #tpu.memory_space<hbm>> -> memref<10475x128xi32, #tpu.memory_space<hbm>>
      tpu.wait_indirect_dma semaphore(%arg21 : memref<!tpu.dma_semaphore, #tpu.memory_space<semaphore_mem>>) src(%dma_wait3A_540 : memref<10475x128xi32, #tpu.memory_space<hbm>>) dst(%dma_wait3A_534 : memref<16x128xi32, #tpu.memory_space<vmem>>)
      %broadcast_in_dim3A_541 = arith.constant 0.000000e+00 : f32
      %broadcast_in_dim3A_542 = vector.broadcast %broadcast_in_dim3A_541 : f32 to vector<16xf32>
      %parallel_loop3A_543 = arith.constant 0 : i32
      %parallel_loop3A_544 = arith.constant 48 : i32
      %parallel_loop3A_545 = arith.constant 1 : i32
      %parallel_loop3A_546:4 = scf.for %parallel_loop3A_562 = %parallel_loop3A_543 to %parallel_loop3A_544 step %parallel_loop3A_545 iter_args(%parallel_loop3A_563 = %broadcast_in_dim3A_542, %parallel_loop3A_564 = %broadcast_in_dim3A_542, %parallel_loop3A_565 = %broadcast_in_dim3A_542, %parallel_loop3A_566 = %broadcast_in_dim3A_542) -> (vector<16xf32>, vector<16xf32>, vector<16xf32>, vector<16xf32>)  : i32 {
        %parallel_loop3A_567 = arith.index_cast %parallel_loop3A_562 : i32 to index
        %parallel_loop3A_568 = arith.constant 0 : index
        %parallel_loop3A_569 = tpu.vector_load %arg12[%parallel_loop3A_567, %parallel_loop3A_568] {strides = array<i32>} : memref<96x128xi32, #tpu.memory_space<vmem>>, vector<16xi32>,
        %parallel_loop3A_570 = vector.bitcast %parallel_loop3A_569 : vector<16xi32> to vector<32xbf16>
        %parallel_loop3A_571 = arith.constant 48 : i32
        %parallel_loop3A_572 = arith.addi %parallel_loop3A_562, %parallel_loop3A_571 : i32
        %parallel_loop3A_573 = arith.index_cast %parallel_loop3A_572 : i32 to index
        %parallel_loop3A_574 = arith.constant 0 : index
        %parallel_loop3A_575 = tpu.vector_load %arg12[%parallel_loop3A_573, %parallel_loop3A_574] {strides = array<i32>} : memref<96x128xi32, #tpu.memory_space<vmem>>, vector<16xi32>,
        %parallel_loop3A_576 = vector.bitcast %parallel_loop3A_575 : vector<16xi32> to vector<32xbf16>
        %parallel_loop3A_577 = arith.subf %parallel_loop3A_570, %parallel_loop3A_576 : vector<32xbf16>
        %parallel_loop3A_578 = arith.index_cast %parallel_loop3A_562 : i32 to index
        %parallel_loop3A_579 = arith.constant 0 : index
        %parallel_loop3A_580 = tpu.vector_load %arg14[%parallel_loop3A_578, %parallel_loop3A_579] {strides = array<i32>} : memref<96x128xi32, #tpu.memory_space<vmem>>, vector<16xi32>,
        %parallel_loop3A_581 = vector.bitcast %parallel_loop3A_580 : vector<16xi32> to vector<32xbf16>
        %parallel_loop3A_582 = arith.constant 48 : i32
        %parallel_loop3A_583 = arith.addi %parallel_loop3A_562, %parallel_loop3A_582 : i32
        %parallel_loop3A_584 = arith.index_cast %parallel_loop3A_583 : i32 to index
        %parallel_loop3A_585 = arith.constant 0 : index
        %parallel_loop3A_586 = tpu.vector_load %arg14[%parallel_loop3A_584, %parallel_loop3A_585] {strides = array<i32>} : memref<96x128xi32, #tpu.memory_space<vmem>>, vector<16xi32>,
        %parallel_loop3A_587 = vector.bitcast %parallel_loop3A_586 : vector<16xi32> to vector<32xbf16>
        %parallel_loop3A_588 = arith.subf %parallel_loop3A_581, %parallel_loop3A_587 : vector<32xbf16>
        %parallel_loop3A_589 = arith.subf %parallel_loop3A_577, %parallel_loop3A_588 : vector<32xbf16>
        %parallel_loop3A_590 = tpu.unpack_subelements %parallel_loop3A_589, 0 {pack_format = #tpu.pack_format<interleaved>} : vector<32xbf16> -> vector<16xf32>
        %parallel_loop3A_591 = tpu.unpack_subelements %parallel_loop3A_589, 1 {pack_format = #tpu.pack_format<interleaved>} : vector<32xbf16> -> vector<16xf32>
        %parallel_loop3A_592 = arith.mulf %parallel_loop3A_590, %parallel_loop3A_590 : vector<16xf32>
        %parallel_loop3A_593 = arith.addf %parallel_loop3A_563, %parallel_loop3A_592 : vector<16xf32>
        %parallel_loop3A_594 = arith.mulf %parallel_loop3A_591, %parallel_loop3A_591 : vector<16xf32>
        %parallel_loop3A_595 = arith.addf %parallel_loop3A_564, %parallel_loop3A_594 : vector<16xf32>
        %parallel_loop3A_596 = arith.index_cast %parallel_loop3A_562 : i32 to index
        %parallel_loop3A_597 = arith.constant 16 : index
        %parallel_loop3A_598 = tpu.vector_load %arg12[%parallel_loop3A_596, %parallel_loop3A_597] {strides = array<i32>} : memref<96x128xi32, #tpu.memory_space<vmem>>, vector<16xi32>,
        %parallel_loop3A_599 = vector.bitcast %parallel_loop3A_598 : vector<16xi32> to vector<32xbf16>
        %parallel_loop3A_600 = arith.constant 48 : i32
        %parallel_loop3A_601 = arith.addi %parallel_loop3A_562, %parallel_loop3A_600 : i32
        %parallel_loop3A_602 = arith.index_cast %parallel_loop3A_601 : i32 to index
        %parallel_loop3A_603 = arith.constant 16 : index
        %parallel_loop3A_604 = tpu.vector_load %arg12[%parallel_loop3A_602, %parallel_loop3A_603] {strides = array<i32>} : memref<96x128xi32, #tpu.memory_space<vmem>>, vector<16xi32>,
        %parallel_loop3A_605 = vector.bitcast %parallel_loop3A_604 : vector<16xi32> to vector<32xbf16>
        %parallel_loop3A_606 = arith.subf %parallel_loop3A_599, %parallel_loop3A_605 : vector<32xbf16>
        %parallel_loop3A_607 = arith.index_cast %parallel_loop3A_562 : i32 to index
        %parallel_loop3A_608 = arith.constant 16 : index
        %parallel_loop3A_609 = tpu.vector_load %arg14[%parallel_loop3A_607, %parallel_loop3A_608] {strides = array<i32>} : memref<96x128xi32, #tpu.memory_space<vmem>>, vector<16xi32>,
        %parallel_loop3A_610 = vector.bitcast %parallel_loop3A_609 : vector<16xi32> to vector<32xbf16>
        %parallel_loop3A_611 = arith.constant 48 : i32
        %parallel_loop3A_612 = arith.addi %parallel_loop3A_562, %parallel_loop3A_611 : i32
        %parallel_loop3A_613 = arith.index_cast %parallel_loop3A_612 : i32 to index
        %parallel_loop3A_614 = arith.constant 16 : index
        %parallel_loop3A_615 = tpu.vector_load %arg14[%parallel_loop3A_613, %parallel_loop3A_614] {strides = array<i32>} : memref<96x128xi32, #tpu.memory_space<vmem>>, vector<16xi32>,
        %parallel_loop3A_616 = vector.bitcast %parallel_loop3A_615 : vector<16xi32> to vector<32xbf16>
        %parallel_loop3A_617 = arith.subf %parallel_loop3A_610, %parallel_loop3A_616 : vector<32xbf16>
        %parallel_loop3A_618 = arith.subf %parallel_loop3A_606, %parallel_loop3A_617 : vector<32xbf16>
        %parallel_loop3A_619 = tpu.unpack_subelements %parallel_loop3A_618, 0 {pack_format = #tpu.pack_format<interleaved>} : vector<32xbf16> -> vector<16xf32>
        %parallel_loop3A_620 = tpu.unpack_subelements %parallel_loop3A_618, 1 {pack_format = #tpu.pack_format<interleaved>} : vector<32xbf16> -> vector<16xf32>
        %parallel_loop3A_621 = arith.mulf %parallel_loop3A_619, %parallel_loop3A_619 : vector<16xf32>
        %parallel_loop3A_622 = arith.addf %parallel_loop3A_565, %parallel_loop3A_621 : vector<16xf32>
        %parallel_loop3A_623 = arith.mulf %parallel_loop3A_620, %parallel_loop3A_620 : vector<16xf32>
        %parallel_loop3A_624 = arith.addf %parallel_loop3A_566, %parallel_loop3A_623 : vector<16xf32>
        %parallel_loop3A_625 = arith.index_cast %parallel_loop3A_562 : i32 to index
        %parallel_loop3A_626 = arith.constant 32 : index
        %parallel_loop3A_627 = tpu.vector_load %arg12[%parallel_loop3A_625, %parallel_loop3A_626] {strides = array<i32>} : memref<96x128xi32, #tpu.memory_space<vmem>>, vector<16xi32>,
        %parallel_loop3A_628 = vector.bitcast %parallel_loop3A_627 : vector<16xi32> to vector<32xbf16>
        %parallel_loop3A_629 = arith.constant 48 : i32
        %parallel_loop3A_630 = arith.addi %parallel_loop3A_562, %parallel_loop3A_629 : i32
        %parallel_loop3A_631 = arith.index_cast %parallel_loop3A_630 : i32 to index
        %parallel_loop3A_632 = arith.constant 32 : index
        %parallel_loop3A_633 = tpu.vector_load %arg12[%parallel_loop3A_631, %parallel_loop3A_632] {strides = array<i32>} : memref<96x128xi32, #tpu.memory_space<vmem>>, vector<16xi32>,
        %parallel_loop3A_634 = vector.bitcast %parallel_loop3A_633 : vector<16xi32> to vector<32xbf16>
        %parallel_loop3A_635 = arith.subf %parallel_loop3A_628, %parallel_loop3A_634 : vector<32xbf16>
        %parallel_loop3A_636 = arith.index_cast %parallel_loop3A_562 : i32 to index
        %parallel_loop3A_637 = arith.constant 32 : index
        %parallel_loop3A_638 = tpu.vector_load %arg14[%parallel_loop3A_636, %parallel_loop3A_637] {strides = array<i32>} : memref<96x128xi32, #tpu.memory_space<vmem>>, vector<16xi32>,
        %parallel_loop3A_639 = vector.bitcast %parallel_loop3A_638 : vector<16xi32> to vector<32xbf16>
        %parallel_loop3A_640 = arith.constant 48 : i32
        %parallel_loop3A_641 = arith.addi %parallel_loop3A_562, %parallel_loop3A_640 : i32
        %parallel_loop3A_642 = arith.index_cast %parallel_loop3A_641 : i32 to index
        %parallel_loop3A_643 = arith.constant 32 : index
        %parallel_loop3A_644 = tpu.vector_load %arg14[%parallel_loop3A_642, %parallel_loop3A_643] {strides = array<i32>} : memref<96x128xi32, #tpu.memory_space<vmem>>, vector<16xi32>,
        %parallel_loop3A_645 = vector.bitcast %parallel_loop3A_644 : vector<16xi32> to vector<32xbf16>
        %parallel_loop3A_646 = arith.subf %parallel_loop3A_639, %parallel_loop3A_645 : vector<32xbf16>
        %parallel_loop3A_647 = arith.subf %parallel_loop3A_635, %parallel_loop3A_646 : vector<32xbf16>
        %parallel_loop3A_648 = tpu.unpack_subelements %parallel_loop3A_647, 0 {pack_format = #tpu.pack_format<interleaved>} : vector<32xbf16> -> vector<16xf32>
        %parallel_loop3A_649 = tpu.unpack_subelements %parallel_loop3A_647, 1 {pack_format = #tpu.pack_format<interleaved>} : vector<32xbf16> -> vector<16xf32>
        %parallel_loop3A_650 = arith.mulf %parallel_loop3A_648, %parallel_loop3A_648 : vector<16xf32>
        %parallel_loop3A_651 = arith.addf %parallel_loop3A_593, %parallel_loop3A_650 : vector<16xf32>
        %parallel_loop3A_652 = arith.mulf %parallel_loop3A_649, %parallel_loop3A_649 : vector<16xf32>
        %parallel_loop3A_653 = arith.addf %parallel_loop3A_595, %parallel_loop3A_652 : vector<16xf32>
        %parallel_loop3A_654 = arith.index_cast %parallel_loop3A_562 : i32 to index
        %parallel_loop3A_655 = arith.constant 48 : index
        %parallel_loop3A_656 = tpu.vector_load %arg12[%parallel_loop3A_654, %parallel_loop3A_655] {strides = array<i32>} : memref<96x128xi32, #tpu.memory_space<vmem>>, vector<16xi32>,
        %parallel_loop3A_657 = vector.bitcast %parallel_loop3A_656 : vector<16xi32> to vector<32xbf16>
        %parallel_loop3A_658 = arith.constant 48 : i32
        %parallel_loop3A_659 = arith.addi %parallel_loop3A_562, %parallel_loop3A_658 : i32
        %parallel_loop3A_660 = arith.index_cast %parallel_loop3A_659 : i32 to index
        %parallel_loop3A_661 = arith.constant 48 : index
        %parallel_loop3A_662 = tpu.vector_load %arg12[%parallel_loop3A_660, %parallel_loop3A_661] {strides = array<i32>} : memref<96x128xi32, #tpu.memory_space<vmem>>, vector<16xi32>,
        %parallel_loop3A_663 = vector.bitcast %parallel_loop3A_662 : vector<16xi32> to vector<32xbf16>
        %parallel_loop3A_664 = arith.subf %parallel_loop3A_657, %parallel_loop3A_663 : vector<32xbf16>
        %parallel_loop3A_665 = arith.index_cast %parallel_loop3A_562 : i32 to index
        %parallel_loop3A_666 = arith.constant 48 : index
        %parallel_loop3A_667 = tpu.vector_load %arg14[%parallel_loop3A_665, %parallel_loop3A_666] {strides = array<i32>} : memref<96x128xi32, #tpu.memory_space<vmem>>, vector<16xi32>,
        %parallel_loop3A_668 = vector.bitcast %parallel_loop3A_667 : vector<16xi32> to vector<32xbf16>
        %parallel_loop3A_669 = arith.constant 48 : i32
        %parallel_loop3A_670 = arith.addi %parallel_loop3A_562, %parallel_loop3A_669 : i32
        %parallel_loop3A_671 = arith.index_cast %parallel_loop3A_670 : i32 to index
        %parallel_loop3A_672 = arith.constant 48 : index
        %parallel_loop3A_673 = tpu.vector_load %arg14[%parallel_loop3A_671, %parallel_loop3A_672] {strides = array<i32>} : memref<96x128xi32, #tpu.memory_space<vmem>>, vector<16xi32>,
        %parallel_loop3A_674 = vector.bitcast %parallel_loop3A_673 : vector<16xi32> to vector<32xbf16>
        %parallel_loop3A_675 = arith.subf %parallel_loop3A_668, %parallel_loop3A_674 : vector<32xbf16>
        %parallel_loop3A_676 = arith.subf %parallel_loop3A_664, %parallel_loop3A_675 : vector<32xbf16>
        %parallel_loop3A_677 = tpu.unpack_subelements %parallel_loop3A_676, 0 {pack_format = #tpu.pack_format<interleaved>} : vector<32xbf16> -> vector<16xf32>
        %parallel_loop3A_678 = tpu.unpack_subelements %parallel_loop3A_676, 1 {pack_format = #tpu.pack_format<interleaved>} : vector<32xbf16> -> vector<16xf32>
        %parallel_loop3A_679 = arith.mulf %parallel_loop3A_677, %parallel_loop3A_677 : vector<16xf32>
        %parallel_loop3A_680 = arith.addf %parallel_loop3A_622, %parallel_loop3A_679 : vector<16xf32>
        %parallel_loop3A_681 = arith.mulf %parallel_loop3A_678, %parallel_loop3A_678 : vector<16xf32>
        %parallel_loop3A_682 = arith.addf %parallel_loop3A_624, %parallel_loop3A_681 : vector<16xf32>
        %parallel_loop3A_683 = arith.index_cast %parallel_loop3A_562 : i32 to index
        %parallel_loop3A_684 = arith.constant 64 : index
        %parallel_loop3A_685 = tpu.vector_load %arg12[%parallel_loop3A_683, %parallel_loop3A_684] {strides = array<i32>} : memref<96x128xi32, #tpu.memory_space<vmem>>, vector<16xi32>,
        %parallel_loop3A_686 = vector.bitcast %parallel_loop3A_685 : vector<16xi32> to vector<32xbf16>
        %parallel_loop3A_687 = arith.constant 48 : i32
        %parallel_loop3A_688 = arith.addi %parallel_loop3A_562, %parallel_loop3A_687 : i32
        %parallel_loop3A_689 = arith.index_cast %parallel_loop3A_688 : i32 to index
        %parallel_loop3A_690 = arith.constant 64 : index
        %parallel_loop3A_691 = tpu.vector_load %arg12[%parallel_loop3A_689, %parallel_loop3A_690] {strides = array<i32>} : memref<96x128xi32, #tpu.memory_space<vmem>>, vector<16xi32>,
        %parallel_loop3A_692 = vector.bitcast %parallel_loop3A_691 : vector<16xi32> to vector<32xbf16>
        %parallel_loop3A_693 = arith.subf %parallel_loop3A_686, %parallel_loop3A_692 : vector<32xbf16>
        %parallel_loop3A_694 = arith.index_cast %parallel_loop3A_562 : i32 to index
        %parallel_loop3A_695 = arith.constant 64 : index
        %parallel_loop3A_696 = tpu.vector_load %arg14[%parallel_loop3A_694, %parallel_loop3A_695] {strides = array<i32>} : memref<96x128xi32, #tpu.memory_space<vmem>>, vector<16xi32>,
        %parallel_loop3A_697 = vector.bitcast %parallel_loop3A_696 : vector<16xi32> to vector<32xbf16>
        %parallel_loop3A_698 = arith.constant 48 : i32
        %parallel_loop3A_699 = arith.addi %parallel_loop3A_562, %parallel_loop3A_698 : i32
        %parallel_loop3A_700 = arith.index_cast %parallel_loop3A_699 : i32 to index
        %parallel_loop3A_701 = arith.constant 64 : index
        %parallel_loop3A_702 = tpu.vector_load %arg14[%parallel_loop3A_700, %parallel_loop3A_701] {strides = array<i32>} : memref<96x128xi32, #tpu.memory_space<vmem>>, vector<16xi32>,
        %parallel_loop3A_703 = vector.bitcast %parallel_loop3A_702 : vector<16xi32> to vector<32xbf16>
        %parallel_loop3A_704 = arith.subf %parallel_loop3A_697, %parallel_loop3A_703 : vector<32xbf16>
        %parallel_loop3A_705 = arith.subf %parallel_loop3A_693, %parallel_loop3A_704 : vector<32xbf16>
        %parallel_loop3A_706 = tpu.unpack_subelements %parallel_loop3A_705, 0 {pack_format = #tpu.pack_format<interleaved>} : vector<32xbf16> -> vector<16xf32>
        %parallel_loop3A_707 = tpu.unpack_subelements %parallel_loop3A_705, 1 {pack_format = #tpu.pack_format<interleaved>} : vector<32xbf16> -> vector<16xf32>
        %parallel_loop3A_708 = arith.mulf %parallel_loop3A_706, %parallel_loop3A_706 : vector<16xf32>
        %parallel_loop3A_709 = arith.addf %parallel_loop3A_651, %parallel_loop3A_708 : vector<16xf32>
        %parallel_loop3A_710 = arith.mulf %parallel_loop3A_707, %parallel_loop3A_707 : vector<16xf32>
        %parallel_loop3A_711 = arith.addf %parallel_loop3A_653, %parallel_loop3A_710 : vector<16xf32>
        %parallel_loop3A_712 = arith.index_cast %parallel_loop3A_562 : i32 to index
        %parallel_loop3A_713 = arith.constant 80 : index
        %parallel_loop3A_714 = tpu.vector_load %arg12[%parallel_loop3A_712, %parallel_loop3A_713] {strides = array<i32>} : memref<96x128xi32, #tpu.memory_space<vmem>>, vector<16xi32>,
        %parallel_loop3A_715 = vector.bitcast %parallel_loop3A_714 : vector<16xi32> to vector<32xbf16>
        %parallel_loop3A_716 = arith.constant 48 : i32
        %parallel_loop3A_717 = arith.addi %parallel_loop3A_562, %parallel_loop3A_716 : i32
        %parallel_loop3A_718 = arith.index_cast %parallel_loop3A_717 : i32 to index
        %parallel_loop3A_719 = arith.constant 80 : index
        %parallel_loop3A_720 = tpu.vector_load %arg12[%parallel_loop3A_718, %parallel_loop3A_719] {strides = array<i32>} : memref<96x128xi32, #tpu.memory_space<vmem>>, vector<16xi32>,
        %parallel_loop3A_721 = vector.bitcast %parallel_loop3A_720 : vector<16xi32> to vector<32xbf16>
        %parallel_loop3A_722 = arith.subf %parallel_loop3A_715, %parallel_loop3A_721 : vector<32xbf16>
        %parallel_loop3A_723 = arith.index_cast %parallel_loop3A_562 : i32 to index
        %parallel_loop3A_724 = arith.constant 80 : index
        %parallel_loop3A_725 = tpu.vector_load %arg14[%parallel_loop3A_723, %parallel_loop3A_724] {strides = array<i32>} : memref<96x128xi32, #tpu.memory_space<vmem>>, vector<16xi32>,
        %parallel_loop3A_726 = vector.bitcast %parallel_loop3A_725 : vector<16xi32> to vector<32xbf16>
        %parallel_loop3A_727 = arith.constant 48 : i32
        %parallel_loop3A_728 = arith.addi %parallel_loop3A_562, %parallel_loop3A_727 : i32
        %parallel_loop3A_729 = arith.index_cast %parallel_loop3A_728 : i32 to index
        %parallel_loop3A_730 = arith.constant 80 : index
        %parallel_loop3A_731 = tpu.vector_load %arg14[%parallel_loop3A_729, %parallel_loop3A_730] {strides = array<i32>} : memref<96x128xi32, #tpu.memory_space<vmem>>, vector<16xi32>,
        %parallel_loop3A_732 = vector.bitcast %parallel_loop3A_731 : vector<16xi32> to vector<32xbf16>
        %parallel_loop3A_733 = arith.subf %parallel_loop3A_726, %parallel_loop3A_732 : vector<32xbf16>
        %parallel_loop3A_734 = arith.subf %parallel_loop3A_722, %parallel_loop3A_733 : vector<32xbf16>
        %parallel_loop3A_735 = tpu.unpack_subelements %parallel_loop3A_734, 0 {pack_format = #tpu.pack_format<interleaved>} : vector<32xbf16> -> vector<16xf32>
        %parallel_loop3A_736 = tpu.unpack_subelements %parallel_loop3A_734, 1 {pack_format = #tpu.pack_format<interleaved>} : vector<32xbf16> -> vector<16xf32>
        %parallel_loop3A_737 = arith.mulf %parallel_loop3A_735, %parallel_loop3A_735 : vector<16xf32>
        %parallel_loop3A_738 = arith.addf %parallel_loop3A_680, %parallel_loop3A_737 : vector<16xf32>
        %parallel_loop3A_739 = arith.mulf %parallel_loop3A_736, %parallel_loop3A_736 : vector<16xf32>
        %parallel_loop3A_740 = arith.addf %parallel_loop3A_682, %parallel_loop3A_739 : vector<16xf32>
        %parallel_loop3A_741 = arith.index_cast %parallel_loop3A_562 : i32 to index
        %parallel_loop3A_742 = arith.constant 96 : index
        %parallel_loop3A_743 = tpu.vector_load %arg12[%parallel_loop3A_741, %parallel_loop3A_742] {strides = array<i32>} : memref<96x128xi32, #tpu.memory_space<vmem>>, vector<16xi32>,
        %parallel_loop3A_744 = vector.bitcast %parallel_loop3A_743 : vector<16xi32> to vector<32xbf16>
        %parallel_loop3A_745 = arith.constant 48 : i32
        %parallel_loop3A_746 = arith.addi %parallel_loop3A_562, %parallel_loop3A_745 : i32
        %parallel_loop3A_747 = arith.index_cast %parallel_loop3A_746 : i32 to index
        %parallel_loop3A_748 = arith.constant 96 : index
        %parallel_loop3A_749 = tpu.vector_load %arg12[%parallel_loop3A_747, %parallel_loop3A_748] {strides = array<i32>} : memref<96x128xi32, #tpu.memory_space<vmem>>, vector<16xi32>,
        %parallel_loop3A_750 = vector.bitcast %parallel_loop3A_749 : vector<16xi32> to vector<32xbf16>
        %parallel_loop3A_751 = arith.subf %parallel_loop3A_744, %parallel_loop3A_750 : vector<32xbf16>
        %parallel_loop3A_752 = arith.index_cast %parallel_loop3A_562 : i32 to index
        %parallel_loop3A_753 = arith.constant 96 : index
        %parallel_loop3A_754 = tpu.vector_load %arg14[%parallel_loop3A_752, %parallel_loop3A_753] {strides = array<i32>} : memref<96x128xi32, #tpu.memory_space<vmem>>, vector<16xi32>,
        %parallel_loop3A_755 = vector.bitcast %parallel_loop3A_754 : vector<16xi32> to vector<32xbf16>
        %parallel_loop3A_756 = arith.constant 48 : i32
        %parallel_loop3A_757 = arith.addi %parallel_loop3A_562, %parallel_loop3A_756 : i32
        %parallel_loop3A_758 = arith.index_cast %parallel_loop3A_757 : i32 to index
        %parallel_loop3A_759 = arith.constant 96 : index
        %parallel_loop3A_760 = tpu.vector_load %arg14[%parallel_loop3A_758, %parallel_loop3A_759] {strides = array<i32>} : memref<96x128xi32, #tpu.memory_space<vmem>>, vector<16xi32>,
        %parallel_loop3A_761 = vector.bitcast %parallel_loop3A_760 : vector<16xi32> to vector<32xbf16>
        %parallel_loop3A_762 = arith.subf %parallel_loop3A_755, %parallel_loop3A_761 : vector<32xbf16>
        %parallel_loop3A_763 = arith.subf %parallel_loop3A_751, %parallel_loop3A_762 : vector<32xbf16>
        %parallel_loop3A_764 = tpu.unpack_subelements %parallel_loop3A_763, 0 {pack_format = #tpu.pack_format<interleaved>} : vector<32xbf16> -> vector<16xf32>
        %parallel_loop3A_765 = tpu.unpack_subelements %parallel_loop3A_763, 1 {pack_format = #tpu.pack_format<interleaved>} : vector<32xbf16> -> vector<16xf32>
        %parallel_loop3A_766 = arith.mulf %parallel_loop3A_764, %parallel_loop3A_764 : vector<16xf32>
        %parallel_loop3A_767 = arith.addf %parallel_loop3A_709, %parallel_loop3A_766 : vector<16xf32>
        %parallel_loop3A_768 = arith.mulf %parallel_loop3A_765, %parallel_loop3A_765 : vector<16xf32>
        %parallel_loop3A_769 = arith.addf %parallel_loop3A_711, %parallel_loop3A_768 : vector<16xf32>
        %parallel_loop3A_770 = arith.index_cast %parallel_loop3A_562 : i32 to index
        %parallel_loop3A_771 = arith.constant 112 : index
        %parallel_loop3A_772 = tpu.vector_load %arg12[%parallel_loop3A_770, %parallel_loop3A_771] {strides = array<i32>} : memref<96x128xi32, #tpu.memory_space<vmem>>, vector<16xi32>,
        %parallel_loop3A_773 = vector.bitcast %parallel_loop3A_772 : vector<16xi32> to vector<32xbf16>
        %parallel_loop3A_774 = arith.constant 48 : i32
        %parallel_loop3A_775 = arith.addi %parallel_loop3A_562, %parallel_loop3A_774 : i32
        %parallel_loop3A_776 = arith.index_cast %parallel_loop3A_775 : i32 to index
        %parallel_loop3A_777 = arith.constant 112 : index
        %parallel_loop3A_778 = tpu.vector_load %arg12[%parallel_loop3A_776, %parallel_loop3A_777] {strides = array<i32>} : memref<96x128xi32, #tpu.memory_space<vmem>>, vector<16xi32>,
        %parallel_loop3A_779 = vector.bitcast %parallel_loop3A_778 : vector<16xi32> to vector<32xbf16>
        %parallel_loop3A_780 = arith.subf %parallel_loop3A_773, %parallel_loop3A_779 : vector<32xbf16>
        %parallel_loop3A_781 = arith.index_cast %parallel_loop3A_562 : i32 to index
        %parallel_loop3A_782 = arith.constant 112 : index
        %parallel_loop3A_783 = tpu.vector_load %arg14[%parallel_loop3A_781, %parallel_loop3A_782] {strides = array<i32>} : memref<96x128xi32, #tpu.memory_space<vmem>>, vector<16xi32>,
        %parallel_loop3A_784 = vector.bitcast %parallel_loop3A_783 : vector<16xi32> to vector<32xbf16>
        %parallel_loop3A_785 = arith.constant 48 : i32
        %parallel_loop3A_786 = arith.addi %parallel_loop3A_562, %parallel_loop3A_785 : i32
        %parallel_loop3A_787 = arith.index_cast %parallel_loop3A_786 : i32 to index
        %parallel_loop3A_788 = arith.constant 112 : index
        %parallel_loop3A_789 = tpu.vector_load %arg14[%parallel_loop3A_787, %parallel_loop3A_788] {strides = array<i32>} : memref<96x128xi32, #tpu.memory_space<vmem>>, vector<16xi32>,
        %parallel_loop3A_790 = vector.bitcast %parallel_loop3A_789 : vector<16xi32> to vector<32xbf16>
        %parallel_loop3A_791 = arith.subf %parallel_loop3A_784, %parallel_loop3A_790 : vector<32xbf16>
        %parallel_loop3A_792 = arith.subf %parallel_loop3A_780, %parallel_loop3A_791 : vector<32xbf16>
        %parallel_loop3A_793 = tpu.unpack_subelements %parallel_loop3A_792, 0 {pack_format = #tpu.pack_format<interleaved>} : vector<32xbf16> -> vector<16xf32>
        %parallel_loop3A_794 = tpu.unpack_subelements %parallel_loop3A_792, 1 {pack_format = #tpu.pack_format<interleaved>} : vector<32xbf16> -> vector<16xf32>
        %parallel_loop3A_795 = arith.mulf %parallel_loop3A_793, %parallel_loop3A_793 : vector<16xf32>
        %parallel_loop3A_796 = arith.addf %parallel_loop3A_738, %parallel_loop3A_795 : vector<16xf32>
        %parallel_loop3A_797 = arith.mulf %parallel_loop3A_794, %parallel_loop3A_794 : vector<16xf32>
        %parallel_loop3A_798 = arith.addf %parallel_loop3A_740, %parallel_loop3A_797 : vector<16xf32>
        scf.yield %parallel_loop3A_767, %parallel_loop3A_769, %parallel_loop3A_796, %parallel_loop3A_798 : vector<16xf32>, vector<16xf32>, vector<16xf32>, vector<16xf32>
      } {sc.loop_unroll_factor = 2 : i64, sc.parallel_access}
      %get3A_547 = arith.constant 0 : index
      %get3A_548 = tpu.vector_load %arg17[%get3A_547] {strides = array<i32>} : memref<16xf32, #tpu.memory_space<vmem>>, vector<16xf32>,
      %add3A_549 = arith.addf %parallel_loop3A_546#0, %parallel_loop3A_546#1 : vector<16xf32>
      %add3A_550 = arith.addf %get3A_548, %add3A_549 : vector<16xf32>
      %add3A_551 = arith.addf %parallel_loop3A_546#2, %parallel_loop3A_546#3 : vector<16xf32>
      %add3A_552 = arith.addf %add3A_550, %add3A_551 : vector<16xf32>
      %swap3A_553 = arith.constant 0 : index
      %swap3A_554 = tpu.vector_load %arg17[%swap3A_553] {strides = array<i32>} : memref<16xf32, #tpu.memory_space<vmem>>, vector<16xf32>,
      tpu.vector_store %arg17[%swap3A_553], %add3A_552 {strides = array<i32>} : memref<16xf32, #tpu.memory_space<vmem>>, vector<16xf32>,
      %add3A_555 = arith.constant 2 : i32
      %add3A_556 = arith.addi %add3A_420, %add3A_555 : i32
      %lt3A_557 = arith.constant 42 : i32
      %lt3A_558 = arith.cmpi slt, %add3A_556, %lt3A_557 : i32
      %convert_element_type3A_559 = arith.extui %lt3A_558 : i1 to i32
      %cond3A_560 = arith.constant 0 : i32
      %cond3A_561 = arith.cmpi ne, %convert_element_type3A_559, %cond3A_560 : i32
      scf.if %cond3A_561 {
        %dma_start3A_562 = arith.constant 0 : i32
        %dma_start3A_563 = arith.constant 0 : i32
        %dma_start3A_564 = arith.constant 0 : i32
        %dma_start3A_565 = tpu.memref_slice %arg12[%dma_start3A_563, %dma_start3A_564] : memref<96x128xi32, #tpu.memory_space<vmem>> -> memref<16x128xi32, #tpu.memory_space<vmem>>
        %dma_start3A_566 = arith.constant 0 : i32
        %dma_start3A_567 = tpu.memref_slice %arg15[%add3A_556, %dma_start3A_562, %dma_start3A_566] : memref<42x2x16xi32, #tpu.memory_space<vmem>> -> memref<1x1x16xi32, #tpu.memory_space<vmem>>
        %dma_start3A_568 = tpu.memref_squeeze %dma_start3A_567 : memref<1x1x16xi32, #tpu.memory_space<vmem>> -> memref<16xi32, #tpu.memory_space<vmem>>
        %dma_start3A_569 = arith.constant 0 : i32
        %dma_start3A_570 = arith.constant 0 : i32
        %dma_start3A_571 = tpu.memref_slice %arg2[%dma_start3A_569, %dma_start3A_570] : memref<10475x128xi32, #tpu.memory_space<hbm>> -> memref<10475x128xi32, #tpu.memory_space<hbm>>
        tpu.enqueue_indirect_dma source(%dma_start3A_571 : memref<10475x128xi32, #tpu.memory_space<hbm>>) target(%dma_start3A_565 : memref<16x128xi32, #tpu.memory_space<vmem>>) offsets(%dma_start3A_568 : memref<16xi32, #tpu.memory_space<vmem>>) semaphore(%arg19 : memref<!tpu.dma_semaphore, #tpu.memory_space<semaphore_mem>>)
        %dma_start3A_572 = arith.constant 0 : i32
        %dma_start3A_573 = arith.constant 16 : i32
        %dma_start3A_574 = arith.constant 0 : i32
        %dma_start3A_575 = tpu.memref_slice %arg12[%dma_start3A_573, %dma_start3A_574] : memref<96x128xi32, #tpu.memory_space<vmem>> -> memref<16x128xi32, #tpu.memory_space<vmem>>
        %dma_start3A_576 = arith.constant 0 : i32
        %dma_start3A_577 = tpu.memref_slice %arg15[%add3A_556, %dma_start3A_572, %dma_start3A_576] : memref<42x2x16xi32, #tpu.memory_space<vmem>> -> memref<1x1x16xi32, #tpu.memory_space<vmem>>
        %dma_start3A_578 = tpu.memref_squeeze %dma_start3A_577 : memref<1x1x16xi32, #tpu.memory_space<vmem>> -> memref<16xi32, #tpu.memory_space<vmem>>
        %dma_start3A_579 = arith.constant 0 : i32
        %dma_start3A_580 = arith.constant 0 : i32
        %dma_start3A_581 = tpu.memref_slice %arg3[%dma_start3A_579, %dma_start3A_580] : memref<10475x128xi32, #tpu.memory_space<hbm>> -> memref<10475x128xi32, #tpu.memory_space<hbm>>
        tpu.enqueue_indirect_dma source(%dma_start3A_581 : memref<10475x128xi32, #tpu.memory_space<hbm>>) target(%dma_start3A_575 : memref<16x128xi32, #tpu.memory_space<vmem>>) offsets(%dma_start3A_578 : memref<16xi32, #tpu.memory_space<vmem>>) semaphore(%arg19 : memref<!tpu.dma_semaphore, #tpu.memory_space<semaphore_mem>>)
        %dma_start3A_582 = arith.constant 0 : i32
        %dma_start3A_583 = arith.constant 32 : i32
        %dma_start3A_584 = arith.constant 0 : i32
        %dma_start3A_585 = tpu.memref_slice %arg12[%dma_start3A_583, %dma_start3A_584] : memref<96x128xi32, #tpu.memory_space<vmem>> -> memref<16x128xi32, #tpu.memory_space<vmem>>
        %dma_start3A_586 = arith.constant 0 : i32
        %dma_start3A_587 = tpu.memref_slice %arg15[%add3A_556, %dma_start3A_582, %dma_start3A_586] : memref<42x2x16xi32, #tpu.memory_space<vmem>> -> memref<1x1x16xi32, #tpu.memory_space<vmem>>
        %dma_start3A_588 = tpu.memref_squeeze %dma_start3A_587 : memref<1x1x16xi32, #tpu.memory_space<vmem>> -> memref<16xi32, #tpu.memory_space<vmem>>
        %dma_start3A_589 = arith.constant 0 : i32
        %dma_start3A_590 = arith.constant 0 : i32
        %dma_start3A_591 = tpu.memref_slice %arg4[%dma_start3A_589, %dma_start3A_590] : memref<10475x128xi32, #tpu.memory_space<hbm>> -> memref<10475x128xi32, #tpu.memory_space<hbm>>
        tpu.enqueue_indirect_dma source(%dma_start3A_591 : memref<10475x128xi32, #tpu.memory_space<hbm>>) target(%dma_start3A_585 : memref<16x128xi32, #tpu.memory_space<vmem>>) offsets(%dma_start3A_588 : memref<16xi32, #tpu.memory_space<vmem>>) semaphore(%arg19 : memref<!tpu.dma_semaphore, #tpu.memory_space<semaphore_mem>>)
        %dma_start3A_592 = arith.constant 1 : i32
        %dma_start3A_593 = arith.constant 48 : i32
        %dma_start3A_594 = arith.constant 0 : i32
        %dma_start3A_595 = tpu.memref_slice %arg12[%dma_start3A_593, %dma_start3A_594] : memref<96x128xi32, #tpu.memory_space<vmem>> -> memref<16x128xi32, #tpu.memory_space<vmem>>
        %dma_start3A_596 = arith.constant 0 : i32
        %dma_start3A_597 = tpu.memref_slice %arg15[%add3A_556, %dma_start3A_592, %dma_start3A_596] : memref<42x2x16xi32, #tpu.memory_space<vmem>> -> memref<1x1x16xi32, #tpu.memory_space<vmem>>
        %dma_start3A_598 = tpu.memref_squeeze %dma_start3A_597 : memref<1x1x16xi32, #tpu.memory_space<vmem>> -> memref<16xi32, #tpu.memory_space<vmem>>
        %dma_start3A_599 = arith.constant 0 : i32
        %dma_start3A_600 = arith.constant 0 : i32
        %dma_start3A_601 = tpu.memref_slice %arg2[%dma_start3A_599, %dma_start3A_600] : memref<10475x128xi32, #tpu.memory_space<hbm>> -> memref<10475x128xi32, #tpu.memory_space<hbm>>
        tpu.enqueue_indirect_dma source(%dma_start3A_601 : memref<10475x128xi32, #tpu.memory_space<hbm>>) target(%dma_start3A_595 : memref<16x128xi32, #tpu.memory_space<vmem>>) offsets(%dma_start3A_598 : memref<16xi32, #tpu.memory_space<vmem>>) semaphore(%arg19 : memref<!tpu.dma_semaphore, #tpu.memory_space<semaphore_mem>>)
        %dma_start3A_602 = arith.constant 1 : i32
        %dma_start3A_603 = arith.constant 64 : i32
        %dma_start3A_604 = arith.constant 0 : i32
        %dma_start3A_605 = tpu.memref_slice %arg12[%dma_start3A_603, %dma_start3A_604] : memref<96x128xi32, #tpu.memory_space<vmem>> -> memref<16x128xi32, #tpu.memory_space<vmem>>
        %dma_start3A_606 = arith.constant 0 : i32
        %dma_start3A_607 = tpu.memref_slice %arg15[%add3A_556, %dma_start3A_602, %dma_start3A_606] : memref<42x2x16xi32, #tpu.memory_space<vmem>> -> memref<1x1x16xi32, #tpu.memory_space<vmem>>
        %dma_start3A_608 = tpu.memref_squeeze %dma_start3A_607 : memref<1x1x16xi32, #tpu.memory_space<vmem>> -> memref<16xi32, #tpu.memory_space<vmem>>
        %dma_start3A_609 = arith.constant 0 : i32
        %dma_start3A_610 = arith.constant 0 : i32
        %dma_start3A_611 = tpu.memref_slice %arg3[%dma_start3A_609, %dma_start3A_610] : memref<10475x128xi32, #tpu.memory_space<hbm>> -> memref<10475x128xi32, #tpu.memory_space<hbm>>
        tpu.enqueue_indirect_dma source(%dma_start3A_611 : memref<10475x128xi32, #tpu.memory_space<hbm>>) target(%dma_start3A_605 : memref<16x128xi32, #tpu.memory_space<vmem>>) offsets(%dma_start3A_608 : memref<16xi32, #tpu.memory_space<vmem>>) semaphore(%arg19 : memref<!tpu.dma_semaphore, #tpu.memory_space<semaphore_mem>>)
        %dma_start3A_612 = arith.constant 1 : i32
        %dma_start3A_613 = arith.constant 80 : i32
        %dma_start3A_614 = arith.constant 0 : i32
        %dma_start3A_615 = tpu.memref_slice %arg12[%dma_start3A_613, %dma_start3A_614] : memref<96x128xi32, #tpu.memory_space<vmem>> -> memref<16x128xi32, #tpu.memory_space<vmem>>
        %dma_start3A_616 = arith.constant 0 : i32
        %dma_start3A_617 = tpu.memref_slice %arg15[%add3A_556, %dma_start3A_612, %dma_start3A_616] : memref<42x2x16xi32, #tpu.memory_space<vmem>> -> memref<1x1x16xi32, #tpu.memory_space<vmem>>
        %dma_start3A_618 = tpu.memref_squeeze %dma_start3A_617 : memref<1x1x16xi32, #tpu.memory_space<vmem>> -> memref<16xi32, #tpu.memory_space<vmem>>
        %dma_start3A_619 = arith.constant 0 : i32
        %dma_start3A_620 = arith.constant 0 : i32
        %dma_start3A_621 = tpu.memref_slice %arg4[%dma_start3A_619, %dma_start3A_620] : memref<10475x128xi32, #tpu.memory_space<hbm>> -> memref<10475x128xi32, #tpu.memory_space<hbm>>
        tpu.enqueue_indirect_dma source(%dma_start3A_621 : memref<10475x128xi32, #tpu.memory_space<hbm>>) target(%dma_start3A_615 : memref<16x128xi32, #tpu.memory_space<vmem>>) offsets(%dma_start3A_618 : memref<16xi32, #tpu.memory_space<vmem>>) semaphore(%arg19 : memref<!tpu.dma_semaphore, #tpu.memory_space<semaphore_mem>>)
        %dma_start3A_622 = arith.constant 0 : i32
        %dma_start3A_623 = arith.constant 0 : i32
        %dma_start3A_624 = arith.constant 0 : i32
        %dma_start3A_625 = tpu.memref_slice %arg14[%dma_start3A_623, %dma_start3A_624] : memref<96x128xi32, #tpu.memory_space<vmem>> -> memref<16x128xi32, #tpu.memory_space<vmem>>
        %dma_start3A_626 = arith.constant 0 : i32
        %dma_start3A_627 = tpu.memref_slice %arg16[%add3A_556, %dma_start3A_622, %dma_start3A_626] : memref<42x2x16xi32, #tpu.memory_space<vmem>> -> memref<1x1x16xi32, #tpu.memory_space<vmem>>
        %dma_start3A_628 = tpu.memref_squeeze %dma_start3A_627 : memref<1x1x16xi32, #tpu.memory_space<vmem>> -> memref<16xi32, #tpu.memory_space<vmem>>
        %dma_start3A_629 = arith.constant 0 : i32
        %dma_start3A_630 = arith.constant 0 : i32
        %dma_start3A_631 = tpu.memref_slice %arg5[%dma_start3A_629, %dma_start3A_630] : memref<10475x128xi32, #tpu.memory_space<hbm>> -> memref<10475x128xi32, #tpu.memory_space<hbm>>
        tpu.enqueue_indirect_dma source(%dma_start3A_631 : memref<10475x128xi32, #tpu.memory_space<hbm>>) target(%dma_start3A_625 : memref<16x128xi32, #tpu.memory_space<vmem>>) offsets(%dma_start3A_628 : memref<16xi32, #tpu.memory_space<vmem>>) semaphore(%arg21 : memref<!tpu.dma_semaphore, #tpu.memory_space<semaphore_mem>>)
        %dma_start3A_632 = arith.constant 0 : i32
        %dma_start3A_633 = arith.constant 16 : i32
        %dma_start3A_634 = arith.constant 0 : i32
        %dma_start3A_635 = tpu.memref_slice %arg14[%dma_start3A_633, %dma_start3A_634] : memref<96x128xi32, #tpu.memory_space<vmem>> -> memref<16x128xi32, #tpu.memory_space<vmem>>
        %dma_start3A_636 = arith.constant 0 : i32
        %dma_start3A_637 = tpu.memref_slice %arg16[%add3A_556, %dma_start3A_632, %dma_start3A_636] : memref<42x2x16xi32, #tpu.memory_space<vmem>> -> memref<1x1x16xi32, #tpu.memory_space<vmem>>
        %dma_start3A_638 = tpu.memref_squeeze %dma_start3A_637 : memref<1x1x16xi32, #tpu.memory_space<vmem>> -> memref<16xi32, #tpu.memory_space<vmem>>
        %dma_start3A_639 = arith.constant 0 : i32
        %dma_start3A_640 = arith.constant 0 : i32
        %dma_start3A_641 = tpu.memref_slice %arg6[%dma_start3A_639, %dma_start3A_640] : memref<10475x128xi32, #tpu.memory_space<hbm>> -> memref<10475x128xi32, #tpu.memory_space<hbm>>
        tpu.enqueue_indirect_dma source(%dma_start3A_641 : memref<10475x128xi32, #tpu.memory_space<hbm>>) target(%dma_start3A_635 : memref<16x128xi32, #tpu.memory_space<vmem>>) offsets(%dma_start3A_638 : memref<16xi32, #tpu.memory_space<vmem>>) semaphore(%arg21 : memref<!tpu.dma_semaphore, #tpu.memory_space<semaphore_mem>>)
        %dma_start3A_642 = arith.constant 0 : i32
        %dma_start3A_643 = arith.constant 32 : i32
        %dma_start3A_644 = arith.constant 0 : i32
        %dma_start3A_645 = tpu.memref_slice %arg14[%dma_start3A_643, %dma_start3A_644] : memref<96x128xi32, #tpu.memory_space<vmem>> -> memref<16x128xi32, #tpu.memory_space<vmem>>
        %dma_start3A_646 = arith.constant 0 : i32
        %dma_start3A_647 = tpu.memref_slice %arg16[%add3A_556, %dma_start3A_642, %dma_start3A_646] : memref<42x2x16xi32, #tpu.memory_space<vmem>> -> memref<1x1x16xi32, #tpu.memory_space<vmem>>
        %dma_start3A_648 = tpu.memref_squeeze %dma_start3A_647 : memref<1x1x16xi32, #tpu.memory_space<vmem>> -> memref<16xi32, #tpu.memory_space<vmem>>
        %dma_start3A_649 = arith.constant 0 : i32
        %dma_start3A_650 = arith.constant 0 : i32
        %dma_start3A_651 = tpu.memref_slice %arg7[%dma_start3A_649, %dma_start3A_650] : memref<10475x128xi32, #tpu.memory_space<hbm>> -> memref<10475x128xi32, #tpu.memory_space<hbm>>
        tpu.enqueue_indirect_dma source(%dma_start3A_651 : memref<10475x128xi32, #tpu.memory_space<hbm>>) target(%dma_start3A_645 : memref<16x128xi32, #tpu.memory_space<vmem>>) offsets(%dma_start3A_648 : memref<16xi32, #tpu.memory_space<vmem>>) semaphore(%arg21 : memref<!tpu.dma_semaphore, #tpu.memory_space<semaphore_mem>>)
        %dma_start3A_652 = arith.constant 1 : i32
        %dma_start3A_653 = arith.constant 48 : i32
        %dma_start3A_654 = arith.constant 0 : i32
        %dma_start3A_655 = tpu.memref_slice %arg14[%dma_start3A_653, %dma_start3A_654] : memref<96x128xi32, #tpu.memory_space<vmem>> -> memref<16x128xi32, #tpu.memory_space<vmem>>
        %dma_start3A_656 = arith.constant 0 : i32
        %dma_start3A_657 = tpu.memref_slice %arg16[%add3A_556, %dma_start3A_652, %dma_start3A_656] : memref<42x2x16xi32, #tpu.memory_space<vmem>> -> memref<1x1x16xi32, #tpu.memory_space<vmem>>
        %dma_start3A_658 = tpu.memref_squeeze %dma_start3A_657 : memref<1x1x16xi32, #tpu.memory_space<vmem>> -> memref<16xi32, #tpu.memory_space<vmem>>
        %dma_start3A_659 = arith.constant 0 : i32
        %dma_start3A_660 = arith.constant 0 : i32
        %dma_start3A_661 = tpu.memref_slice %arg5[%dma_start3A_659, %dma_start3A_660] : memref<10475x128xi32, #tpu.memory_space<hbm>> -> memref<10475x128xi32, #tpu.memory_space<hbm>>
        tpu.enqueue_indirect_dma source(%dma_start3A_661 : memref<10475x128xi32, #tpu.memory_space<hbm>>) target(%dma_start3A_655 : memref<16x128xi32, #tpu.memory_space<vmem>>) offsets(%dma_start3A_658 : memref<16xi32, #tpu.memory_space<vmem>>) semaphore(%arg21 : memref<!tpu.dma_semaphore, #tpu.memory_space<semaphore_mem>>)
        %dma_start3A_662 = arith.constant 1 : i32
        %dma_start3A_663 = arith.constant 64 : i32
        %dma_start3A_664 = arith.constant 0 : i32
        %dma_start3A_665 = tpu.memref_slice %arg14[%dma_start3A_663, %dma_start3A_664] : memref<96x128xi32, #tpu.memory_space<vmem>> -> memref<16x128xi32, #tpu.memory_space<vmem>>
        %dma_start3A_666 = arith.constant 0 : i32
        %dma_start3A_667 = tpu.memref_slice %arg16[%add3A_556, %dma_start3A_662, %dma_start3A_666] : memref<42x2x16xi32, #tpu.memory_space<vmem>> -> memref<1x1x16xi32, #tpu.memory_space<vmem>>
        %dma_start3A_668 = tpu.memref_squeeze %dma_start3A_667 : memref<1x1x16xi32, #tpu.memory_space<vmem>> -> memref<16xi32, #tpu.memory_space<vmem>>
        %dma_start3A_669 = arith.constant 0 : i32
        %dma_start3A_670 = arith.constant 0 : i32
        %dma_start3A_671 = tpu.memref_slice %arg6[%dma_start3A_669, %dma_start3A_670] : memref<10475x128xi32, #tpu.memory_space<hbm>> -> memref<10475x128xi32, #tpu.memory_space<hbm>>
        tpu.enqueue_indirect_dma source(%dma_start3A_671 : memref<10475x128xi32, #tpu.memory_space<hbm>>) target(%dma_start3A_665 : memref<16x128xi32, #tpu.memory_space<vmem>>) offsets(%dma_start3A_668 : memref<16xi32, #tpu.memory_space<vmem>>) semaphore(%arg21 : memref<!tpu.dma_semaphore, #tpu.memory_space<semaphore_mem>>)
        %dma_start3A_672 = arith.constant 1 : i32
        %dma_start3A_673 = arith.constant 80 : i32
        %dma_start3A_674 = arith.constant 0 : i32
        %dma_start3A_675 = tpu.memref_slice %arg14[%dma_start3A_673, %dma_start3A_674] : memref<96x128xi32, #tpu.memory_space<vmem>> -> memref<16x128xi32, #tpu.memory_space<vmem>>
        %dma_start3A_676 = arith.constant 0 : i32
        %dma_start3A_677 = tpu.memref_slice %arg16[%add3A_556, %dma_start3A_672, %dma_start3A_676] : memref<42x2x16xi32, #tpu.memory_space<vmem>> -> memref<1x1x16xi32, #tpu.memory_space<vmem>>
        %dma_start3A_678 = tpu.memref_squeeze %dma_start3A_677 : memref<1x1x16xi32, #tpu.memory_space<vmem>> -> memref<16xi32, #tpu.memory_space<vmem>>
        %dma_start3A_679 = arith.constant 0 : i32
        %dma_start3A_680 = arith.constant 0 : i32
        %dma_start3A_681 = tpu.memref_slice %arg7[%dma_start3A_679, %dma_start3A_680] : memref<10475x128xi32, #tpu.memory_space<hbm>> -> memref<10475x128xi32, #tpu.memory_space<hbm>>
        tpu.enqueue_indirect_dma source(%dma_start3A_681 : memref<10475x128xi32, #tpu.memory_space<hbm>>) target(%dma_start3A_675 : memref<16x128xi32, #tpu.memory_space<vmem>>) offsets(%dma_start3A_678 : memref<16xi32, #tpu.memory_space<vmem>>) semaphore(%arg21 : memref<!tpu.dma_semaphore, #tpu.memory_space<semaphore_mem>>)
      } else {
      }
    }
    %scan3A_269 = arith.constant 21 : i32
    %get3A = arith.constant 0 : index
    %get3A_270 = tpu.vector_load %arg17[%get3A] {strides = array<i32>} : memref<16xf32, #tpu.memory_space<vmem>>, vector<16xf32>,
    %mul3A_271 = arith.constant 3.906250e-03 : f32
    %mul3A_272 = vector.broadcast %mul3A_271 : f32 to vector<16xf32>
    %mul3A_273 = arith.mulf %get3A_270, %mul3A_272 : vector<16xf32>
    %swap3A_274 = arith.constant 0 : index
    %swap3A_275 = tpu.vector_load %arg17[%swap3A_274] {strides = array<i32>} : memref<16xf32, #tpu.memory_space<vmem>>, vector<16xf32>,
    tpu.vector_store %arg17[%swap3A_274], %mul3A_273 {strides = array<i32>} : memref<16xf32, #tpu.memory_space<vmem>>, vector<16xf32>,
    "tpu.region"() ({
      %run_scoped3A = tpu.sem_alloc : memref<!tpu.dma_semaphore, #tpu.memory_space<semaphore_mem>>
      %dma_start3A_276 = arith.constant 0 : i32
      %dma_start3A_277 = tpu.memref_slice %arg10[%add3A, %dma_start3A_276] : memref<32x16xf32, #tpu.memory_space<hbm>> -> memref<1x16xf32, #tpu.memory_space<hbm>>
      %dma_start3A_278 = tpu.memref_squeeze %dma_start3A_277 : memref<1x16xf32, #tpu.memory_space<hbm>> -> memref<16xf32, #tpu.memory_space<hbm>>
      %dma_start3A_279 = arith.constant 0 : i32
      %dma_start3A_280 = tpu.memref_slice %arg10[%add3A, %dma_start3A_279] : memref<32x16xf32, #tpu.memory_space<hbm>> -> memref<1x16xf32, #tpu.memory_space<hbm>>
      %dma_start3A_281 = tpu.memref_squeeze %dma_start3A_280 : memref<1x16xf32, #tpu.memory_space<hbm>> -> memref<16xf32, #tpu.memory_space<hbm>>
      tpu.enqueue_dma source(%arg17 : memref<16xf32, #tpu.memory_space<vmem>>) target(%dma_start3A_281 : memref<16xf32, #tpu.memory_space<hbm>>) target_semaphore(%run_scoped3A : memref<!tpu.dma_semaphore, #tpu.memory_space<semaphore_mem>>)
      %dma_wait3A = arith.constant 0 : i32
      %dma_wait3A_282 = tpu.memref_slice %arg10[%add3A, %dma_wait3A] : memref<32x16xf32, #tpu.memory_space<hbm>> -> memref<1x16xf32, #tpu.memory_space<hbm>>
      %dma_wait3A_283 = tpu.memref_squeeze %dma_wait3A_282 : memref<1x16xf32, #tpu.memory_space<hbm>> -> memref<16xf32, #tpu.memory_space<hbm>>
      %dma_wait3A_284 = arith.constant 0 : i32
      %dma_wait3A_285 = tpu.memref_slice %arg10[%add3A, %dma_wait3A_284] : memref<32x16xf32, #tpu.memory_space<hbm>> -> memref<1x16xf32, #tpu.memory_space<hbm>>
      %dma_wait3A_286 = tpu.memref_squeeze %dma_wait3A_285 : memref<1x16xf32, #tpu.memory_space<hbm>> -> memref<16xf32, #tpu.memory_space<hbm>>
      tpu.wait_dma2 semaphore(%run_scoped3A : memref<!tpu.dma_semaphore, #tpu.memory_space<semaphore_mem>>) src(%arg17 : memref<16xf32, #tpu.memory_space<vmem>>) dst(%dma_wait3A_286 : memref<16xf32, #tpu.memory_space<hbm>>)
      tpu.yield
    }) : () -> ()
    return
  }
}

</mosaic_0001>

<sc_bundles>
// kernel: kernel.3.cloned.1.call-start
scs
__scs_entry_jumppad:
0x0: {  	(pc) =	sbr.rel $0x88, $3  }
0x1: {  	(tag) =	ssettag $0x0;
	lr =	simm.s32 $0x1  }
0x2: {  	[smem:$0x3F9D] =	sst lr;
	_ =	strace $0xD0000000  }
0x3: {  	_ = 	snop  }
0x4: {  	_ = 	snop  }
0x5: {  	_ = 	snop  }
0x6: {  	_ = 	snop  }
0x7: {  	_ = 	snop  }
__scs_overlays_trampoline_lowered:
0x8: {  	[smem:$0x3FAC] =	sst s0  }
0x9: {  	[smem:$0x3FAD] =	sst s1  }
0xa: {  	[smem:$0x3FAE] =	sst s2  }
0xb: {  	[smem:$0x3FAF] =	sst s3  }
0xc: {  	[smem:$0x3FB0] =	sst s4  }
0xd: {  	[smem:$0x3FB1] =	sst s5  }
0xe: {  	[smem:$0x3FB2] =	sst s6  }
0xf: {  	[smem:$0x3FB3] =	sst s7  }
0x10: {  	[smem:$0x3FB4] =	sst s8  }
0x11: {  	[smem:$0x3FB5] =	sst s9;
	s0 =	simm.s32 @!p0 $0x0  }
0x12: {  	s1 =	sld [smem:$0x3F9B];
	s0 =	simm.s32 @p0 $0x1  }
0x13: {  	[smem:$0x3FB6] =	sst s0;
	s0 =	simm.s32 @!p1 $0x0  }
0x14: {  	s2 =	sld [smem:$0x3F9A];
	s0 =	simm.s32 @p1 $0x1  }
0x15: {  	[smem:$0x3FB7] =	sst s0;
	s0 =	simm.s32 @!p2 $0x0  }
0x16: {  	s3 =	sld [smem:$0x3FDB];
	s0 =	simm.s32 @p2 $0x1  }
0x17: {  	s4 =	simm.s32 $0x1BF5;
	[smem:$0x3FB9] =	sst s0  }
0x18: {  	s0 =	sld [smem:$0x3F9C];
	_ =	swait.ge [sflag:s4], $0x0  }
0x19: {  	s7 =	sld [smem:$0x3F9D]  }
0x1a: {  	s8 =	sadd.s32 $0xFFFFE003, lr  }
0x1b: {  	s9 =	sadd.s32 $0xFFFFFEF7, lr;
	s5 =	simm.s32 $0xFFFFFFFF;
	p2 =	slt.u32 s8, $0xFFFFF086  }
0x1c: {  	p1 =	slt.u32 s9, $0xF7A;
	s5 =	simm.s32 @!p2 $0x0  }
0x1d: {  	s5 =	simm.s32 @p1 $0x1;
	p0 =	seq.s32 s7, s2  }
0x1e: {  	s7 =	smul.u32 @!p0 $0xF7A, s2;
	p2 =	seq.s32 @!p0 s5, $0x0  }
0x1f: {  	s9 =	smul.u32 $0xF7A, s1;
	s8 =	simm.s32 @!p0 $0x1BF5;
	p2 =	por !p2, p0  }
0x20: {  	[sflag:s8] =	ssyncset.s32 @!p0 $0xFFFFF086;
	s6 =	sadd.s32 @!p0 s3, s7;
	s7 =	simm.s32 @!p0 $0x108  }
0x21: {  	s3 =	sadd.s32 s3, s9;
	s6 =	sadd.s32 @!p0 $0x88, s6;
	s7 =	simm.s32 @p2 $0x1082  }
0x22: {  	[simem:s7], [sflag:s8] =	dma.local @!p0 [hbm:s6], $0xF7A  }
0x23: {  	s9 =	sor.u32 $0xD0000000, s2;
	s6 =	simm.s32 $0x108;
	_ =	swait.ge @!p0 [sflag:s8], $0x0  }
0x24: {  	s3 =	sadd.s32 $0x88, s3;
	s6 =	simm.s32 @!p1 $0x1082;
	[sflag:s4] =	ssyncset.s32 $0xFFFFF086  }
0x25: {  	[simem:s6], [sflag:s4] =	dma.local [hbm:s3], $0xF7A  }
0x26: {  	[smem:$0x3F9D] =	sst s1;
	(tag) =	ssettag s2;
	_ =	strace s9  }
0x27: {  	s1 =	sld [smem:$0x3FAD]  }
0x28: {  	s2 =	sld [smem:$0x3FAE]  }
0x29: {  	s4 =	sld [smem:$0x3FB0]  }
0x2a: {  	p0 =	seq.s32 s5, $0x0;
	s5 =	sld [smem:$0x3FB1]  }
0x2b: {  	s6 =	sld [smem:$0x3FB2]  }
0x2c: {  	s7 =	sld [smem:$0x3FB3]  }
0x2d: {  	s3 =	simm.s32 $0x108;
	s8 =	sld [smem:$0x3FB4]  }
0x2e: {  	s3 =	simm.s32 @!p0 $0x1082;
	s9 =	sld [smem:$0x3FB5]  }
0x2f: {  	lr =	sadd.s32 s0, s3;
	s0 =	sld [smem:$0x3FAC]  }
0x30: {  	s3 =	sld [smem:$0x3FAF]  }
0x31: {  	[smem:$0x3FB8] =	sst s10  }
0x32: {  	s10 =	sld [smem:$0x3FB6];
	_ =	sdelay $0x3  }
0x33: {  	p0 =	seq.s32 s10, $0x1;
	s10 =	sld [smem:$0x3FB8];
	_ =	sdelay $0x3  }
0x34: {  	[smem:$0x3FB8] =	sst s10  }
0x35: {  	s10 =	sld [smem:$0x3FB7];
	_ =	sdelay $0x3  }
0x36: {  	p1 =	seq.s32 s10, $0x1;
	s10 =	sld [smem:$0x3FB8];
	_ =	sdelay $0x3  }
0x37: {  	[smem:$0x3FB8] =	sst s10  }
0x38: {  	s10 =	sld [smem:$0x3FB9]  }
0x39: {  	_ = 	snop;
	(pc) =	sbr.ind lr, $3  }
0x3a: {  	_ = 	snop  }
0x3b: {  	_ = 	snop  }
0x3c: {  	p2 =	seq.s32 s10, $0x1;
	s10 =	sld [smem:$0x3FB8]  }
0x3d: {  	_ =	shalt  }
0x3e: {  	_ =	shalt  }
0x3f: {  	_ =	shalt  }
0x40: {  	_ =	shalt  }
0x41: {  	_ =	shalt  }
0x42: {  	_ =	shalt  }
0x43: {  	_ =	shalt  }
0x44: {  	_ =	shalt  }
0x45: {  	_ =	shalt  }
0x46: {  	_ =	shalt  }
0x47: {  	_ =	shalt  }
0x48: {  	_ =	shalt  }
0x49: {  	_ =	shalt  }
0x4a: {  	_ =	shalt  }
0x4b: {  	_ =	shalt  }
0x4c: {  	_ =	shalt  }
0x4d: {  	_ =	shalt  }
0x4e: {  	_ =	shalt  }
0x4f: {  	_ =	shalt  }
0x50: {  	_ =	shalt  }
0x51: {  	_ =	shalt  }
0x52: {  	_ =	shalt  }
0x53: {  	_ =	shalt  }
0x54: {  	_ =	shalt  }
0x55: {  	_ =	shalt  }
0x56: {  	_ =	shalt  }
0x57: {  	_ =	shalt  }
0x58: {  	_ =	shalt  }
0x59: {  	_ =	shalt  }
0x5a: {  	_ =	shalt  }
0x5b: {  	_ =	shalt  }
0x5c: {  	_ =	shalt  }
0x5d: {  	_ =	shalt  }
0x5e: {  	_ =	shalt  }
0x5f: {  	_ =	shalt  }
0x60: {  	_ =	shalt  }
0x61: {  	_ =	shalt  }
0x62: {  	_ =	shalt  }
0x63: {  	_ =	shalt  }
0x64: {  	_ =	shalt  }
0x65: {  	_ =	shalt  }
0x66: {  	_ =	shalt  }
0x67: {  	_ =	shalt  }
0x68: {  	_ =	shalt  }
0x69: {  	_ =	shalt  }
0x6a: {  	_ =	shalt  }
0x6b: {  	_ =	shalt  }
0x6c: {  	_ =	shalt  }
0x6d: {  	_ =	shalt  }
0x6e: {  	_ =	shalt  }
0x6f: {  	_ =	shalt  }
0x70: {  	_ =	shalt  }
0x71: {  	_ =	shalt  }
0x72: {  	_ =	shalt  }
0x73: {  	_ =	shalt  }
0x74: {  	_ =	shalt  }
0x75: {  	_ =	shalt  }
0x76: {  	_ =	shalt  }
0x77: {  	_ =	shalt  }
0x78: {  	_ =	shalt  }
0x79: {  	_ =	shalt  }
0x7a: {  	_ =	shalt  }
0x7b: {  	_ =	shalt  }
0x7c: {  	_ =	shalt  }
0x7d: {  	_ =	shalt  }
0x7e: {  	_ =	shalt  }
0x7f: {  	_ =	shalt  }
0x80: {  	_ =	shalt  }
0x81: {  	_ =	shalt  }
0x82: {  	_ =	shalt  }
0x83: {  	_ =	shalt  }
0x84: {  	_ =	shalt  }
0x85: {  	_ =	shalt  }
0x86: {  	_ =	shalt  }
0x87: {  	_ =	shalt  }
.Lfunc_end0:
.L_simem_size_0:
called_computation_lowered:
.L_overlay_start_0:
0x88: {  	s2 =	sld [smem:$0x3FD9]  }
0x89: {  	s3 =	sld [smem:$0x3FFE];
	_ =	sdelay $0x1  }
0x8a: {  	s1 =	srdreg.scid  }
0x8b: {  	s0 =	sand.u32 $0x1, s1  }
0x8c: {  	s16 =	sshll.u32 s0, $0xA;
	s2 =	sadd.s32 s3, s2  }
0x8d: {  	s2 =	sadd.s32 s2, s16  }
0x8e: {  	[smem:$0x3FC4] =	sst s2  }
0x8f: {  	_ = 	snop  }
0x90: {  	(tm) =	ssettm $0x1  }
0x91: {  	s17 =	sld [smem:$0x3FFB];
	_ =	sdelay $0x3  }
0x92: {  	_ =	strace s17  }
0x93: {  	s2 =	sld [smem:$0x3FFC];
	_ =	sdelay $0x3  }
0x94: {  	_ =	strace s2  }
0x95: {  	s2 =	sld [smem:$0x3FFD];
	_ =	sdelay $0x3  }
0x96: {  	_ =	strace s2  }
0x97: {  	_ =	strace $0x8FFFFFFF  }
0x98: {  	s18 =	sld [smem:$0x3FDB];
	_ =	sdelay $0x1  }
0x99: {  	s19 =	simm.s32 $_scs_section_size  }
0x9a: {  	s4 =	simm.s32 $_size__tile_overlayer_lowered;
	s5 =	simm.s32 $_tile_overlayer_lowered  }
0x9b: {  	s22 =	simm.s32 $0x1BFF;
	s21 =	sshll.u32 s5, $0x1;
	s2 =	sadd.s32 s19, s18  }
0x9c: {  	s6 =	simm.s32 $0x0;
	s20 =	sshll.u32 s4, $0x1;
	s4 =	sadd.s32 s21, s2  }
0x9d: {  	[timem:s6], [sflag:s22] =	dma.local [hbm:s4], s20  }
0x9e: {  	_ =	swait.ge [sflag:s22], s20  }
0x9f: {  	s3 =	ssub.s32 $0x0, s20;
	[sflag:s22] =	ssyncset.done $0x0  }
0xa0: {  	[sflag:s22] =	ssyncadd.s32 s3;
	_ =	sdelay $0x1  }
0xa1: {  	s23 =	simm.s32 $0x1B8B  }
0xa2: {  	_ =	swait.ge [sflag:s23], $0x1  }
0xa3: {  	[sflag:s23] =	ssyncset.done $0x0  }
0xa4: {  	s25 =	simm.s32 $0x1B8E;
	s24 =	sld [smem:$0x3FFE];
	[sflag:s23] =	ssyncadd.s32 $0xFFFFFFFF  }
0xa5: {  	s26 =	simm.s32 $execute0_lowered;
	[smem:$0x3FD2] =	sst s25  }
0xa6: {  	s4 =	sshll.u32 s26, $0x1;
	_ =	strace $0x80000046;
	[dreg:$0x1] =	wrdreg $0xFFFFFFFF  }
0xa7: {  	s28 =	simm.s32 $_size_execute0_lowered;
	s2 =	sadd.s32 s2, s4;
	[dreg:$0x0] =	wrdreg $0x0  }
0xa8: {  	s4 =	sshll.u32 s28, $0x1;
	[dreg:$0x2] =	wrdreg s2  }
0xa9: {  	[dreg:$0x3] =	wrdreg s4  }
0xaa: {  	[dreg:$0x4] =	wrdreg $0xC0  }
0xab: {  	_ =	task [dreg:s6], $0x5FFFF  }
0xac: {  	[dreg:$0x1] =	wrdreg $0xFFFFFFFF  }
0xad: {  	[dreg:$0x0] =	wrdreg $0x60  }
0xae: {  	[dreg:$0x2] =	wrdreg s24  }
0xaf: {  	[dreg:$0x3] =	wrdreg $0x9  }
0xb0: {  	_ =	task.clear_ibuf [dreg:s6], $0x4FFFF;
	_ =	strace $0x90000046  }
0xb1: {  	s29 =	simm.s32 $0x9;
	_ =	strace $0x80000048  }
0xb2: {  	_ =	swait.ge [sflag:s29], $0x1  }
0xb3: {  	[sflag:s29] =	ssyncadd.s32 $0xFFFFFFFF  }
0xb4: {  	_ =	strace $0x90000048  }
0xb5: {  	_ =	sfence  }
0xb6: {  	s30 =	sld [smem:$0x0];
	_ =	sdelay $0x2  }
0xb7: {  	s31 =	sshll.u32 s1, $0xD;
	s1 =	sshrl.u32 s1, $0x2  }
0xb8: {  	s3 =	sand.u32 $0x4000, s31;
	s1 =	sadd.s32 s1, s30  }
0xb9: {  	s0 =	sor.u32 s3, s0;
	s1 =	sshll.u32 s1, $0x11  }
0xba: {  	s0 =	sor.u32 s1, s0  }
0xbb: {  	s0 =	sadd.s32 $0x8F2B, s0  }
0xbc: {  	[sflag:s0] =	ssyncadd.remote.s32 $0x1  }
0xbd: {  	_ =	sfence.sel $0xFFFF  }
0xbe: {  	[dreg:$0x0] =	wrdreg $0xFFFFFFFF;
	(pc) =	sbr.abs _section_cstart, $3  }
0xbf: {  	[dreg:$0x1] =	wrdreg $0xFFFFFFFF  }
0xc0: {  	_ =	task.clear_ibuf [dreg:s6], $0x2FFFF;
	_ =	strace $0x9FFFFFFF  }
0xc1: {  	(tm) =	ssettm $0x7FFFFFFF  }
tec
execute0_lowered:
.L_overlay_start_1:
0x0: {  	(tag) =	ssettag $0x1  }
0x1: {  	s0 =	rddreg [dreg:$0x0];
	s13 =	simm.s32 $0x0  }
0x2: {  	s1 =	srdreg.scid;
	s2 =	stileid.u32;
	s15 =	simm.s32 $0x5  }
0x3: {  	s16 =	simm.s32 $0x10;
	s17 =	simm.s32 $0x4000;
	s20 =	simm.s32 $0x4800  }
0x4: {  	s21 =	simm.s32 $0x5000;
	s22 =	simm.s32 $0x5800;
	s24 =	simm.s32 $0x9000  }
0x5: {  	s28 =	simm.s32 $0xA000;
	s30 =	simm.s32 $0xA800;
	s11 =	simm.s32 $0x1  }
0x6: {  	s12 =	simm.s32 $0x3;
	s19 =	simm.s32 $0x2;
	s31 =	simm.s32 $0x0  }
0x7: {  	[smem:$0x7FF] =	sst s13;
	s1 =	sand.u32 $0x1, s1;
	s2 =	sshll.u32 s2, $0x1  }
0x8: {  	s3 =	sadd.s32 $0x42400, s0;
	s4 =	sadd.s32 $0x94400, s0;
	s5 =	sadd.s32 $0x6B400, s0  }
0x9: {  	s6 =	sadd.s32 $0x19400, s0;
	s2 =	sor.u32 s1, s2;
	s1 =	ssub.s32 $0x2, s1  }
0xa: {  	s7 =	sadd.s32 $0xE6400, s0;
	s9 =	smul.u32 $0x540, s2;
	s10 =	sshrl.u32 s1, $0x1  }
0xb: {  	s8 =	sadd.s32 $0xBD400, s0;
	_ =	strace $0x80000047;
	s1 =	ssub.s32 s1, s10  }
0xc: {  	s2 =	sshll.u32 s2, $0x4;
	s9 =	sadd.s32 s9, s0;
	s29 =	smax.u32 s1, $0x1  }
.Ltmp0:
0xd: {  	s25 =	sadd.s32 $0xBC00, s9;
	[dreg:$0x5] =	wrdreg s29;
	(pc) =	sbr.rel .LBB2_1-.Ltmp0, $4  }
0xe: {  	s0 =	sadd.s32 s2, s0;
	s26 =	sadd.s32 $0x1400, s9;
	[dreg:$0x2] =	wrdreg s25  }
0xf: {  	s10 =	simm.s32 $0xB800;
	s0 =	sadd.s32 $0x16400, s0;
	[dreg:$0x3] =	wrdreg s26  }
0x10: {  	s1 =	simm.s32 $0x3800;
	s9 =	simm.s32 $0xB000;
	[dreg:$0x4] =	wrdreg s0  }
0x11: {  	v0 =	vimm.f32 $0.0e+00;
	s0 =	simm.s32 $0x3000;
	s25 =	simm.s32 $0x9800;
	s26 =	simm.s32 $0x4  }
.LBB2_8:
0x12: {  	v1 =	vmul.f32 $3.906250000e-03, v1  }
0x13: {  	s13 =	simm.s32 $0x0  }
0x14: {  	s2 =	rddreg [dreg:$0x4];
	s14 =	simm.s32 $0x11400;
	s15 =	simm.s32 $0x5;
	[tilespmem:$0x11400] =	vst v1  }
0x15: {  	[hbm4b:s2+s13] =	stream.linear.scatter [tilespmem:s14], [sflag:$0x5], $0x80, $0x38;
	[tilespmem:$0x11480] =	vst v63  }
0x16: {  	_ =	swait.ge [sflag:s15], $0x80  }
0x17: {  	s31 =	sadd.s32 $0x1, s31;
	s29 =	rddreg [dreg:$0x5]  }
0x18: {  	p0 =	sne.s32 s31, s29  }
.Ltmp1:
0x19: {  	_ = 	snop;
	(pc) =	sbr.rel @!p0 .LBB2_9-.Ltmp1, $3  }
0x1a: {  	_ =	sdelay $0x1  }
0x1b: {  	[sflag:s15] =	ssyncset.done $0x0  }
0x1c: {  	[sflag:s15] =	ssyncadd.s32 $0xFFFFFF80  }
.LBB2_1:
0x1d: {  	s2 =	rddreg [dreg:$0x2];
	s14 =	simm.s32 $0xC000  }
0x1e: {  	[tilespmem:s14], [sflag:$0x5] =	stream.linear.gather [hbm4b:s2+s13], $0x2A00, $0x38;
	[tilespmem:$0x11480] =	vst v63  }
0x1f: {  	_ =	swait.ge [sflag:s15], $0x2A00  }
0x20: {  	[sflag:s15] =	ssyncset.done $0x0  }
0x21: {  	s18 =	simm.s32 $0xEA00;
	s23 =	rddreg [dreg:$0x3];
	[sflag:s15] =	ssyncadd.s32 $0xFFFFD600  }
0x22: {  	[tilespmem:s18], [sflag:$0x5] =	stream.linear.gather [hbm4b:s23+s13], $0x2A00, $0x38;
	[tilespmem:$0x11480] =	vst v63  }
0x23: {  	_ =	swait.ge [sflag:s15], $0x2A00  }
0x24: {  	[sflag:s15] =	ssyncset.done $0x0  }
0x25: {  	[sflag:s15] =	ssyncadd.s32 $0xFFFFD600  }
0x26: {  	[tilespmem:$0x11400] =	vst v0  }
0x27: {  	[tilespmem:s13], [sflag:$0x1] =	stream.indirect.gather [hbm4b:s3+s16], $0x80, s14, s16, $0xb8;
	[tilespmem:$0x11480] =	vst v63  }
0x28: {  	s29 =	simm.s32 $0x800  }
0x29: {  	[tilespmem:s29], [sflag:$0x1] =	stream.indirect.gather [hbm4b:s4+s16], $0x80, s14, s16, $0xb8;
	[tilespmem:$0x11480] =	vst v63  }
0x2a: {  	s13 =	simm.s32 $0x1000  }
0x2b: {  	[tilespmem:s13], [sflag:$0x1] =	stream.indirect.gather [hbm4b:s5+s16], $0x80, s14, s16, $0xb8;
	[tilespmem:$0x11480] =	vst v63  }
0x2c: {  	s15 =	simm.s32 $0x1800;
	s14 =	simm.s32 $0xC080  }
0x2d: {  	[tilespmem:s15], [sflag:$0x1] =	stream.indirect.gather [hbm4b:s3+s16], $0x80, s14, s16, $0xb8;
	[tilespmem:$0x11480] =	vst v63  }
0x2e: {  	s23 =	simm.s32 $0x2000  }
0x2f: {  	[tilespmem:s23], [sflag:$0x1] =	stream.indirect.gather [hbm4b:s4+s16], $0x80, s14, s16, $0xb8;
	[tilespmem:$0x11480] =	vst v63  }
0x30: {  	s29 =	simm.s32 $0x2800  }
0x31: {  	[tilespmem:s29], [sflag:$0x1] =	stream.indirect.gather [hbm4b:s5+s16], $0x80, s14, s16, $0xb8;
	[tilespmem:$0x11480] =	vst v63  }
0x32: {  	s13 =	simm.s32 $0x6000  }
0x33: {  	[tilespmem:s13], [sflag:$0x3] =	stream.indirect.gather [hbm4b:s6+s16], $0x80, s18, s16, $0xb8;
	[tilespmem:$0x11480] =	vst v63  }
0x34: {  	s14 =	simm.s32 $0x6800  }
0x35: {  	[tilespmem:s14], [sflag:$0x3] =	stream.indirect.gather [hbm4b:s7+s16], $0x80, s18, s16, $0xb8;
	[tilespmem:$0x11480] =	vst v63  }
0x36: {  	s15 =	simm.s32 $0x7000  }
0x37: {  	[tilespmem:s15], [sflag:$0x3] =	stream.indirect.gather [hbm4b:s8+s16], $0x80, s18, s16, $0xb8;
	[tilespmem:$0x11480] =	vst v63  }
0x38: {  	s23 =	simm.s32 $0x7800;
	s18 =	simm.s32 $0xEA80  }
0x39: {  	[tilespmem:s23], [sflag:$0x3] =	stream.indirect.gather [hbm4b:s6+s16], $0x80, s18, s16, $0xb8;
	[tilespmem:$0x11480] =	vst v63  }
0x3a: {  	s29 =	simm.s32 $0x8000  }
0x3b: {  	[tilespmem:s29], [sflag:$0x3] =	stream.indirect.gather [hbm4b:s7+s16], $0x80, s18, s16, $0xb8;
	[tilespmem:$0x11480] =	vst v63  }
0x3c: {  	s14 =	simm.s32 $0x8800  }
0x3d: {  	[tilespmem:s14], [sflag:$0x3] =	stream.indirect.gather [hbm4b:s8+s16], $0x80, s18, s16, $0xb8;
	[tilespmem:$0x11480] =	vst v63  }
0x3e: {  	s15 =	simm.s32 $0xC100  }
0x3f: {  	[tilespmem:s0], [sflag:$0x2] =	stream.indirect.gather [hbm4b:s3+s16], $0x80, s15, s16, $0xb8;
	[tilespmem:$0x11480] =	vst v63  }
0x40: {  	_ = 	snop  }
0x41: {  	[tilespmem:s1], [sflag:$0x2] =	stream.indirect.gather [hbm4b:s4+s16], $0x80, s15, s16, $0xb8;
	[tilespmem:$0x11480] =	vst v63  }
0x42: {  	_ = 	snop  }
0x43: {  	[tilespmem:s17], [sflag:$0x2] =	stream.indirect.gather [hbm4b:s5+s16], $0x80, s15, s16, $0xb8;
	[tilespmem:$0x11480] =	vst v63  }
0x44: {  	s18 =	simm.s32 $0xC180  }
0x45: {  	[tilespmem:s20], [sflag:$0x2] =	stream.indirect.gather [hbm4b:s3+s16], $0x80, s18, s16, $0xb8;
	[tilespmem:$0x11480] =	vst v63  }
0x46: {  	_ = 	snop  }
0x47: {  	[tilespmem:s21], [sflag:$0x2] =	stream.indirect.gather [hbm4b:s4+s16], $0x80, s18, s16, $0xb8;
	[tilespmem:$0x11480] =	vst v63  }
0x48: {  	_ = 	snop  }
0x49: {  	[tilespmem:s22], [sflag:$0x2] =	stream.indirect.gather [hbm4b:s5+s16], $0x80, s18, s16, $0xb8;
	[tilespmem:$0x11480] =	vst v63  }
0x4a: {  	s23 =	simm.s32 $0xEB00  }
0x4b: {  	[tilespmem:s24], [sflag:$0x4] =	stream.indirect.gather [hbm4b:s6+s16], $0x80, s23, s16, $0xb8;
	[tilespmem:$0x11480] =	vst v63  }
0x4c: {  	_ = 	snop  }
0x4d: {  	[tilespmem:s25], [sflag:$0x4] =	stream.indirect.gather [hbm4b:s7+s16], $0x80, s23, s16, $0xb8;
	[tilespmem:$0x11480] =	vst v63  }
0x4e: {  	_ = 	snop  }
0x4f: {  	[tilespmem:s28], [sflag:$0x4] =	stream.indirect.gather [hbm4b:s8+s16], $0x80, s23, s16, $0xb8;
	[tilespmem:$0x11480] =	vst v63  }
0x50: {  	s29 =	simm.s32 $0xEB80  }
0x51: {  	[tilespmem:s30], [sflag:$0x4] =	stream.indirect.gather [hbm4b:s6+s16], $0x80, s29, s16, $0xb8;
	[tilespmem:$0x11480] =	vst v63  }
0x52: {  	_ = 	snop  }
0x53: {  	[tilespmem:s9], [sflag:$0x4] =	stream.indirect.gather [hbm4b:s7+s16], $0x80, s29, s16, $0xb8;
	[tilespmem:$0x11480] =	vst v63  }
0x54: {  	s18 =	simm.s32 $0x0  }
0x55: {  	[tilespmem:s10], [sflag:$0x4] =	stream.indirect.gather [hbm4b:s8+s16], $0x80, s29, s16, $0xb8;
	[tilespmem:$0x11480] =	vst v63  }
.LBB2_2:
0x56: {  	_ =	swait.ge [sflag:s11], $0x800  }
0x57: {  	[sflag:s11] =	ssyncset.done $0x0  }
0x58: {  	[sflag:s11] =	ssyncadd.s32 $0xFFFFF800  }
0x59: {  	_ =	swait.ge [sflag:s11], $0x800  }
0x5a: {  	[sflag:s11] =	ssyncset.done $0x0  }
0x5b: {  	[sflag:s11] =	ssyncadd.s32 $0xFFFFF800  }
0x5c: {  	_ =	swait.ge [sflag:s11], $0x800  }
0x5d: {  	[sflag:s11] =	ssyncset.done $0x0  }
0x5e: {  	[sflag:s11] =	ssyncadd.s32 $0xFFFFF800  }
0x5f: {  	_ =	swait.ge [sflag:s11], $0x800  }
0x60: {  	[sflag:s11] =	ssyncset.done $0x0  }
0x61: {  	[sflag:s11] =	ssyncadd.s32 $0xFFFFF800  }
0x62: {  	_ =	swait.ge [sflag:s11], $0x800  }
0x63: {  	[sflag:s11] =	ssyncset.done $0x0  }
0x64: {  	[sflag:s11] =	ssyncadd.s32 $0xFFFFF800  }
0x65: {  	_ =	swait.ge [sflag:s11], $0x800  }
0x66: {  	[sflag:s11] =	ssyncset.done $0x0  }
0x67: {  	[sflag:s11] =	ssyncadd.s32 $0xFFFFF800  }
0x68: {  	_ =	swait.ge [sflag:s12], $0x800  }
0x69: {  	[sflag:s12] =	ssyncset.done $0x0  }
0x6a: {  	[sflag:s12] =	ssyncadd.s32 $0xFFFFF800  }
0x6b: {  	_ =	swait.ge [sflag:s12], $0x800  }
0x6c: {  	[sflag:s12] =	ssyncset.done $0x0  }
0x6d: {  	[sflag:s12] =	ssyncadd.s32 $0xFFFFF800  }
0x6e: {  	_ =	swait.ge [sflag:s12], $0x800  }
0x6f: {  	[sflag:s12] =	ssyncset.done $0x0  }
0x70: {  	[sflag:s12] =	ssyncadd.s32 $0xFFFFF800  }
0x71: {  	_ =	swait.ge [sflag:s12], $0x800  }
0x72: {  	[sflag:s12] =	ssyncset.done $0x0  }
0x73: {  	[sflag:s12] =	ssyncadd.s32 $0xFFFFF800  }
0x74: {  	_ =	swait.ge [sflag:s12], $0x800  }
0x75: {  	[sflag:s12] =	ssyncset.done $0x0  }
0x76: {  	[sflag:s12] =	ssyncadd.s32 $0xFFFFF800  }
0x77: {  	_ =	swait.ge [sflag:s12], $0x800  }
0x78: {  	[sflag:s12] =	ssyncset.done $0x0  }
0x79: {  	s23 =	simm.s32 $0x78F0;
	[sflag:s12] =	ssyncadd.s32 $0xFFFFF800  }
0x7a: {  	v1 =	vld [tilespmem:s23+$0xFFFFFFC0]  }
0x7b: {  	s29 =	simm.s32 $0x18F0;
	v2 =	vld [tilespmem:s23+$0xFFFFE7C0]  }
0x7c: {  	v4 =	vld [tilespmem:s29+$0xFFFFFFC0]  }
0x7d: {  	v3 =	vld [tilespmem:s23+$0xFFFFFF70]  }
0x7e: {  	v5 =	vld [tilespmem:s23+$0xFFFFE770]  }
0x7f: {  	v6 =	vld [tilespmem:s29+$0xFFFFFF70]  }
0x80: {  	v7 =	vld [tilespmem:s23+$0xFFFFFFA0]  }
0x81: {  	v8 =	vld [tilespmem:s23+$0xFFFFE7A0]  }
0x82: {  	v9 =	vld [tilespmem:s29+$0xFFFFFFA0]  }
0x83: {  	v10 =	vld [tilespmem:s23+$0xFFFFFF50]  }
0x84: {  	v11 =	vld [tilespmem:s23+$0xFFFFE750]  }
0x85: {  	v12 =	vld [tilespmem:s29+$0xFFFFFF50]  }
0x86: {  	v13 =	vld [tilespmem:s23+$0xFFFFFF80]  }
0x87: {  	v14 =	vld [tilespmem:s23+$0xFFFFE780]  }
0x88: {  	v15 =	vld [tilespmem:s29+$0xFFFFFF80]  }
0x89: {  	v16 =	vld [tilespmem:s23+$0xFFFFFF30]  }
0x8a: {  	v17 =	vld [tilespmem:s23+$0xFFFFE730]  }
0x8b: {  	v18 =	vld [tilespmem:s29+$0xFFFFFF30]  }
0x8c: {  	v19 =	vld [tilespmem:s23+$0xFFFFFF60]  }
0x8d: {  	v20 =	vld [tilespmem:s23+$0xFFFFE760]  }
0x8e: {  	v21 =	vld [tilespmem:s29+$0xFFFFFF60]  }
0x8f: {  	v23 =	vld [tilespmem:s23+$0xFFFFFF40]  }
0x90: {  	v24 =	vld [tilespmem:s23+$0xFFFFE740]  }
0x91: {  	v25 =	vld [tilespmem:s29+$0xFFFFFF40]  }
0x92: {  	v26 =	vld [tilespmem:s29+$0xFFFFE740]  }
0x93: {  	v27 =	vld [tilespmem:s23+$0xFFFFFF20]  }
0x94: {  	v28 =	vld [tilespmem:s23+$0xFFFFE720]  }
0x95: {  	v29 =	vld [tilespmem:s29+$0xFFFFFF20]  }
0x96: {  	v30 =	vld [tilespmem:s29+$0xFFFFE720]  }
0x97: {  	v22 =	vld [tilespmem:s29+$0xFFFFE710];
	v5 =	vsub.bf16 v5, v3  }
0x98: {  	v7 =	vsub.bf16 v8, v7;
	v3 =	vld [tilespmem:s23+$0xFFFFFF10];
	v8 =	vsub.bf16 v24, v23  }
0x99: {  	v23 =	vsub.bf16 v26, v25;
	v24 =	vld [tilespmem:s23+$0xFFFFE710];
	v10 =	vsub.bf16 v11, v10  }
0x9a: {  	v25 =	vsub.bf16 v2, v1;
	v1 =	vld [tilespmem:s29+$0xFFFFFF10];
	v11 =	vsub.bf16 v14, v13  }
0x9b: {  	v13 =	vsub.bf16 v28, v27;
	v14 =	vsub.bf16 v30, v29;
	v26 =	vld [tilespmem:s29+$0xFFFFE730]  }
0x9c: {  	v16 =	vsub.bf16 v17, v16;
	v2 =	vsub.bf16 v23, v8;
	v8 =	vld [tilespmem:s29+$0xFFFFE760]  }
0x9d: {  	v17 =	vsub.bf16 v20, v19;
	v23 =	vimm.f32 $0.0e+00;
	v13 =	vsub.bf16 v14, v13;
	v14 =	vld [tilespmem:s29+$0xFFFFE750]  }
0x9e: {  	v20 =	vld [tilespmem:s29+$0xFFFFE780];
	v19 =	vunpack.i.l.bf16.f32 v2;
	v2 =	vunpack.i.u.bf16.f32 v2;
	v3 =	vsub.bf16 v24, v3  }
0x9f: {  	v31 =	vld [tilespmem:s29+$0xFFFFFFE0];
	v1 =	vsub.bf16 v22, v1;
	v24 =	vunpack.i.u.bf16.f32 v13;
	v13 =	vunpack.i.l.bf16.f32 v13  }
0xa0: {  	v22 =	vmul.f32 v2, v2;
	v2 =	vld [tilespmem:s29+$0xFFFFE7A0];
	v18 =	vsub.bf16 v26, v18;
	v13 =	vmul.f32 v13, v13  }
0xa1: {  	v33 =	vld [tilespmem:s29+$0xFFFFE7E0];
	v19 =	vmul.f32 v19, v19;
	v8 =	vsub.bf16 v8, v21;
	v1 =	vsub.bf16 v1, v3  }
0xa2: {  	v30 =	vld [tilespmem:s23+$0xFFFFFFE0];
	v24 =	vmul.f32 v24, v24;
	v12 =	vsub.bf16 v14, v12;
	v29 =	vadd.f32 v13, v23  }
0xa3: {  	v21 =	vld [tilespmem:s29+$0xFFFFE770];
	v3 =	vsub.bf16 v8, v17;
	v8 =	vsub.bf16 v20, v15;
	v17 =	vunpack.i.u.bf16.f32 v1  }
0xa4: {  	v14 =	vld [tilespmem:s23+$0xFFFFE7F0];
	v1 =	vunpack.i.l.bf16.f32 v1;
	v10 =	vsub.bf16 v12, v10;
	v12 =	vadd.f32 v24, v23  }
0xa5: {  	v15 =	vld [tilespmem:s23+$0xFFFFFFF0];
	v9 =	vsub.bf16 v2, v9;
	v27 =	vmul.f32 v1, v1;
	v19 =	vadd.f32 v19, v29  }
0xa6: {  	v26 =	vld [tilespmem:s29+$0xFFFFE7C0];
	v20 =	vunpack.i.u.bf16.f32 v3;
	v3 =	vunpack.i.l.bf16.f32 v3;
	v13 =	vunpack.i.u.bf16.f32 v10  }
0xa7: {  	v2 =	vld [tilespmem:s29+$0xFFFFFFF0];
	v24 =	vunpack.i.l.bf16.f32 v10;
	v22 =	vadd.f32 v22, v12;
	v8 =	vsub.bf16 v8, v11  }
0xa8: {  	v12 =	vld [tilespmem:s29+$0xFFFFFF90];
	v28 =	vmul.f32 v3, v3;
	v20 =	vmul.f32 v20, v20;
	v7 =	vsub.bf16 v9, v7  }
0xa9: {  	v3 =	vld [tilespmem:s29+$0xFFFFE7F0];
	v6 =	vsub.bf16 v21, v6;
	v13 =	vmul.f32 v13, v13;
	v34 =	vunpack.i.u.bf16.f32 v8  }
0xaa: {  	v9 =	vld [tilespmem:s23+$0x0];
	v10 =	vunpack.i.u.bf16.f32 v7;
	v1 =	vsub.bf16 v14, v15;
	v14 =	vsub.bf16 v18, v16  }
0xab: {  	v21 =	vld [tilespmem:s23+$0xFFFFE800];
	v7 =	vunpack.i.l.bf16.f32 v7;
	v18 =	vsub.bf16 v26, v4;
	v4 =	vmul.f32 v24, v24  }
0xac: {  	v26 =	vld [tilespmem:s23+$0xFFFFE7E0];
	v5 =	vsub.bf16 v6, v5;
	v24 =	vmul.f32 v17, v17;
	v29 =	vmul.f32 v34, v34  }
0xad: {  	v16 =	vld [tilespmem:s29+$0x0];
	v11 =	vmul.f32 v7, v7;
	v15 =	vunpack.i.u.bf16.f32 v14;
	v32 =	vunpack.i.l.bf16.f32 v14  }
0xae: {  	v6 =	vunpack.i.u.bf16.f32 v5;
	v14 =	vadd.f32 v27, v23;
	v35 =	vsub.bf16 v18, v25;
	v18 =	vld [tilespmem:s29+$0xFFFFE800]  }
0xaf: {  	v7 =	vunpack.i.l.bf16.f32 v5;
	v25 =	vadd.f32 v20, v22;
	v27 =	vadd.f32 v24, v23;
	v22 =	vld [tilespmem:s23+$0xFFFFE790]  }
0xb0: {  	v20 =	vsub.bf16 v33, v31;
	v17 =	vmul.f32 v15, v15;
	v15 =	vld [tilespmem:s29+$0xFFFFE790];
	v5 =	vsub.bf16 v21, v9  }
0xb1: {  	v9 =	vunpack.i.l.bf16.f32 v8;
	v6 =	vmul.f32 v6, v6;
	v7 =	vmul.f32 v7, v7;
	v8 =	vld [tilespmem:s23+$0xFFFFFFD0]  }
0xb2: {  	v21 =	vld [tilespmem:s23+$0xFFFFFF90];
	v23 =	vmul.f32 v32, v32;
	v24 =	vmul.f32 v9, v9;
	v9 =	vsub.bf16 v26, v30  }
0xb3: {  	s13 =	simm.s32 $0x0;
	s15 =	simm.s32 $0x78F0;
	s2 =	simm.s32 $0x18F0;
	v26 =	vunpack.i.l.bf16.f32 v35;
	v30 =	vadd.f32 v28, v19;
	v19 =	vld [tilespmem:s23+$0xFFFFFFB0];
	v28 =	vunpack.i.u.bf16.f32 v35  }
.LBB2_3:
0xb4: {  	s13 =	sadd.s32 $0x2, s13;
	v17 =	vadd.f32 v17, v27;
	v25 =	vadd.f32 v29, v25;
	v10 =	vmul.f32 v10, v10;
	v27 =	vld [tilespmem:s23+$0xFFFFE7B0];
	s29 =	sadd.s32 $0x100, s29;
	s15 =	sadd.s32 $0x100, s15  }
0xb5: {  	v12 =	vsub.bf16 v15, v12;
	v26 =	vmul.f32 v26, v26;
	p0 =	slt.u32 s13, $0x2E;
	v24 =	vadd.f32 v24, v30;
	v15 =	vld [tilespmem:s2+$0xFFFFFFB0]  }
0xb6: {  	v28 =	vmul.f32 v28, v28;
	v16 =	vsub.bf16 v18, v16;
	v10 =	vadd.f32 v10, v25;
	v25 =	vld [tilespmem:s2+$0xFFFFE7B0]  }
0xb7: {  	v18 =	vsub.bf16 v22, v21;
	v11 =	vadd.f32 v11, v24;
	v21 =	vld [tilespmem:s2+$0xFFFFFFD0]  }
0xb8: {  	v14 =	vadd.f32 v23, v14;
	v13 =	vadd.f32 v13, v17;
	v17 =	vld [tilespmem:s2+$0xFFFFE7D0];
	s2 =	smov.u32 s29  }
0xb9: {  	v9 =	vsub.bf16 v20, v9;
	v11 =	vadd.f32 v26, v11;
	v22 =	vld [tilespmem:s23+$0xFFFFE7D0];
	s23 =	smov.u32 s15  }
0xba: {  	v16 =	vsub.bf16 v16, v5;
	v10 =	vadd.f32 v28, v10;
	v20 =	vld [tilespmem:s15+$0xFFFFFFC0]  }
0xbb: {  	v24 =	vunpack.i.u.bf16.f32 v9;
	v9 =	vunpack.i.l.bf16.f32 v9;
	v19 =	vsub.bf16 v27, v19;
	v23 =	vld [tilespmem:s15+$0xFFFFE7C0]  }
0xbc: {  	v12 =	vsub.bf16 v12, v18;
	v18 =	vunpack.i.u.bf16.f32 v16;
	v16 =	vunpack.i.l.bf16.f32 v16;
	v5 =	vld [tilespmem:s29+$0xFFFFFFC0]  }
0xbd: {  	v13 =	vadd.f32 v6, v13;
	v16 =	vmul.f32 v16, v16;
	v26 =	vld [tilespmem:s15+$0xFFFFFF70];
	v17 =	vsub.bf16 v17, v21  }
0xbe: {  	v18 =	vmul.f32 v18, v18;
	v27 =	vunpack.i.l.bf16.f32 v12;
	v15 =	vsub.bf16 v25, v15;
	v21 =	vld [tilespmem:s15+$0xFFFFE770]  }
0xbf: {  	v12 =	vunpack.i.u.bf16.f32 v12;
	v25 =	vmul.f32 v27, v27;
	v8 =	vsub.bf16 v22, v8;
	v6 =	vld [tilespmem:s29+$0xFFFFFF70]  }
0xc0: {  	v4 =	vadd.f32 v4, v14;
	v12 =	vmul.f32 v12, v12;
	v14 =	vsub.bf16 v15, v19;
	v22 =	vld [tilespmem:s15+$0xFFFFFFA0]  }
0xc1: {  	v3 =	vsub.bf16 v3, v2;
	v8 =	vsub.bf16 v17, v8;
	v15 =	vld [tilespmem:s15+$0xFFFFE7A0]  }
0xc2: {  	v4 =	vadd.f32 v7, v4;
	v12 =	vadd.f32 v12, v13;
	v13 =	vunpack.i.l.bf16.f32 v14;
	v2 =	vld [tilespmem:s29+$0xFFFFFFA0]  }
0xc3: {  	v9 =	vmul.f32 v9, v9;
	v19 =	vunpack.i.l.bf16.f32 v8;
	v17 =	vld [tilespmem:s15+$0xFFFFFF50];
	v7 =	vsub.bf16 v21, v26  }
0xc4: {  	v24 =	vmul.f32 v24, v24;
	v13 =	vmul.f32 v13, v13;
	v8 =	vunpack.i.u.bf16.f32 v8;
	v21 =	vld [tilespmem:s15+$0xFFFFE750]  }
0xc5: {  	v9 =	vadd.f32 v9, v11;
	v4 =	vadd.f32 v25, v4;
	v19 =	vmul.f32 v19, v19;
	v26 =	vld [tilespmem:s29+$0xFFFFFF50]  }
0xc6: {  	v1 =	vsub.bf16 v3, v1;
	v14 =	vunpack.i.u.bf16.f32 v14;
	v11 =	vld [tilespmem:s15+$0xFFFFFF80];
	v15 =	vsub.bf16 v15, v22  }
0xc7: {  	v10 =	vadd.f32 v24, v10;
	v14 =	vmul.f32 v14, v14;
	v22 =	vmul.f32 v8, v8;
	v3 =	vld [tilespmem:s15+$0xFFFFE780]  }
0xc8: {  	v16 =	vadd.f32 v16, v9;
	v4 =	vadd.f32 v13, v4;
	v13 =	vunpack.i.l.bf16.f32 v1;
	v24 =	vld [tilespmem:s29+$0xFFFFFF80]  }
0xc9: {  	v9 =	vadd.f32 v14, v12;
	v1 =	vunpack.i.u.bf16.f32 v1;
	v25 =	vld [tilespmem:s15+$0xFFFFFF30];
	v17 =	vsub.bf16 v21, v17  }
0xca: {  	v13 =	vmul.f32 v13, v13;
	v4 =	vadd.f32 v19, v4;
	v8 =	vsub.bf16 v23, v20;
	v12 =	vld [tilespmem:s15+$0xFFFFE730]  }
0xcb: {  	v10 =	vadd.f32 v18, v10;
	v1 =	vmul.f32 v1, v1;
	v9 =	vadd.f32 v22, v9;
	v14 =	vld [tilespmem:s29+$0xFFFFFF30]  }
0xcc: {  	v13 =	vadd.f32 v13, v4;
	v18 =	vld [tilespmem:s15+$0xFFFFFF60];
	v11 =	vsub.bf16 v3, v11  }
0xcd: {  	v9 =	vadd.f32 v1, v9;
	v3 =	vld [tilespmem:s15+$0xFFFFE760]  }
0xce: {  	v1 =	vld [tilespmem:s29+$0xFFFFFF60]  }
0xcf: {  	v4 =	vld [tilespmem:s29+$0xFFFFE710];
	v12 =	vsub.bf16 v12, v25  }
0xd0: {  	v19 =	vld [tilespmem:s15+$0xFFFFFF40]  }
0xd1: {  	v20 =	vld [tilespmem:s15+$0xFFFFE740]  }
0xd2: {  	v21 =	vld [tilespmem:s29+$0xFFFFFF40];
	v3 =	vsub.bf16 v3, v18  }
0xd3: {  	v18 =	vld [tilespmem:s29+$0xFFFFE740]  }
0xd4: {  	v22 =	vld [tilespmem:s15+$0xFFFFFF20]  }
0xd5: {  	v23 =	vld [tilespmem:s15+$0xFFFFE720]  }
0xd6: {  	v25 =	vld [tilespmem:s29+$0xFFFFFF20];
	v19 =	vsub.bf16 v20, v19  }
0xd7: {  	v20 =	vld [tilespmem:s29+$0xFFFFE720]  }
0xd8: {  	v27 =	vld [tilespmem:s15+$0xFFFFFF10];
	v18 =	vsub.bf16 v18, v21  }
0xd9: {  	v21 =	vld [tilespmem:s15+$0xFFFFE710]  }
0xda: {  	v28 =	vld [tilespmem:s29+$0xFFFFFF10];
	v22 =	vsub.bf16 v23, v22;
	v18 =	vsub.bf16 v18, v19  }
0xdb: {  	v19 =	vld [tilespmem:s29+$0xFFFFE760]  }
0xdc: {  	v20 =	vsub.bf16 v20, v25;
	v23 =	vld [tilespmem:s29+$0xFFFFE730];
	v25 =	vunpack.i.u.bf16.f32 v18;
	v18 =	vunpack.i.l.bf16.f32 v18  }
0xdd: {  	v29 =	vmul.f32 v18, v18;
	v18 =	vld [tilespmem:s29+$0xFFFFE780]  }
0xde: {  	v21 =	vsub.bf16 v21, v27;
	v20 =	vsub.bf16 v20, v22;
	v22 =	vld [tilespmem:s29+$0xFFFFE750]  }
0xdf: {  	v25 =	vmul.f32 v25, v25;
	v4 =	vsub.bf16 v4, v28;
	v27 =	vld [tilespmem:s29+$0xFFFFE7A0]  }
0xe0: {  	v28 =	vunpack.i.u.bf16.f32 v20;
	v20 =	vunpack.i.l.bf16.f32 v20;
	v1 =	vsub.bf16 v19, v1;
	v19 =	vld [tilespmem:s29+$0xFFFFE770]  }
0xe1: {  	v4 =	vsub.bf16 v4, v21;
	v21 =	vmul.f32 v28, v28;
	v14 =	vsub.bf16 v23, v14;
	v23 =	vld [tilespmem:s29+$0xFFFFE7C0]  }
0xe2: {  	v20 =	vmul.f32 v20, v20;
	v1 =	vsub.bf16 v1, v3;
	v18 =	vsub.bf16 v18, v24;
	v24 =	vld [tilespmem:s15+$0xFFFFFFF0]  }
0xe3: {  	v28 =	vunpack.i.u.bf16.f32 v4;
	v4 =	vunpack.i.l.bf16.f32 v4;
	v3 =	vsub.bf16 v22, v26;
	v22 =	vld [tilespmem:s15+$0xFFFFE7F0]  }
0xe4: {  	v26 =	vunpack.i.u.bf16.f32 v1;
	v1 =	vunpack.i.l.bf16.f32 v1;
	v27 =	vsub.bf16 v27, v2;
	v2 =	vld [tilespmem:s29+$0xFFFFFFF0]  }
0xe5: {  	v17 =	vsub.bf16 v3, v17;
	v30 =	vmul.f32 v1, v1;
	v26 =	vmul.f32 v26, v26;
	v3 =	vld [tilespmem:s29+$0xFFFFE7F0]  }
0xe6: {  	v20 =	vadd.f32 v20, v16;
	v31 =	vmul.f32 v4, v4;
	v4 =	vsub.bf16 v27, v15;
	v16 =	vld [tilespmem:s15+$0x0]  }
0xe7: {  	v6 =	vsub.bf16 v19, v6;
	v15 =	vadd.f32 v21, v10;
	v21 =	vunpack.i.u.bf16.f32 v17;
	v19 =	vld [tilespmem:s15+$0xFFFFE800]  }
0xe8: {  	v17 =	vunpack.i.l.bf16.f32 v17;
	v10 =	vunpack.i.u.bf16.f32 v4;
	v32 =	vld [tilespmem:s15+$0xFFFFFFE0];
	v1 =	vsub.bf16 v22, v24  }
0xe9: {  	v14 =	vsub.bf16 v14, v12;
	v23 =	vsub.bf16 v23, v5;
	v22 =	vunpack.i.l.bf16.f32 v4;
	v33 =	vld [tilespmem:s15+$0xFFFFE7E0]  }
0xea: {  	v18 =	vsub.bf16 v18, v11;
	v24 =	vadd.f32 v25, v15;
	v4 =	vmul.f32 v17, v17;
	v34 =	vld [tilespmem:s29+$0xFFFFFFE0]  }
0xeb: {  	v5 =	vunpack.i.u.bf16.f32 v14;
	v6 =	vsub.bf16 v6, v7;
	v11 =	vmul.f32 v22, v22;
	v12 =	vld [tilespmem:s29+$0xFFFFFF90]  }
0xec: {  	v17 =	vmul.f32 v5, v5;
	v22 =	vmul.f32 v28, v28;
	v28 =	vunpack.i.l.bf16.f32 v14;
	v15 =	vld [tilespmem:s29+$0xFFFFE790]  }
0xed: {  	v7 =	vunpack.i.u.bf16.f32 v6;
	v27 =	vunpack.i.l.bf16.f32 v6;
	v5 =	vsub.bf16 v19, v16;
	v35 =	vld [tilespmem:s29+$0xFFFFE7E0]  }
0xee: {  	v14 =	vadd.f32 v31, v13;
	v13 =	vmul.f32 v21, v21;
	v19 =	vunpack.i.l.bf16.f32 v18;
	v16 =	vld [tilespmem:s29+$0x0]  }
.Ltmp2:
0xef: {  	v36 =	vsub.bf16 v23, v8;
	v31 =	vunpack.i.u.bf16.f32 v18;
	v6 =	vmul.f32 v7, v7;
	v18 =	vld [tilespmem:s29+$0xFFFFE800];
	(pc) =	sbr.rel @p0 .LBB2_3-.Ltmp2, $4  }
0xf0: {  	v37 =	vadd.f32 v29, v20;
	v25 =	vadd.f32 v26, v24;
	v7 =	vmul.f32 v27, v27;
	v8 =	vld [tilespmem:s15+$0xFFFFFFD0]  }
0xf1: {  	v27 =	vadd.f32 v22, v9;
	v24 =	vmul.f32 v19, v19;
	v9 =	vsub.bf16 v33, v32;
	v21 =	vld [tilespmem:s15+$0xFFFFFF90]  }
0xf2: {  	v29 =	vmul.f32 v31, v31;
	v26 =	vunpack.i.l.bf16.f32 v36;
	v22 =	vld [tilespmem:s15+$0xFFFFE790];
	v20 =	vsub.bf16 v35, v34  }
0xf3: {  	v30 =	vadd.f32 v30, v37;
	v23 =	vmul.f32 v28, v28;
	v28 =	vunpack.i.u.bf16.f32 v36;
	v19 =	vld [tilespmem:s15+$0xFFFFFFB0]  }
0xf4: {  	v25 =	vadd.f32 v29, v25  }
0xf5: {  	v29 =	vld [tilespmem:s23+$0xFFFFE7B0];
	v17 =	vadd.f32 v17, v27;
	v12 =	vsub.bf16 v15, v12  }
0xf6: {  	v10 =	vmul.f32 v10, v10;
	v27 =	vld [tilespmem:s2+$0xFFFFFFB0];
	v16 =	vsub.bf16 v18, v16;
	v9 =	vsub.bf16 v20, v9  }
0xf7: {  	v15 =	vld [tilespmem:s2+$0xFFFFE7B0];
	v2 =	vsub.bf16 v3, v2;
	v24 =	vadd.f32 v24, v30  }
0xf8: {  	v18 =	vld [tilespmem:s2+$0xFFFFFFD0];
	v14 =	vadd.f32 v23, v14;
	v10 =	vadd.f32 v10, v25  }
0xf9: {  	v13 =	vadd.f32 v13, v17;
	v17 =	vld [tilespmem:s23+$0xFFFFE7D0];
	v5 =	vsub.bf16 v16, v5  }
0xfa: {  	v25 =	vmul.f32 v26, v26;
	v11 =	vadd.f32 v11, v24;
	v21 =	vsub.bf16 v22, v21;
	v22 =	vld [tilespmem:s2+$0xFFFFE7D0]  }
0xfb: {  	v1 =	vsub.bf16 v2, v1;
	v24 =	vmul.f32 v28, v28;
	v4 =	vadd.f32 v4, v14  }
0xfc: {  	v20 =	vunpack.i.u.bf16.f32 v5;
	v6 =	vadd.f32 v6, v13;
	v11 =	vadd.f32 v25, v11  }
0xfd: {  	v5 =	vunpack.i.l.bf16.f32 v5;
	v16 =	vsub.bf16 v29, v19;
	v12 =	vsub.bf16 v12, v21  }
0xfe: {  	v19 =	vunpack.i.u.bf16.f32 v9;
	v15 =	vsub.bf16 v15, v27;
	v8 =	vsub.bf16 v17, v8  }
0xff: {  	v17 =	vunpack.i.l.bf16.f32 v12;
	v12 =	vunpack.i.u.bf16.f32 v12;
	v13 =	vsub.bf16 v22, v18  }
0x100: {  	v9 =	vunpack.i.l.bf16.f32 v9;
	v14 =	vsub.bf16 v15, v16;
	v12 =	vmul.f32 v12, v12  }
0x101: {  	v3 =	vadd.f32 v7, v4;
	v8 =	vsub.bf16 v13, v8;
	v13 =	vmul.f32 v17, v17  }
0x102: {  	v4 =	vadd.f32 v12, v6;
	v6 =	vunpack.i.l.bf16.f32 v14;
	v12 =	vunpack.i.u.bf16.f32 v14  }
0x103: {  	v6 =	vmul.f32 v6, v6;
	v12 =	vmul.f32 v12, v12;
	v3 =	vadd.f32 v13, v3  }
0x104: {  	v9 =	vmul.f32 v9, v9;
	v7 =	vunpack.i.l.bf16.f32 v8;
	v8 =	vunpack.i.u.bf16.f32 v8  }
0x105: {  	v7 =	vmul.f32 v7, v7;
	v4 =	vadd.f32 v12, v4;
	v2 =	vadd.f32 v6, v3  }
0x106: {  	v6 =	vmul.f32 v8, v8;
	v8 =	vunpack.i.l.bf16.f32 v1;
	v1 =	vunpack.i.u.bf16.f32 v1  }
0x107: {  	v10 =	vadd.f32 v24, v10;
	v3 =	vmul.f32 v19, v19;
	v1 =	vmul.f32 v1, v1  }
0x108: {  	v2 =	vadd.f32 v7, v2;
	v7 =	vmul.f32 v8, v8;
	v4 =	vadd.f32 v6, v4  }
0x109: {  	v5 =	vmul.f32 v5, v5;
	v6 =	vadd.f32 v9, v11;
	v3 =	vadd.f32 v3, v10;
	v8 =	vld [tilespmem:$0x11400]  }
0x10a: {  	v9 =	vmul.f32 v20, v20;
	v2 =	vadd.f32 v7, v2;
	v1 =	vadd.f32 v1, v4  }
0x10b: {  	v4 =	vadd.f32 v5, v6  }
0x10c: {  	v3 =	vadd.f32 v9, v3;
	v1 =	vadd.f32 v1, v2;
	_ =	sdelay $0x1  }
0x10d: {  	v2 =	vadd.f32 v3, v4;
	v1 =	vadd.f32 v8, v1;
	_ =	sdelay $0x1  }
0x10e: {  	v1 =	vadd.f32 v1, v2  }
0x10f: {  	p0 =	seq.s32 s18, $0x14;
	s23 =	sshll.u32 s18, $0x9  }
0x110: {  	s13 =	simm.s32 @!p0 $0x10;
	s14 =	simm.s32 @!p0 $0x0;
	s2 =	sadd.s32 @!p0 $0xC200, s23;
	[tilespmem:$0x11400] =	vst v1  }
0x111: {  	[tilespmem:s14], [sflag:$0x1] =	stream.indirect.gather @!p0 [hbm4b:s3+s13], $0x80, s2, s13, $0xb8;
	[tilespmem:$0x11480] =	vst v63  }
0x112: {  	s14 =	simm.s32 @!p0 $0x800  }
0x113: {  	[tilespmem:s14], [sflag:$0x1] =	stream.indirect.gather @!p0 [hbm4b:s4+s13], $0x80, s2, s13, $0xb8;
	[tilespmem:$0x11480] =	vst v63  }
0x114: {  	s14 =	simm.s32 @!p0 $0x1000  }
0x115: {  	[tilespmem:s14], [sflag:$0x1] =	stream.indirect.gather @!p0 [hbm4b:s5+s13], $0x80, s2, s13, $0xb8;
	[tilespmem:$0x11480] =	vst v63  }
0x116: {  	s2 =	sadd.s32 @!p0 $0xC280, s23;
	s14 =	simm.s32 @!p0 $0x1800  }
0x117: {  	[tilespmem:s14], [sflag:$0x1] =	stream.indirect.gather @!p0 [hbm4b:s3+s13], $0x80, s2, s13, $0xb8;
	[tilespmem:$0x11480] =	vst v63  }
0x118: {  	s14 =	simm.s32 @!p0 $0x2000  }
0x119: {  	[tilespmem:s14], [sflag:$0x1] =	stream.indirect.gather @!p0 [hbm4b:s4+s13], $0x80, s2, s13, $0xb8;
	[tilespmem:$0x11480] =	vst v63  }
0x11a: {  	s14 =	simm.s32 @!p0 $0x2800  }
0x11b: {  	[tilespmem:s14], [sflag:$0x1] =	stream.indirect.gather @!p0 [hbm4b:s5+s13], $0x80, s2, s13, $0xb8;
	[tilespmem:$0x11480] =	vst v63  }
0x11c: {  	s2 =	sadd.s32 @!p0 $0xEC00, s23;
	s14 =	simm.s32 @!p0 $0x6000  }
0x11d: {  	[tilespmem:s14], [sflag:$0x3] =	stream.indirect.gather @!p0 [hbm4b:s6+s13], $0x80, s2, s13, $0xb8;
	[tilespmem:$0x11480] =	vst v63  }
0x11e: {  	s14 =	simm.s32 @!p0 $0x6800  }
0x11f: {  	[tilespmem:s14], [sflag:$0x3] =	stream.indirect.gather @!p0 [hbm4b:s7+s13], $0x80, s2, s13, $0xb8;
	[tilespmem:$0x11480] =	vst v63  }
0x120: {  	s14 =	simm.s32 @!p0 $0x7000  }
0x121: {  	[tilespmem:s14], [sflag:$0x3] =	stream.indirect.gather @!p0 [hbm4b:s8+s13], $0x80, s2, s13, $0xb8;
	[tilespmem:$0x11480] =	vst v63  }
0x122: {  	s2 =	sadd.s32 @!p0 $0xEC80, s23;
	s14 =	simm.s32 @!p0 $0x7800  }
0x123: {  	[tilespmem:s14], [sflag:$0x3] =	stream.indirect.gather @!p0 [hbm4b:s6+s13], $0x80, s2, s13, $0xb8;
	[tilespmem:$0x11480] =	vst v63  }
0x124: {  	s14 =	simm.s32 @!p0 $0x8000  }
0x125: {  	[tilespmem:s14], [sflag:$0x3] =	stream.indirect.gather @!p0 [hbm4b:s7+s13], $0x80, s2, s13, $0xb8;
	[tilespmem:$0x11480] =	vst v63  }
0x126: {  	s14 =	simm.s32 @!p0 $0x8800  }
0x127: {  	[tilespmem:s14], [sflag:$0x3] =	stream.indirect.gather @!p0 [hbm4b:s8+s13], $0x80, s2, s13, $0xb8;
	[tilespmem:$0x11480] =	vst v63  }
0x128: {  	_ =	swait.ge [sflag:s19], $0x800  }
0x129: {  	[sflag:s19] =	ssyncset.done $0x0  }
0x12a: {  	[sflag:s19] =	ssyncadd.s32 $0xFFFFF800  }
0x12b: {  	_ =	swait.ge [sflag:s19], $0x800  }
0x12c: {  	[sflag:s19] =	ssyncset.done $0x0  }
0x12d: {  	[sflag:s19] =	ssyncadd.s32 $0xFFFFF800  }
0x12e: {  	_ =	swait.ge [sflag:s19], $0x800  }
0x12f: {  	[sflag:s19] =	ssyncset.done $0x0  }
0x130: {  	[sflag:s19] =	ssyncadd.s32 $0xFFFFF800  }
0x131: {  	_ =	swait.ge [sflag:s19], $0x800  }
0x132: {  	[sflag:s19] =	ssyncset.done $0x0  }
0x133: {  	[sflag:s19] =	ssyncadd.s32 $0xFFFFF800  }
0x134: {  	_ =	swait.ge [sflag:s19], $0x800  }
0x135: {  	[sflag:s19] =	ssyncset.done $0x0  }
0x136: {  	[sflag:s19] =	ssyncadd.s32 $0xFFFFF800  }
0x137: {  	_ =	swait.ge [sflag:s19], $0x800  }
0x138: {  	[sflag:s19] =	ssyncset.done $0x0  }
0x139: {  	[sflag:s19] =	ssyncadd.s32 $0xFFFFF800  }
0x13a: {  	_ =	swait.ge [sflag:s26], $0x800  }
0x13b: {  	[sflag:s26] =	ssyncset.done $0x0  }
0x13c: {  	[sflag:s26] =	ssyncadd.s32 $0xFFFFF800  }
0x13d: {  	_ =	swait.ge [sflag:s26], $0x800  }
0x13e: {  	[sflag:s26] =	ssyncset.done $0x0  }
0x13f: {  	[sflag:s26] =	ssyncadd.s32 $0xFFFFF800  }
0x140: {  	_ =	swait.ge [sflag:s26], $0x800  }
0x141: {  	[sflag:s26] =	ssyncset.done $0x0  }
0x142: {  	[sflag:s26] =	ssyncadd.s32 $0xFFFFF800  }
0x143: {  	_ =	swait.ge [sflag:s26], $0x800  }
0x144: {  	[sflag:s26] =	ssyncset.done $0x0  }
0x145: {  	[sflag:s26] =	ssyncadd.s32 $0xFFFFF800  }
0x146: {  	_ =	swait.ge [sflag:s26], $0x800  }
0x147: {  	[sflag:s26] =	ssyncset.done $0x0  }
0x148: {  	[sflag:s26] =	ssyncadd.s32 $0xFFFFF800  }
0x149: {  	_ =	swait.ge [sflag:s26], $0x800  }
0x14a: {  	[sflag:s26] =	ssyncset.done $0x0  }
0x14b: {  	s29 =	simm.s32 $0xA8F0;
	[sflag:s26] =	ssyncadd.s32 $0xFFFFF800  }
0x14c: {  	v1 =	vld [tilespmem:s29+$0xFFFFFFC0]  }
0x14d: {  	s2 =	simm.s32 $0x48F0;
	v2 =	vld [tilespmem:s29+$0xFFFFE7C0]  }
0x14e: {  	v4 =	vld [tilespmem:s2+$0xFFFFFFC0]  }
0x14f: {  	v3 =	vld [tilespmem:s29+$0xFFFFFF70]  }
0x150: {  	v5 =	vld [tilespmem:s29+$0xFFFFE770]  }
0x151: {  	v6 =	vld [tilespmem:s2+$0xFFFFFF70]  }
0x152: {  	v7 =	vld [tilespmem:s29+$0xFFFFFFA0]  }
0x153: {  	v8 =	vld [tilespmem:s29+$0xFFFFE7A0]  }
0x154: {  	v9 =	vld [tilespmem:s2+$0xFFFFFFA0]  }
0x155: {  	v10 =	vld [tilespmem:s29+$0xFFFFFF50]  }
0x156: {  	v11 =	vld [tilespmem:s29+$0xFFFFE750]  }
0x157: {  	v12 =	vld [tilespmem:s2+$0xFFFFFF50]  }
0x158: {  	v13 =	vld [tilespmem:s29+$0xFFFFFF80]  }
0x159: {  	v14 =	vld [tilespmem:s29+$0xFFFFE780]  }
0x15a: {  	v15 =	vld [tilespmem:s2+$0xFFFFFF80]  }
0x15b: {  	v16 =	vld [tilespmem:s29+$0xFFFFFF30]  }
0x15c: {  	v17 =	vld [tilespmem:s29+$0xFFFFE730]  }
0x15d: {  	v18 =	vld [tilespmem:s2+$0xFFFFFF30]  }
0x15e: {  	v19 =	vld [tilespmem:s29+$0xFFFFFF60]  }
0x15f: {  	v20 =	vld [tilespmem:s29+$0xFFFFE760]  }
0x160: {  	v21 =	vld [tilespmem:s2+$0xFFFFFF60]  }
0x161: {  	v23 =	vld [tilespmem:s29+$0xFFFFFF40]  }
0x162: {  	v24 =	vld [tilespmem:s29+$0xFFFFE740]  }
0x163: {  	v25 =	vld [tilespmem:s2+$0xFFFFFF40]  }
0x164: {  	v26 =	vld [tilespmem:s2+$0xFFFFE740]  }
0x165: {  	v27 =	vld [tilespmem:s29+$0xFFFFFF20]  }
0x166: {  	v28 =	vld [tilespmem:s29+$0xFFFFE720]  }
0x167: {  	v29 =	vld [tilespmem:s2+$0xFFFFFF20]  }
0x168: {  	v30 =	vld [tilespmem:s2+$0xFFFFE720]  }
0x169: {  	v22 =	vld [tilespmem:s2+$0xFFFFE710];
	v5 =	vsub.bf16 v5, v3  }
0x16a: {  	v7 =	vsub.bf16 v8, v7;
	v3 =	vld [tilespmem:s29+$0xFFFFFF10];
	v8 =	vsub.bf16 v24, v23  }
0x16b: {  	v23 =	vsub.bf16 v26, v25;
	v24 =	vld [tilespmem:s29+$0xFFFFE710];
	v10 =	vsub.bf16 v11, v10  }
0x16c: {  	v25 =	vsub.bf16 v2, v1;
	v1 =	vld [tilespmem:s2+$0xFFFFFF10];
	v11 =	vsub.bf16 v14, v13  }
0x16d: {  	v13 =	vsub.bf16 v28, v27;
	v14 =	vsub.bf16 v30, v29;
	v26 =	vld [tilespmem:s2+$0xFFFFE730]  }
0x16e: {  	v16 =	vsub.bf16 v17, v16;
	v2 =	vsub.bf16 v23, v8;
	v8 =	vld [tilespmem:s2+$0xFFFFE760]  }
0x16f: {  	v17 =	vsub.bf16 v20, v19;
	v23 =	vimm.f32 $0.0e+00;
	v13 =	vsub.bf16 v14, v13;
	v14 =	vld [tilespmem:s2+$0xFFFFE750]  }
0x170: {  	v20 =	vld [tilespmem:s2+$0xFFFFE780];
	v19 =	vunpack.i.l.bf16.f32 v2;
	v2 =	vunpack.i.u.bf16.f32 v2;
	v3 =	vsub.bf16 v24, v3  }
0x171: {  	v31 =	vld [tilespmem:s2+$0xFFFFFFE0];
	v1 =	vsub.bf16 v22, v1;
	v24 =	vunpack.i.u.bf16.f32 v13;
	v13 =	vunpack.i.l.bf16.f32 v13  }
0x172: {  	v22 =	vmul.f32 v2, v2;
	v2 =	vld [tilespmem:s2+$0xFFFFE7A0];
	v18 =	vsub.bf16 v26, v18;
	v13 =	vmul.f32 v13, v13  }
0x173: {  	v33 =	vld [tilespmem:s2+$0xFFFFE7E0];
	v19 =	vmul.f32 v19, v19;
	v8 =	vsub.bf16 v8, v21;
	v1 =	vsub.bf16 v1, v3  }
0x174: {  	v30 =	vld [tilespmem:s29+$0xFFFFFFE0];
	v24 =	vmul.f32 v24, v24;
	v12 =	vsub.bf16 v14, v12;
	v29 =	vadd.f32 v13, v23  }
0x175: {  	v21 =	vld [tilespmem:s2+$0xFFFFE770];
	v3 =	vsub.bf16 v8, v17;
	v8 =	vsub.bf16 v20, v15;
	v17 =	vunpack.i.u.bf16.f32 v1  }
0x176: {  	v14 =	vld [tilespmem:s29+$0xFFFFE7F0];
	v1 =	vunpack.i.l.bf16.f32 v1;
	v10 =	vsub.bf16 v12, v10;
	v12 =	vadd.f32 v24, v23  }
0x177: {  	v15 =	vld [tilespmem:s29+$0xFFFFFFF0];
	v9 =	vsub.bf16 v2, v9;
	v27 =	vmul.f32 v1, v1;
	v19 =	vadd.f32 v19, v29  }
0x178: {  	v26 =	vld [tilespmem:s2+$0xFFFFE7C0];
	v20 =	vunpack.i.u.bf16.f32 v3;
	v3 =	vunpack.i.l.bf16.f32 v3;
	v13 =	vunpack.i.u.bf16.f32 v10  }
0x179: {  	v2 =	vld [tilespmem:s2+$0xFFFFFFF0];
	v24 =	vunpack.i.l.bf16.f32 v10;
	v22 =	vadd.f32 v22, v12;
	v8 =	vsub.bf16 v8, v11  }
0x17a: {  	v12 =	vld [tilespmem:s2+$0xFFFFFF90];
	v28 =	vmul.f32 v3, v3;
	v20 =	vmul.f32 v20, v20;
	v7 =	vsub.bf16 v9, v7  }
0x17b: {  	v3 =	vld [tilespmem:s2+$0xFFFFE7F0];
	v6 =	vsub.bf16 v21, v6;
	v13 =	vmul.f32 v13, v13;
	v34 =	vunpack.i.u.bf16.f32 v8  }
0x17c: {  	v9 =	vld [tilespmem:s29+$0x0];
	v10 =	vunpack.i.u.bf16.f32 v7;
	v1 =	vsub.bf16 v14, v15;
	v14 =	vsub.bf16 v18, v16  }
0x17d: {  	v21 =	vld [tilespmem:s29+$0xFFFFE800];
	v7 =	vunpack.i.l.bf16.f32 v7;
	v18 =	vsub.bf16 v26, v4;
	v4 =	vmul.f32 v24, v24  }
0x17e: {  	v26 =	vld [tilespmem:s29+$0xFFFFE7E0];
	v5 =	vsub.bf16 v6, v5;
	v24 =	vmul.f32 v17, v17;
	v29 =	vmul.f32 v34, v34  }
0x17f: {  	v16 =	vld [tilespmem:s2+$0x0];
	v11 =	vmul.f32 v7, v7;
	v15 =	vunpack.i.u.bf16.f32 v14;
	v32 =	vunpack.i.l.bf16.f32 v14  }
0x180: {  	v6 =	vunpack.i.u.bf16.f32 v5;
	v14 =	vadd.f32 v27, v23;
	v35 =	vsub.bf16 v18, v25;
	v18 =	vld [tilespmem:s2+$0xFFFFE800]  }
0x181: {  	v7 =	vunpack.i.l.bf16.f32 v5;
	v25 =	vadd.f32 v20, v22;
	v27 =	vadd.f32 v24, v23;
	v22 =	vld [tilespmem:s29+$0xFFFFE790]  }
0x182: {  	v20 =	vsub.bf16 v33, v31;
	v17 =	vmul.f32 v15, v15;
	v15 =	vld [tilespmem:s2+$0xFFFFE790];
	v5 =	vsub.bf16 v21, v9  }
0x183: {  	v9 =	vunpack.i.l.bf16.f32 v8;
	v6 =	vmul.f32 v6, v6;
	v7 =	vmul.f32 v7, v7;
	v8 =	vld [tilespmem:s29+$0xFFFFFFD0]  }
0x184: {  	v21 =	vld [tilespmem:s29+$0xFFFFFF90];
	v23 =	vmul.f32 v32, v32;
	v24 =	vmul.f32 v9, v9;
	v9 =	vsub.bf16 v26, v30  }
0x185: {  	s15 =	simm.s32 $0x0;
	s14 =	simm.s32 $0xA8F0;
	s13 =	simm.s32 $0x48F0;
	v26 =	vunpack.i.l.bf16.f32 v35;
	v30 =	vadd.f32 v28, v19;
	v19 =	vld [tilespmem:s29+$0xFFFFFFB0];
	v28 =	vunpack.i.u.bf16.f32 v35  }
.LBB2_5:
0x186: {  	s15 =	sadd.s32 $0x2, s15;
	v17 =	vadd.f32 v17, v27;
	v25 =	vadd.f32 v29, v25;
	v10 =	vmul.f32 v10, v10;
	v27 =	vld [tilespmem:s29+$0xFFFFE7B0];
	s2 =	sadd.s32 $0x100, s2;
	s14 =	sadd.s32 $0x100, s14  }
0x187: {  	v12 =	vsub.bf16 v15, v12;
	v26 =	vmul.f32 v26, v26;
	p1 =	slt.u32 s15, $0x2E;
	v24 =	vadd.f32 v24, v30;
	v15 =	vld [tilespmem:s13+$0xFFFFFFB0]  }
0x188: {  	v28 =	vmul.f32 v28, v28;
	v16 =	vsub.bf16 v18, v16;
	v10 =	vadd.f32 v10, v25;
	v25 =	vld [tilespmem:s13+$0xFFFFE7B0]  }
0x189: {  	v18 =	vsub.bf16 v22, v21;
	v11 =	vadd.f32 v11, v24;
	v21 =	vld [tilespmem:s13+$0xFFFFFFD0]  }
0x18a: {  	v14 =	vadd.f32 v23, v14;
	v13 =	vadd.f32 v13, v17;
	v17 =	vld [tilespmem:s13+$0xFFFFE7D0];
	s13 =	smov.u32 s2  }
0x18b: {  	v9 =	vsub.bf16 v20, v9;
	v11 =	vadd.f32 v26, v11;
	v22 =	vld [tilespmem:s29+$0xFFFFE7D0];
	s29 =	smov.u32 s14  }
0x18c: {  	v16 =	vsub.bf16 v16, v5;
	v10 =	vadd.f32 v28, v10;
	v20 =	vld [tilespmem:s14+$0xFFFFFFC0]  }
0x18d: {  	v24 =	vunpack.i.u.bf16.f32 v9;
	v9 =	vunpack.i.l.bf16.f32 v9;
	v19 =	vsub.bf16 v27, v19;
	v23 =	vld [tilespmem:s14+$0xFFFFE7C0]  }
0x18e: {  	v12 =	vsub.bf16 v12, v18;
	v18 =	vunpack.i.u.bf16.f32 v16;
	v16 =	vunpack.i.l.bf16.f32 v16;
	v5 =	vld [tilespmem:s2+$0xFFFFFFC0]  }
0x18f: {  	v13 =	vadd.f32 v6, v13;
	v16 =	vmul.f32 v16, v16;
	v26 =	vld [tilespmem:s14+$0xFFFFFF70];
	v17 =	vsub.bf16 v17, v21  }
0x190: {  	v18 =	vmul.f32 v18, v18;
	v27 =	vunpack.i.l.bf16.f32 v12;
	v15 =	vsub.bf16 v25, v15;
	v21 =	vld [tilespmem:s14+$0xFFFFE770]  }
0x191: {  	v12 =	vunpack.i.u.bf16.f32 v12;
	v25 =	vmul.f32 v27, v27;
	v8 =	vsub.bf16 v22, v8;
	v6 =	vld [tilespmem:s2+$0xFFFFFF70]  }
0x192: {  	v4 =	vadd.f32 v4, v14;
	v12 =	vmul.f32 v12, v12;
	v14 =	vsub.bf16 v15, v19;
	v22 =	vld [tilespmem:s14+$0xFFFFFFA0]  }
0x193: {  	v3 =	vsub.bf16 v3, v2;
	v8 =	vsub.bf16 v17, v8;
	v15 =	vld [tilespmem:s14+$0xFFFFE7A0]  }
0x194: {  	v4 =	vadd.f32 v7, v4;
	v12 =	vadd.f32 v12, v13;
	v13 =	vunpack.i.l.bf16.f32 v14;
	v2 =	vld [tilespmem:s2+$0xFFFFFFA0]  }
0x195: {  	v9 =	vmul.f32 v9, v9;
	v19 =	vunpack.i.l.bf16.f32 v8;
	v17 =	vld [tilespmem:s14+$0xFFFFFF50];
	v7 =	vsub.bf16 v21, v26  }
0x196: {  	v24 =	vmul.f32 v24, v24;
	v13 =	vmul.f32 v13, v13;
	v8 =	vunpack.i.u.bf16.f32 v8;
	v21 =	vld [tilespmem:s14+$0xFFFFE750]  }
0x197: {  	v9 =	vadd.f32 v9, v11;
	v4 =	vadd.f32 v25, v4;
	v19 =	vmul.f32 v19, v19;
	v26 =	vld [tilespmem:s2+$0xFFFFFF50]  }
0x198: {  	v1 =	vsub.bf16 v3, v1;
	v14 =	vunpack.i.u.bf16.f32 v14;
	v11 =	vld [tilespmem:s14+$0xFFFFFF80];
	v15 =	vsub.bf16 v15, v22  }
0x199: {  	v10 =	vadd.f32 v24, v10;
	v14 =	vmul.f32 v14, v14;
	v22 =	vmul.f32 v8, v8;
	v3 =	vld [tilespmem:s14+$0xFFFFE780]  }
0x19a: {  	v16 =	vadd.f32 v16, v9;
	v4 =	vadd.f32 v13, v4;
	v13 =	vunpack.i.l.bf16.f32 v1;
	v24 =	vld [tilespmem:s2+$0xFFFFFF80]  }
0x19b: {  	v9 =	vadd.f32 v14, v12;
	v1 =	vunpack.i.u.bf16.f32 v1;
	v25 =	vld [tilespmem:s14+$0xFFFFFF30];
	v17 =	vsub.bf16 v21, v17  }
0x19c: {  	v13 =	vmul.f32 v13, v13;
	v4 =	vadd.f32 v19, v4;
	v8 =	vsub.bf16 v23, v20;
	v12 =	vld [tilespmem:s14+$0xFFFFE730]  }
0x19d: {  	v10 =	vadd.f32 v18, v10;
	v1 =	vmul.f32 v1, v1;
	v9 =	vadd.f32 v22, v9;
	v14 =	vld [tilespmem:s2+$0xFFFFFF30]  }
0x19e: {  	v13 =	vadd.f32 v13, v4;
	v18 =	vld [tilespmem:s14+$0xFFFFFF60];
	v11 =	vsub.bf16 v3, v11  }
0x19f: {  	v9 =	vadd.f32 v1, v9;
	v3 =	vld [tilespmem:s14+$0xFFFFE760]  }
0x1a0: {  	v1 =	vld [tilespmem:s2+$0xFFFFFF60]  }
0x1a1: {  	v4 =	vld [tilespmem:s2+$0xFFFFE710];
	v12 =	vsub.bf16 v12, v25  }
0x1a2: {  	v19 =	vld [tilespmem:s14+$0xFFFFFF40]  }
0x1a3: {  	v20 =	vld [tilespmem:s14+$0xFFFFE740]  }
0x1a4: {  	v21 =	vld [tilespmem:s2+$0xFFFFFF40];
	v3 =	vsub.bf16 v3, v18  }
0x1a5: {  	v18 =	vld [tilespmem:s2+$0xFFFFE740]  }
0x1a6: {  	v22 =	vld [tilespmem:s14+$0xFFFFFF20]  }
0x1a7: {  	v23 =	vld [tilespmem:s14+$0xFFFFE720]  }
0x1a8: {  	v25 =	vld [tilespmem:s2+$0xFFFFFF20];
	v19 =	vsub.bf16 v20, v19  }
0x1a9: {  	v20 =	vld [tilespmem:s2+$0xFFFFE720]  }
0x1aa: {  	v27 =	vld [tilespmem:s14+$0xFFFFFF10];
	v18 =	vsub.bf16 v18, v21  }
0x1ab: {  	v21 =	vld [tilespmem:s14+$0xFFFFE710]  }
0x1ac: {  	v28 =	vld [tilespmem:s2+$0xFFFFFF10];
	v22 =	vsub.bf16 v23, v22;
	v18 =	vsub.bf16 v18, v19  }
0x1ad: {  	v19 =	vld [tilespmem:s2+$0xFFFFE760]  }
0x1ae: {  	v20 =	vsub.bf16 v20, v25;
	v23 =	vld [tilespmem:s2+$0xFFFFE730];
	v25 =	vunpack.i.u.bf16.f32 v18;
	v18 =	vunpack.i.l.bf16.f32 v18  }
0x1af: {  	v29 =	vmul.f32 v18, v18;
	v18 =	vld [tilespmem:s2+$0xFFFFE780]  }
0x1b0: {  	v21 =	vsub.bf16 v21, v27;
	v20 =	vsub.bf16 v20, v22;
	v22 =	vld [tilespmem:s2+$0xFFFFE750]  }
0x1b1: {  	v25 =	vmul.f32 v25, v25;
	v4 =	vsub.bf16 v4, v28;
	v27 =	vld [tilespmem:s2+$0xFFFFE7A0]  }
0x1b2: {  	v28 =	vunpack.i.u.bf16.f32 v20;
	v20 =	vunpack.i.l.bf16.f32 v20;
	v1 =	vsub.bf16 v19, v1;
	v19 =	vld [tilespmem:s2+$0xFFFFE770]  }
0x1b3: {  	v4 =	vsub.bf16 v4, v21;
	v21 =	vmul.f32 v28, v28;
	v14 =	vsub.bf16 v23, v14;
	v23 =	vld [tilespmem:s2+$0xFFFFE7C0]  }
0x1b4: {  	v20 =	vmul.f32 v20, v20;
	v1 =	vsub.bf16 v1, v3;
	v18 =	vsub.bf16 v18, v24;
	v24 =	vld [tilespmem:s14+$0xFFFFFFF0]  }
0x1b5: {  	v28 =	vunpack.i.u.bf16.f32 v4;
	v4 =	vunpack.i.l.bf16.f32 v4;
	v3 =	vsub.bf16 v22, v26;
	v22 =	vld [tilespmem:s14+$0xFFFFE7F0]  }
0x1b6: {  	v26 =	vunpack.i.u.bf16.f32 v1;
	v1 =	vunpack.i.l.bf16.f32 v1;
	v27 =	vsub.bf16 v27, v2;
	v2 =	vld [tilespmem:s2+$0xFFFFFFF0]  }
0x1b7: {  	v17 =	vsub.bf16 v3, v17;
	v30 =	vmul.f32 v1, v1;
	v26 =	vmul.f32 v26, v26;
	v3 =	vld [tilespmem:s2+$0xFFFFE7F0]  }
0x1b8: {  	v20 =	vadd.f32 v20, v16;
	v31 =	vmul.f32 v4, v4;
	v4 =	vsub.bf16 v27, v15;
	v16 =	vld [tilespmem:s14+$0x0]  }
0x1b9: {  	v6 =	vsub.bf16 v19, v6;
	v15 =	vadd.f32 v21, v10;
	v21 =	vunpack.i.u.bf16.f32 v17;
	v19 =	vld [tilespmem:s14+$0xFFFFE800]  }
0x1ba: {  	v17 =	vunpack.i.l.bf16.f32 v17;
	v10 =	vunpack.i.u.bf16.f32 v4;
	v32 =	vld [tilespmem:s14+$0xFFFFFFE0];
	v1 =	vsub.bf16 v22, v24  }
0x1bb: {  	v14 =	vsub.bf16 v14, v12;
	v23 =	vsub.bf16 v23, v5;
	v22 =	vunpack.i.l.bf16.f32 v4;
	v33 =	vld [tilespmem:s14+$0xFFFFE7E0]  }
0x1bc: {  	v18 =	vsub.bf16 v18, v11;
	v24 =	vadd.f32 v25, v15;
	v4 =	vmul.f32 v17, v17;
	v34 =	vld [tilespmem:s2+$0xFFFFFFE0]  }
0x1bd: {  	v5 =	vunpack.i.u.bf16.f32 v14;
	v6 =	vsub.bf16 v6, v7;
	v11 =	vmul.f32 v22, v22;
	v12 =	vld [tilespmem:s2+$0xFFFFFF90]  }
0x1be: {  	v17 =	vmul.f32 v5, v5;
	v22 =	vmul.f32 v28, v28;
	v28 =	vunpack.i.l.bf16.f32 v14;
	v15 =	vld [tilespmem:s2+$0xFFFFE790]  }
0x1bf: {  	v7 =	vunpack.i.u.bf16.f32 v6;
	v27 =	vunpack.i.l.bf16.f32 v6;
	v5 =	vsub.bf16 v19, v16;
	v35 =	vld [tilespmem:s2+$0xFFFFE7E0]  }
0x1c0: {  	v14 =	vadd.f32 v31, v13;
	v13 =	vmul.f32 v21, v21;
	v19 =	vunpack.i.l.bf16.f32 v18;
	v16 =	vld [tilespmem:s2+$0x0]  }
.Ltmp3:
0x1c1: {  	v36 =	vsub.bf16 v23, v8;
	v31 =	vunpack.i.u.bf16.f32 v18;
	v6 =	vmul.f32 v7, v7;
	v18 =	vld [tilespmem:s2+$0xFFFFE800];
	(pc) =	sbr.rel @p1 .LBB2_5-.Ltmp3, $4  }
0x1c2: {  	v37 =	vadd.f32 v29, v20;
	v25 =	vadd.f32 v26, v24;
	v7 =	vmul.f32 v27, v27;
	v8 =	vld [tilespmem:s14+$0xFFFFFFD0]  }
0x1c3: {  	v27 =	vadd.f32 v22, v9;
	v24 =	vmul.f32 v19, v19;
	v9 =	vsub.bf16 v33, v32;
	v21 =	vld [tilespmem:s14+$0xFFFFFF90]  }
0x1c4: {  	v29 =	vmul.f32 v31, v31;
	v26 =	vunpack.i.l.bf16.f32 v36;
	v22 =	vld [tilespmem:s14+$0xFFFFE790];
	v20 =	vsub.bf16 v35, v34  }
0x1c5: {  	v30 =	vadd.f32 v30, v37;
	v23 =	vmul.f32 v28, v28;
	v28 =	vunpack.i.u.bf16.f32 v36;
	v19 =	vld [tilespmem:s14+$0xFFFFFFB0]  }
0x1c6: {  	v25 =	vadd.f32 v29, v25;
	v38 =	vld [tilespmem:s29+$0xFFFFE7B0];
	v17 =	vadd.f32 v17, v27  }
0x1c7: {  	v39 =	vld [tilespmem:s13+$0xFFFFFFB0];
	v12 =	vsub.bf16 v15, v12;
	v16 =	vsub.bf16 v18, v16  }
0x1c8: {  	v10 =	vmul.f32 v10, v10;
	v40 =	vld [tilespmem:s13+$0xFFFFE7B0];
	v9 =	vsub.bf16 v20, v9;
	v2 =	vsub.bf16 v3, v2  }
0x1c9: {  	v42 =	vld [tilespmem:s13+$0xFFFFFFD0];
	v24 =	vadd.f32 v24, v30;
	v14 =	vadd.f32 v23, v14  }
0x1ca: {  	v41 =	vmul.f32 v26, v26;
	v44 =	vld [tilespmem:s13+$0xFFFFE7D0];
	v10 =	vadd.f32 v10, v25;
	v13 =	vadd.f32 v13, v17  }
0x1cb: {  	v43 =	vmul.f32 v28, v28;
	v45 =	vld [tilespmem:s29+$0xFFFFE7D0];
	v5 =	vsub.bf16 v16, v5;
	v1 =	vsub.bf16 v2, v1  }
0x1cc: {  	v47 =	vunpack.i.u.bf16.f32 v9;
	v11 =	vadd.f32 v11, v24;
	v21 =	vsub.bf16 v22, v21  }
0x1cd: {  	v9 =	vunpack.i.l.bf16.f32 v9;
	v4 =	vadd.f32 v4, v14;
	v10 =	vadd.f32 v43, v10  }
0x1ce: {  	v9 =	vmul.f32 v9, v9;
	v6 =	vadd.f32 v6, v13;
	v46 =	vsub.bf16 v38, v19  }
0x1cf: {  	v48 =	vunpack.i.u.bf16.f32 v5;
	v12 =	vsub.bf16 v12, v21;
	v15 =	vsub.bf16 v40, v39  }
0x1d0: {  	v5 =	vunpack.i.l.bf16.f32 v5;
	v49 =	vsub.bf16 v44, v42;
	v8 =	vsub.bf16 v45, v8  }
0x1d1: {  	v50 =	vunpack.i.l.bf16.f32 v12;
	v12 =	vunpack.i.u.bf16.f32 v12;
	v51 =	vsub.bf16 v15, v46  }
0x1d2: {  	v58 =	vunpack.i.l.bf16.f32 v1;
	v8 =	vsub.bf16 v49, v8;
	v12 =	vmul.f32 v12, v12  }
0x1d3: {  	v3 =	vadd.f32 v7, v4;
	v52 =	vmul.f32 v50, v50;
	v54 =	vunpack.i.l.bf16.f32 v51  }
0x1d4: {  	v55 =	vunpack.i.l.bf16.f32 v8;
	v56 =	vunpack.i.u.bf16.f32 v51;
	v53 =	vadd.f32 v12, v6  }
0x1d5: {  	v6 =	vmul.f32 v54, v54;
	v3 =	vadd.f32 v52, v3;
	v12 =	vmul.f32 v56, v56  }
0x1d6: {  	v1 =	vunpack.i.u.bf16.f32 v1;
	v8 =	vunpack.i.u.bf16.f32 v8;
	v7 =	vmul.f32 v55, v55  }
0x1d7: {  	v57 =	vmul.f32 v8, v8;
	v2 =	vadd.f32 v6, v3;
	v4 =	vadd.f32 v12, v53  }
0x1d8: {  	v11 =	vadd.f32 v41, v11;
	v59 =	vmul.f32 v58, v58;
	v3 =	vmul.f32 v47, v47  }
0x1d9: {  	v1 =	vmul.f32 v1, v1;
	v2 =	vadd.f32 v7, v2;
	v4 =	vadd.f32 v57, v4  }
0x1da: {  	v61 =	vld [tilespmem:$0x11400];
	v5 =	vmul.f32 v5, v5;
	v60 =	vadd.f32 v9, v11;
	v3 =	vadd.f32 v3, v10  }
0x1db: {  	v62 =	vmul.f32 v48, v48;
	v2 =	vadd.f32 v59, v2;
	v1 =	vadd.f32 v1, v4  }
0x1dc: {  	v63 =	vadd.f32 v5, v60  }
0x1dd: {  	v3 =	vadd.f32 v62, v3;
	v1 =	vadd.f32 v1, v2;
	_ =	sdelay $0x1  }
.Ltmp4:
0x1de: {  	v2 =	vadd.f32 v3, v63;
	v1 =	vadd.f32 v61, v1;
	(pc) =	sbr.rel @p0 .LBB2_8-.Ltmp4, $3  }
0x1df: {  	_ = 	snop  }
0x1e0: {  	v1 =	vadd.f32 v1, v2;
	_ =	sdelay $0x1  }
0x1e1: {  	[tilespmem:$0x11400] =	vst v1  }
0x1e2: {  	s2 =	sadd.s32 $0xC300, s23  }
0x1e3: {  	[tilespmem:s0], [sflag:$0x2] =	stream.indirect.gather [hbm4b:s3+s16], $0x80, s2, s16, $0xb8;
	[tilespmem:$0x11480] =	vst v63  }
0x1e4: {  	_ = 	snop  }
0x1e5: {  	[tilespmem:s1], [sflag:$0x2] =	stream.indirect.gather [hbm4b:s4+s16], $0x80, s2, s16, $0xb8;
	[tilespmem:$0x11480] =	vst v63  }
0x1e6: {  	_ = 	snop  }
0x1e7: {  	[tilespmem:s17], [sflag:$0x2] =	stream.indirect.gather [hbm4b:s5+s16], $0x80, s2, s16, $0xb8;
	[tilespmem:$0x11480] =	vst v63  }
0x1e8: {  	s14 =	sadd.s32 $0xC380, s23  }
0x1e9: {  	[tilespmem:s20], [sflag:$0x2] =	stream.indirect.gather [hbm4b:s3+s16], $0x80, s14, s16, $0xb8;
	[tilespmem:$0x11480] =	vst v63  }
0x1ea: {  	_ = 	snop  }
0x1eb: {  	[tilespmem:s21], [sflag:$0x2] =	stream.indirect.gather [hbm4b:s4+s16], $0x80, s14, s16, $0xb8;
	[tilespmem:$0x11480] =	vst v63  }
0x1ec: {  	_ = 	snop  }
0x1ed: {  	[tilespmem:s22], [sflag:$0x2] =	stream.indirect.gather [hbm4b:s5+s16], $0x80, s14, s16, $0xb8;
	[tilespmem:$0x11480] =	vst v63  }
0x1ee: {  	s15 =	sadd.s32 $0xED00, s23  }
0x1ef: {  	[tilespmem:s24], [sflag:$0x4] =	stream.indirect.gather [hbm4b:s6+s16], $0x80, s15, s16, $0xb8;
	[tilespmem:$0x11480] =	vst v63  }
0x1f0: {  	_ = 	snop  }
0x1f1: {  	[tilespmem:s25], [sflag:$0x4] =	stream.indirect.gather [hbm4b:s7+s16], $0x80, s15, s16, $0xb8;
	[tilespmem:$0x11480] =	vst v63  }
0x1f2: {  	_ = 	snop  }
0x1f3: {  	[tilespmem:s28], [sflag:$0x4] =	stream.indirect.gather [hbm4b:s8+s16], $0x80, s15, s16, $0xb8;
	[tilespmem:$0x11480] =	vst v63  }
0x1f4: {  	s29 =	sadd.s32 $0xED80, s23  }
0x1f5: {  	[tilespmem:s30], [sflag:$0x4] =	stream.indirect.gather [hbm4b:s6+s16], $0x80, s29, s16, $0xb8;
	[tilespmem:$0x11480] =	vst v63  }
.Ltmp5:
0x1f6: {  	_ = 	snop;
	(pc) =	sbr.rel .LBB2_2-.Ltmp5, $4  }
0x1f7: {  	_ = 	snop  }
0x1f8: {  	[tilespmem:s9], [sflag:$0x4] =	stream.indirect.gather [hbm4b:s7+s16], $0x80, s29, s16, $0xb8;
	[tilespmem:$0x11480] =	vst v63  }
0x1f9: {  	s18 =	sadd.s32 $0x1, s18  }
0x1fa: {  	[tilespmem:s10], [sflag:$0x4] =	stream.indirect.gather [hbm4b:s8+s16], $0x80, s29, s16, $0xb8;
	[tilespmem:$0x11480] =	vst v63  }
.LBB2_9:
0x1fb: {  	_ =	sfence.sel $0x180000  }
0x1fc: {  	[bflag:$0x0] =	sbarrier.arrive $0xFFFF  }
0x1fd: {  	_ =	strace $0x90000047  }
0x1fe: {  	s0 =	stileid.u32;
	[bflag:$0x2] =	sbarrier.arrive $0xFFFF  }
0x1ff: {  	p0 =	sne.s32 s0, $0x0;
	s0 =	rddreg [dreg:$0x1]  }
0x200: {  	s0 =	sadd.s32 @!p0 $0x100000, s0  }
0x201: {  	[sflag:s0] =	ssyncadd.tile.s32 @!p0 $0x1;
	_ =	shalt  }
.Lfunc_end2:
_tile_overlayer_lowered:
.L_overlay_start_2:
0x202: {  	(tag) =	ssettag $0x2  }
0x203: {  	s0 =	rddreg [dreg:$0x0];
	s2 =	stileid.u32  }
0x204: {  	s1 =	rddreg [dreg:$0x1];
	p0 =	sne.s32 s2, $0x0  }
0x205: {  	s3 =	rddreg [dreg:$0x2];
	[bflag:$0x3] =	sbarrier.arrive $0xFFFF;
	s2 =	simm.s32 @!p0 $0x1C05  }
0x206: {  	[timem:s3], [sflag:s2] =	dma.local @!p0 [hbm:s0], s1  }
0x207: {  	s0 =	simm.s32 @!p0 $0x5  }
0x208: {  	_ =	swait.ge @!p0 [sflag:s0], s1  }
0x209: {  	s1 =	ssub.s32 @!p0 $0x0, s1;
	[sflag:s0] =	ssyncset.done @!p0 $0x0  }
0x20a: {  	[sflag:s0] =	ssyncadd.s32 @!p0 s1  }
0x20b: {  	[bflag:$0x3] =	sbarrier.arrive $0xFFFF  }
0x20c: {  	_ =	shalt  }

</sc_bundles>
